<compile_context>
chip_gen: v7x
topology: tpu7x:2x2x1
jax: 0.10.2.dev20260603
libtpu: 0.0.44.dev20260713+nightly
codegen_flags: <defaults>
</compile_context>

<pallas_src>
import functools

import jax
import jax.numpy as jnp
from jax import lax
from jax.experimental import pallas as pl
from jax.experimental.pallas import tpu as pltpu
from jax.experimental.pallas import tpu_sc as plsc

_D = 64
_B = 16384
_NC = 2
_NS = 16
_NW = _NC * _NS
_L = 16
_K = 128
_PW = _B // _NW
_NCHUNK = _PW // _K


def _sqrt16(x):
    i = plsc.bitcast(x, jnp.int32)
    y = plsc.bitcast((i >> 1) + jnp.int32(0x1FBD1DF5), jnp.float32)
    y = 0.5 * (y + x / y)
    y = 0.5 * (y + x / y)
    return y


def _body(i0_hbm, i1_hbm, i2_hbm, cls_hbm, rel_hbm, out_hbm,
          i0_a, i1_a, i2_a, c_a, r_a, d_a,
          i0_b, i1_b, i2_b, c_b, r_b, d_b,
          o_v, sem_a, sem_b):
    wid = lax.axis_index("s") * _NC + lax.axis_index("c")
    base = wid * _PW


    lanes = lax.iota(jnp.int32, _L)
    bufs = [(i0_a, i1_a, i2_a, c_a, r_a, d_a, sem_a),
            (i0_b, i1_b, i2_b, c_b, r_b, d_b, sem_b)]

    def issue(buf, chunk):
        i0_v, i1_v, i2_v, c_v, r_v, d_v, sem = buf
        cb = base + chunk * _K
        pltpu.sync_copy(i0_hbm.at[pl.ds(cb, _K)], i0_v)
        pltpu.sync_copy(i1_hbm.at[pl.ds(cb, _K)], i1_v)
        pltpu.sync_copy(i2_hbm.at[pl.ds(cb, _K)], i2_v)
        return (pltpu.async_copy(cls_hbm.at[i0_v], c_v, sem),
                pltpu.async_copy(rel_hbm.at[i1_v], r_v, sem),
                pltpu.async_copy(cls_hbm.at[i2_v], d_v, sem))

    def compute(buf, chunk):
        _, _, _, c_v, r_v, d_v, _ = buf

        def group_body(g, _):
            rows = lanes + g * _L
            zero = jnp.zeros((_L,), jnp.float32)
            acc = [zero] * 6
            for j in range(8):
                jlo = lanes ^ j
                jhi = jlo + _D
                c1 = plsc.load_gather(c_v, [rows, jlo])
                c2 = plsc.load_gather(c_v, [rows, jhi])
                d1 = plsc.load_gather(d_v, [rows, jlo])
                d2 = plsc.load_gather(d_v, [rows, jhi])
                r1 = plsc.load_gather(r_v, [rows, jlo])
                r2 = plsc.load_gather(r_v, [rows, jhi])
                t = (jnp.abs(c1 - d1 - r1) + jnp.abs(c2) + jnp.abs(d2)
                     - jnp.abs(r2))
                t = jnp.maximum(t, 0.0)
                p = j % 2
                acc[p] = acc[p] + t * t
                acc[2 + p] = acc[2 + p] + c1 * c1
                acc[4 + p] = acc[4 + p] + d1 * d1
            res = (_sqrt16(acc[0] + acc[1])
                   + jnp.abs(_sqrt16(acc[2] + acc[3]) - 1.0)
                   + jnp.abs(_sqrt16(acc[4] + acc[5]) - 1.0))
            o_v[pl.ds(chunk * _K + g * _L, _L)] = res
            return 0

        lax.fori_loop(0, _K // _L, group_body, 0)

    copies = issue(bufs[0], 0)
    for chunk in range(_NCHUNK):
        if chunk + 1 < _NCHUNK:
            next_copies = issue(bufs[(chunk + 1) % 2], chunk + 1)
        for cp in copies:
            cp.wait()
        compute(bufs[chunk % 2], chunk)
        if chunk + 1 < _NCHUNK:
            copies = next_copies

    pltpu.sync_copy(o_v, out_hbm.at[pl.ds(base, _PW)])


_mesh = plsc.VectorSubcoreMesh(core_axis_name="c", subcore_axis_name="s")

_dbuf = [
    pltpu.VMEM((_K,), jnp.int32),
    pltpu.VMEM((_K,), jnp.int32),
    pltpu.VMEM((_K,), jnp.int32),
    pltpu.VMEM((_K, 2 * _D), jnp.float32),
    pltpu.VMEM((_K, 2 * _D), jnp.float32),
    pltpu.VMEM((_K, 2 * _D), jnp.float32),
]

_tb = functools.partial(
    pl.kernel,
    out_type=jax.ShapeDtypeStruct((_B,), jnp.float32),
    mesh=_mesh,
    scratch_types=_dbuf + _dbuf + [
        pltpu.VMEM((_PW,), jnp.float32),
        pltpu.SemaphoreType.DMA,
        pltpu.SemaphoreType.DMA,
    ],
    compiler_params=pltpu.CompilerParams(needs_layout_passes=False),
)(_body)


@jax.jit
def kernel(input, class_emb, rel_emb):
    idx = input.astype(jnp.int32)
    out = _tb(idx[:, 0], idx[:, 1], idx[:, 2], class_emb, rel_emb)
    return out.reshape(_B, 1)

# --- scband reference (transcript-rebuilt; emitter-appended) ---
"""Pipeline reference for scband-trans-box-11605001634351 (READ-ONLY COPY).

The authoritative reference and input builder live on the scoring server;
editing this copy changes nothing except your own understanding.
"""

import jax, jax.numpy as jnp
import numpy as np

EMBED_DIM = 64
NUM_CLASSES = 1000
NUM_RELATIONS = 1000
BATCH = 16384
MARGIN = 0.0


def _norm_rows(w):
    return w / jnp.linalg.norm(w, axis=1, keepdims=True)


def setup_inputs(seed: int = 0):
    key = jax.random.key(seed)
    k1, k2, k3 = jax.random.split(key, 3)
    idx = jax.random.randint(k1, (BATCH, 3), 0, NUM_CLASSES)
    class_emb = _norm_rows(jax.random.uniform(k2, (NUM_CLASSES, EMBED_DIM * 2), minval=-1.0, maxval=1.0, dtype=jnp.float32))
    rel_emb = _norm_rows(jax.random.uniform(k3, (NUM_RELATIONS, EMBED_DIM * 2), minval=-1.0, maxval=1.0, dtype=jnp.float32))
    return {"input": idx, "class_emb": class_emb, "rel_emb": rel_emb}


def _reg(x):
    return jnp.abs(jnp.linalg.norm(x, axis=1) - 1.0).reshape(-1, 1)


def _nf3(class_emb, rel_emb, idx):
    d = EMBED_DIM
    c = jnp.take(class_emb, idx[:, 0], axis=0)
    r = jnp.take(rel_emb, idx[:, 1], axis=0)
    dd = jnp.take(class_emb, idx[:, 2], axis=0)
    c1 = c[:, :d]
    c2 = c[:, d:]
    d1 = dd[:, :d]
    d2 = dd[:, d:]
    r1 = r[:, :d]
    r2 = r[:, d:]
    cr = jnp.abs(c2)
    dr = jnp.abs(d2)
    rr = jnp.abs(r2)
    cen1 = c1 - d1
    euc = jnp.abs(cen1 - r1)
    dst = jnp.linalg.norm(jax.nn.relu(euc + cr + dr - rr - MARGIN), axis=1).reshape(-1, 1)
    return dst + _reg(c1) + _reg(d1)


def reference(input, class_emb, rel_emb):
    # nf3Loss path (enhance=True, use_bias=False): gather class boxes for
    # columns 0 and 2, relation box for column 1, then box containment loss.
    return _nf3(class_emb, rel_emb, input)

if __name__ == "__main__":
    import jax
    _d = setup_inputs()
    print(jax.jit(kernel)(*tuple(_d.values())))

</pallas_src>

<mosaic_0001>
#map = affine_map<(d0, d1) -> (0)>
#map1 = affine_map<(d0, d1) -> (0, 0)>
module attributes {stable_mosaic.version = 14 : i64} {
  func.func @_body(%arg0: i32, %arg1: i32, %arg2: memref<16384xi32, #tpu.memory_space<hbm>>, %arg3: memref<16384xi32, #tpu.memory_space<hbm>>, %arg4: memref<16384xi32, #tpu.memory_space<hbm>>, %arg5: memref<1000x128xf32, #tpu.memory_space<hbm>>, %arg6: memref<1000x128xf32, #tpu.memory_space<hbm>>, %arg7: memref<16384xf32, #tpu.memory_space<hbm>>, %arg8: memref<128xi32, #tpu.memory_space<vmem>>, %arg9: memref<128xi32, #tpu.memory_space<vmem>>, %arg10: memref<128xi32, #tpu.memory_space<vmem>>, %arg11: memref<128x128xf32, #tpu.memory_space<vmem>>, %arg12: memref<128x128xf32, #tpu.memory_space<vmem>>, %arg13: memref<128x128xf32, #tpu.memory_space<vmem>>, %arg14: memref<128xi32, #tpu.memory_space<vmem>>, %arg15: memref<128xi32, #tpu.memory_space<vmem>>, %arg16: memref<128xi32, #tpu.memory_space<vmem>>, %arg17: memref<128x128xf32, #tpu.memory_space<vmem>>, %arg18: memref<128x128xf32, #tpu.memory_space<vmem>>, %arg19: memref<128x128xf32, #tpu.memory_space<vmem>>, %arg20: memref<512xf32, #tpu.memory_space<vmem>>, %arg21: memref<!tpu.dma_semaphore, #tpu.memory_space<semaphore_mem>>, %arg22: memref<!tpu.dma_semaphore, #tpu.memory_space<semaphore_mem>>) attributes {dimension_semantics = [#tpu.dimension_semantics<core_parallel>, #tpu.dimension_semantics<subcore_parallel>], iteration_bounds = array<i64: 2, 16>, scalar_prefetch = 0 : i64, scratch_operands = 15 : i64, tpu.core_type = #tpu.core_type<sc_vector_subcore>, window_params = [{transform_indices = #map}, {transform_indices = #map}, {transform_indices = #map}, {transform_indices = #map1}, {transform_indices = #map1}, {transform_indices = #map}]} {
    %mul3A = arith.constant 2 : i32
    %mul3A_0 = arith.muli %arg1, %mul3A : i32
    %add3A = arith.addi %mul3A_0, %arg0 : i32
    %mul3A_1 = arith.constant 512 : i32
    %mul3A_2 = arith.muli %add3A, %mul3A_1 : i32
    %iota3A = tpu.iota {dimensions = array<i32: 0>} : vector<16xi32>
    %add3A_3 = arith.constant 0 : i32
    %add3A_4 = arith.addi %mul3A_2, %add3A_3 : i32
    "tpu.region"() ({
      %run_scoped3A = tpu.sem_alloc : memref<!tpu.dma_semaphore, #tpu.memory_space<semaphore_mem>>
      %dma_start3A_108 = tpu.memref_slice %arg2[%add3A_4] : memref<16384xi32, #tpu.memory_space<hbm>> -> memref<128xi32, #tpu.memory_space<hbm>>
      %dma_start3A_109 = tpu.memref_slice %arg2[%add3A_4] : memref<16384xi32, #tpu.memory_space<hbm>> -> memref<128xi32, #tpu.memory_space<hbm>>
      tpu.enqueue_dma source(%dma_start3A_109 : memref<128xi32, #tpu.memory_space<hbm>>) target(%arg8 : memref<128xi32, #tpu.memory_space<vmem>>) target_semaphore(%run_scoped3A : memref<!tpu.dma_semaphore, #tpu.memory_space<semaphore_mem>>)
      %dma_wait3A_110 = tpu.memref_slice %arg2[%add3A_4] : memref<16384xi32, #tpu.memory_space<hbm>> -> memref<128xi32, #tpu.memory_space<hbm>>
      %dma_wait3A_111 = tpu.memref_slice %arg2[%add3A_4] : memref<16384xi32, #tpu.memory_space<hbm>> -> memref<128xi32, #tpu.memory_space<hbm>>
      tpu.wait_dma2 semaphore(%run_scoped3A : memref<!tpu.dma_semaphore, #tpu.memory_space<semaphore_mem>>) src(%dma_wait3A_111 : memref<128xi32, #tpu.memory_space<hbm>>) dst(%arg8 : memref<128xi32, #tpu.memory_space<vmem>>)
      tpu.yield
    }) : () -> ()
    "tpu.region"() ({
      %run_scoped3A = tpu.sem_alloc : memref<!tpu.dma_semaphore, #tpu.memory_space<semaphore_mem>>
      %dma_start3A_108 = tpu.memref_slice %arg3[%add3A_4] : memref<16384xi32, #tpu.memory_space<hbm>> -> memref<128xi32, #tpu.memory_space<hbm>>
      %dma_start3A_109 = tpu.memref_slice %arg3[%add3A_4] : memref<16384xi32, #tpu.memory_space<hbm>> -> memref<128xi32, #tpu.memory_space<hbm>>
      tpu.enqueue_dma source(%dma_start3A_109 : memref<128xi32, #tpu.memory_space<hbm>>) target(%arg9 : memref<128xi32, #tpu.memory_space<vmem>>) target_semaphore(%run_scoped3A : memref<!tpu.dma_semaphore, #tpu.memory_space<semaphore_mem>>)
      %dma_wait3A_110 = tpu.memref_slice %arg3[%add3A_4] : memref<16384xi32, #tpu.memory_space<hbm>> -> memref<128xi32, #tpu.memory_space<hbm>>
      %dma_wait3A_111 = tpu.memref_slice %arg3[%add3A_4] : memref<16384xi32, #tpu.memory_space<hbm>> -> memref<128xi32, #tpu.memory_space<hbm>>
      tpu.wait_dma2 semaphore(%run_scoped3A : memref<!tpu.dma_semaphore, #tpu.memory_space<semaphore_mem>>) src(%dma_wait3A_111 : memref<128xi32, #tpu.memory_space<hbm>>) dst(%arg9 : memref<128xi32, #tpu.memory_space<vmem>>)
      tpu.yield
    }) : () -> ()
    "tpu.region"() ({
      %run_scoped3A = tpu.sem_alloc : memref<!tpu.dma_semaphore, #tpu.memory_space<semaphore_mem>>
      %dma_start3A_108 = tpu.memref_slice %arg4[%add3A_4] : memref<16384xi32, #tpu.memory_space<hbm>> -> memref<128xi32, #tpu.memory_space<hbm>>
      %dma_start3A_109 = tpu.memref_slice %arg4[%add3A_4] : memref<16384xi32, #tpu.memory_space<hbm>> -> memref<128xi32, #tpu.memory_space<hbm>>
      tpu.enqueue_dma source(%dma_start3A_109 : memref<128xi32, #tpu.memory_space<hbm>>) target(%arg10 : memref<128xi32, #tpu.memory_space<vmem>>) target_semaphore(%run_scoped3A : memref<!tpu.dma_semaphore, #tpu.memory_space<semaphore_mem>>)
      %dma_wait3A_110 = tpu.memref_slice %arg4[%add3A_4] : memref<16384xi32, #tpu.memory_space<hbm>> -> memref<128xi32, #tpu.memory_space<hbm>>
      %dma_wait3A_111 = tpu.memref_slice %arg4[%add3A_4] : memref<16384xi32, #tpu.memory_space<hbm>> -> memref<128xi32, #tpu.memory_space<hbm>>
      tpu.wait_dma2 semaphore(%run_scoped3A : memref<!tpu.dma_semaphore, #tpu.memory_space<semaphore_mem>>) src(%dma_wait3A_111 : memref<128xi32, #tpu.memory_space<hbm>>) dst(%arg10 : memref<128xi32, #tpu.memory_space<vmem>>)
      tpu.yield
    }) : () -> ()
    %dma_start3A = arith.constant 0 : i32
    %dma_start3A_5 = arith.constant 0 : i32
    %dma_start3A_6 = tpu.memref_slice %arg5[%dma_start3A, %dma_start3A_5] : memref<1000x128xf32, #tpu.memory_space<hbm>> -> memref<1000x128xf32, #tpu.memory_space<hbm>>
    tpu.enqueue_indirect_dma source(%dma_start3A_6 : memref<1000x128xf32, #tpu.memory_space<hbm>>) target(%arg11 : memref<128x128xf32, #tpu.memory_space<vmem>>) offsets(%arg8 : memref<128xi32, #tpu.memory_space<vmem>>) semaphore(%arg21 : memref<!tpu.dma_semaphore, #tpu.memory_space<semaphore_mem>>)
    %dma_start3A_7 = arith.constant 0 : i32
    %dma_start3A_8 = arith.constant 0 : i32
    %dma_start3A_9 = tpu.memref_slice %arg6[%dma_start3A_7, %dma_start3A_8] : memref<1000x128xf32, #tpu.memory_space<hbm>> -> memref<1000x128xf32, #tpu.memory_space<hbm>>
    tpu.enqueue_indirect_dma source(%dma_start3A_9 : memref<1000x128xf32, #tpu.memory_space<hbm>>) target(%arg12 : memref<128x128xf32, #tpu.memory_space<vmem>>) offsets(%arg9 : memref<128xi32, #tpu.memory_space<vmem>>) semaphore(%arg21 : memref<!tpu.dma_semaphore, #tpu.memory_space<semaphore_mem>>)
    %dma_start3A_10 = arith.constant 0 : i32
    %dma_start3A_11 = arith.constant 0 : i32
    %dma_start3A_12 = tpu.memref_slice %arg5[%dma_start3A_10, %dma_start3A_11] : memref<1000x128xf32, #tpu.memory_space<hbm>> -> memref<1000x128xf32, #tpu.memory_space<hbm>>
    tpu.enqueue_indirect_dma source(%dma_start3A_12 : memref<1000x128xf32, #tpu.memory_space<hbm>>) target(%arg13 : memref<128x128xf32, #tpu.memory_space<vmem>>) offsets(%arg10 : memref<128xi32, #tpu.memory_space<vmem>>) semaphore(%arg21 : memref<!tpu.dma_semaphore, #tpu.memory_space<semaphore_mem>>)
    %add3A_13 = arith.constant 128 : i32
    %add3A_14 = arith.addi %mul3A_2, %add3A_13 : i32
    "tpu.region"() ({
      %run_scoped3A = tpu.sem_alloc : memref<!tpu.dma_semaphore, #tpu.memory_space<semaphore_mem>>
      %dma_start3A_108 = tpu.memref_slice %arg2[%add3A_14] : memref<16384xi32, #tpu.memory_space<hbm>> -> memref<128xi32, #tpu.memory_space<hbm>>
      %dma_start3A_109 = tpu.memref_slice %arg2[%add3A_14] : memref<16384xi32, #tpu.memory_space<hbm>> -> memref<128xi32, #tpu.memory_space<hbm>>
      tpu.enqueue_dma source(%dma_start3A_109 : memref<128xi32, #tpu.memory_space<hbm>>) target(%arg14 : memref<128xi32, #tpu.memory_space<vmem>>) target_semaphore(%run_scoped3A : memref<!tpu.dma_semaphore, #tpu.memory_space<semaphore_mem>>)
      %dma_wait3A_110 = tpu.memref_slice %arg2[%add3A_14] : memref<16384xi32, #tpu.memory_space<hbm>> -> memref<128xi32, #tpu.memory_space<hbm>>
      %dma_wait3A_111 = tpu.memref_slice %arg2[%add3A_14] : memref<16384xi32, #tpu.memory_space<hbm>> -> memref<128xi32, #tpu.memory_space<hbm>>
      tpu.wait_dma2 semaphore(%run_scoped3A : memref<!tpu.dma_semaphore, #tpu.memory_space<semaphore_mem>>) src(%dma_wait3A_111 : memref<128xi32, #tpu.memory_space<hbm>>) dst(%arg14 : memref<128xi32, #tpu.memory_space<vmem>>)
      tpu.yield
    }) : () -> ()
    "tpu.region"() ({
      %run_scoped3A = tpu.sem_alloc : memref<!tpu.dma_semaphore, #tpu.memory_space<semaphore_mem>>
      %dma_start3A_108 = tpu.memref_slice %arg3[%add3A_14] : memref<16384xi32, #tpu.memory_space<hbm>> -> memref<128xi32, #tpu.memory_space<hbm>>
      %dma_start3A_109 = tpu.memref_slice %arg3[%add3A_14] : memref<16384xi32, #tpu.memory_space<hbm>> -> memref<128xi32, #tpu.memory_space<hbm>>
      tpu.enqueue_dma source(%dma_start3A_109 : memref<128xi32, #tpu.memory_space<hbm>>) target(%arg15 : memref<128xi32, #tpu.memory_space<vmem>>) target_semaphore(%run_scoped3A : memref<!tpu.dma_semaphore, #tpu.memory_space<semaphore_mem>>)
      %dma_wait3A_110 = tpu.memref_slice %arg3[%add3A_14] : memref<16384xi32, #tpu.memory_space<hbm>> -> memref<128xi32, #tpu.memory_space<hbm>>
      %dma_wait3A_111 = tpu.memref_slice %arg3[%add3A_14] : memref<16384xi32, #tpu.memory_space<hbm>> -> memref<128xi32, #tpu.memory_space<hbm>>
      tpu.wait_dma2 semaphore(%run_scoped3A : memref<!tpu.dma_semaphore, #tpu.memory_space<semaphore_mem>>) src(%dma_wait3A_111 : memref<128xi32, #tpu.memory_space<hbm>>) dst(%arg15 : memref<128xi32, #tpu.memory_space<vmem>>)
      tpu.yield
    }) : () -> ()
    "tpu.region"() ({
      %run_scoped3A = tpu.sem_alloc : memref<!tpu.dma_semaphore, #tpu.memory_space<semaphore_mem>>
      %dma_start3A_108 = tpu.memref_slice %arg4[%add3A_14] : memref<16384xi32, #tpu.memory_space<hbm>> -> memref<128xi32, #tpu.memory_space<hbm>>
      %dma_start3A_109 = tpu.memref_slice %arg4[%add3A_14] : memref<16384xi32, #tpu.memory_space<hbm>> -> memref<128xi32, #tpu.memory_space<hbm>>
      tpu.enqueue_dma source(%dma_start3A_109 : memref<128xi32, #tpu.memory_space<hbm>>) target(%arg16 : memref<128xi32, #tpu.memory_space<vmem>>) target_semaphore(%run_scoped3A : memref<!tpu.dma_semaphore, #tpu.memory_space<semaphore_mem>>)
      %dma_wait3A_110 = tpu.memref_slice %arg4[%add3A_14] : memref<16384xi32, #tpu.memory_space<hbm>> -> memref<128xi32, #tpu.memory_space<hbm>>
      %dma_wait3A_111 = tpu.memref_slice %arg4[%add3A_14] : memref<16384xi32, #tpu.memory_space<hbm>> -> memref<128xi32, #tpu.memory_space<hbm>>
      tpu.wait_dma2 semaphore(%run_scoped3A : memref<!tpu.dma_semaphore, #tpu.memory_space<semaphore_mem>>) src(%dma_wait3A_111 : memref<128xi32, #tpu.memory_space<hbm>>) dst(%arg16 : memref<128xi32, #tpu.memory_space<vmem>>)
      tpu.yield
    }) : () -> ()
    %dma_start3A_15 = arith.constant 0 : i32
    %dma_start3A_16 = arith.constant 0 : i32
    %dma_start3A_17 = tpu.memref_slice %arg5[%dma_start3A_15, %dma_start3A_16] : memref<1000x128xf32, #tpu.memory_space<hbm>> -> memref<1000x128xf32, #tpu.memory_space<hbm>>
    tpu.enqueue_indirect_dma source(%dma_start3A_17 : memref<1000x128xf32, #tpu.memory_space<hbm>>) target(%arg17 : memref<128x128xf32, #tpu.memory_space<vmem>>) offsets(%arg14 : memref<128xi32, #tpu.memory_space<vmem>>) semaphore(%arg22 : memref<!tpu.dma_semaphore, #tpu.memory_space<semaphore_mem>>)
    %dma_start3A_18 = arith.constant 0 : i32
    %dma_start3A_19 = arith.constant 0 : i32
    %dma_start3A_20 = tpu.memref_slice %arg6[%dma_start3A_18, %dma_start3A_19] : memref<1000x128xf32, #tpu.memory_space<hbm>> -> memref<1000x128xf32, #tpu.memory_space<hbm>>
    tpu.enqueue_indirect_dma source(%dma_start3A_20 : memref<1000x128xf32, #tpu.memory_space<hbm>>) target(%arg18 : memref<128x128xf32, #tpu.memory_space<vmem>>) offsets(%arg15 : memref<128xi32, #tpu.memory_space<vmem>>) semaphore(%arg22 : memref<!tpu.dma_semaphore, #tpu.memory_space<semaphore_mem>>)
    %dma_start3A_21 = arith.constant 0 : i32
    %dma_start3A_22 = arith.constant 0 : i32
    %dma_start3A_23 = tpu.memref_slice %arg5[%dma_start3A_21, %dma_start3A_22] : memref<1000x128xf32, #tpu.memory_space<hbm>> -> memref<1000x128xf32, #tpu.memory_space<hbm>>
    tpu.enqueue_indirect_dma source(%dma_start3A_23 : memref<1000x128xf32, #tpu.memory_space<hbm>>) target(%arg19 : memref<128x128xf32, #tpu.memory_space<vmem>>) offsets(%arg16 : memref<128xi32, #tpu.memory_space<vmem>>) semaphore(%arg22 : memref<!tpu.dma_semaphore, #tpu.memory_space<semaphore_mem>>)
    %dma_wait3A = arith.constant 0 : i32
    %dma_wait3A_24 = arith.constant 0 : i32
    %dma_wait3A_25 = tpu.memref_slice %arg5[%dma_wait3A, %dma_wait3A_24] : memref<1000x128xf32, #tpu.memory_space<hbm>> -> memref<1000x128xf32, #tpu.memory_space<hbm>>
    tpu.wait_indirect_dma semaphore(%arg21 : memref<!tpu.dma_semaphore, #tpu.memory_space<semaphore_mem>>) src(%dma_wait3A_25 : memref<1000x128xf32, #tpu.memory_space<hbm>>) dst(%arg11 : memref<128x128xf32, #tpu.memory_space<vmem>>)
    %dma_wait3A_26 = arith.constant 0 : i32
    %dma_wait3A_27 = arith.constant 0 : i32
    %dma_wait3A_28 = tpu.memref_slice %arg6[%dma_wait3A_26, %dma_wait3A_27] : memref<1000x128xf32, #tpu.memory_space<hbm>> -> memref<1000x128xf32, #tpu.memory_space<hbm>>
    tpu.wait_indirect_dma semaphore(%arg21 : memref<!tpu.dma_semaphore, #tpu.memory_space<semaphore_mem>>) src(%dma_wait3A_28 : memref<1000x128xf32, #tpu.memory_space<hbm>>) dst(%arg12 : memref<128x128xf32, #tpu.memory_space<vmem>>)
    %dma_wait3A_29 = arith.constant 0 : i32
    %dma_wait3A_30 = arith.constant 0 : i32
    %dma_wait3A_31 = tpu.memref_slice %arg5[%dma_wait3A_29, %dma_wait3A_30] : memref<1000x128xf32, #tpu.memory_space<hbm>> -> memref<1000x128xf32, #tpu.memory_space<hbm>>
    tpu.wait_indirect_dma semaphore(%arg21 : memref<!tpu.dma_semaphore, #tpu.memory_space<semaphore_mem>>) src(%dma_wait3A_31 : memref<1000x128xf32, #tpu.memory_space<hbm>>) dst(%arg13 : memref<128x128xf32, #tpu.memory_space<vmem>>)
    %scan3A = arith.constant 0 : i32
    %scan3A_32 = arith.constant 0 : i32
    %scan3A_33 = arith.constant 8 : i32
    %scan3A_34 = arith.addi %scan3A_32, %scan3A_33 : i32
    %scan3A_35 = arith.constant 1 : i32
    %scan3A_36 = scf.for %scan3A_108 = %scan3A_32 to %scan3A_34 step %scan3A_35 iter_args(%scan3A_109 = %scan3A) -> (i32)  : i32 {
      %mul3A_110 = arith.constant 16 : i32
      %mul3A_111 = arith.muli %scan3A_108, %mul3A_110 : i32
      %add3A_112 = vector.broadcast %mul3A_111 : i32 to vector<16xi32>
      %add3A_113 = arith.addi %iota3A, %add3A_112 : vector<16xi32>
      %broadcast_in_dim3A = arith.constant 0.000000e+00 : f32
      %broadcast_in_dim3A_114 = vector.broadcast %broadcast_in_dim3A : f32 to vector<16xf32>
      %xor3A = arith.constant 0 : i32
      %xor3A_115 = vector.broadcast %xor3A : i32 to vector<16xi32>
      %xor3A_116 = arith.xori %iota3A, %xor3A_115 : vector<16xi32>
      %add3A_117 = arith.constant 64 : i32
      %add3A_118 = vector.broadcast %add3A_117 : i32 to vector<16xi32>
      %add3A_119 = arith.addi %xor3A_116, %add3A_118 : vector<16xi32>
      %gather3A = tpu.vector_load_idx %arg11[%add3A_113, %xor3A_116] : memref<128x128xf32, #tpu.memory_space<vmem>>[vector<16xi32>, vector<16xi32>], vector<16xf32>,
      %gather3A_120 = tpu.vector_load_idx %arg11[%add3A_113, %add3A_119] : memref<128x128xf32, #tpu.memory_space<vmem>>[vector<16xi32>, vector<16xi32>], vector<16xf32>,
      %gather3A_121 = tpu.vector_load_idx %arg13[%add3A_113, %xor3A_116] : memref<128x128xf32, #tpu.memory_space<vmem>>[vector<16xi32>, vector<16xi32>], vector<16xf32>,
      %gather3A_122 = tpu.vector_load_idx %arg13[%add3A_113, %add3A_119] : memref<128x128xf32, #tpu.memory_space<vmem>>[vector<16xi32>, vector<16xi32>], vector<16xf32>,
      %gather3A_123 = tpu.vector_load_idx %arg12[%add3A_113, %xor3A_116] : memref<128x128xf32, #tpu.memory_space<vmem>>[vector<16xi32>, vector<16xi32>], vector<16xf32>,
      %gather3A_124 = tpu.vector_load_idx %arg12[%add3A_113, %add3A_119] : memref<128x128xf32, #tpu.memory_space<vmem>>[vector<16xi32>, vector<16xi32>], vector<16xf32>,
      %sub3A = arith.subf %gather3A, %gather3A_121 : vector<16xf32>
      %sub3A_125 = arith.subf %sub3A, %gather3A_123 : vector<16xf32>
      %abs3A = math.absf %sub3A_125 : vector<16xf32>
      %abs3A_126 = math.absf %gather3A_120 : vector<16xf32>
      %add3A_127 = arith.addf %abs3A, %abs3A_126 : vector<16xf32>
      %abs3A_128 = math.absf %gather3A_122 : vector<16xf32>
      %add3A_129 = arith.addf %add3A_127, %abs3A_128 : vector<16xf32>
      %abs3A_130 = math.absf %gather3A_124 : vector<16xf32>
      %sub3A_131 = arith.subf %add3A_129, %abs3A_130 : vector<16xf32>
      %max3A = arith.constant 0.000000e+00 : f32
      %max3A_132 = vector.broadcast %max3A : f32 to vector<16xf32>
      %max3A_133 = arith.maximumf %sub3A_131, %max3A_132 : vector<16xf32>
      %mul3A_134 = arith.mulf %max3A_133, %max3A_133 : vector<16xf32>
      %add3A_135 = arith.addf %broadcast_in_dim3A_114, %mul3A_134 : vector<16xf32>
      %mul3A_136 = arith.mulf %gather3A, %gather3A : vector<16xf32>
      %add3A_137 = arith.addf %broadcast_in_dim3A_114, %mul3A_136 : vector<16xf32>
      %mul3A_138 = arith.mulf %gather3A_121, %gather3A_121 : vector<16xf32>
      %add3A_139 = arith.addf %broadcast_in_dim3A_114, %mul3A_138 : vector<16xf32>
      %xor3A_140 = arith.constant 1 : i32
      %xor3A_141 = vector.broadcast %xor3A_140 : i32 to vector<16xi32>
      %xor3A_142 = arith.xori %iota3A, %xor3A_141 : vector<16xi32>
      %add3A_143 = arith.constant 64 : i32
      %add3A_144 = vector.broadcast %add3A_143 : i32 to vector<16xi32>
      %add3A_145 = arith.addi %xor3A_142, %add3A_144 : vector<16xi32>
      %gather3A_146 = tpu.vector_load_idx %arg11[%add3A_113, %xor3A_142] : memref<128x128xf32, #tpu.memory_space<vmem>>[vector<16xi32>, vector<16xi32>], vector<16xf32>,
      %gather3A_147 = tpu.vector_load_idx %arg11[%add3A_113, %add3A_145] : memref<128x128xf32, #tpu.memory_space<vmem>>[vector<16xi32>, vector<16xi32>], vector<16xf32>,
      %gather3A_148 = tpu.vector_load_idx %arg13[%add3A_113, %xor3A_142] : memref<128x128xf32, #tpu.memory_space<vmem>>[vector<16xi32>, vector<16xi32>], vector<16xf32>,
      %gather3A_149 = tpu.vector_load_idx %arg13[%add3A_113, %add3A_145] : memref<128x128xf32, #tpu.memory_space<vmem>>[vector<16xi32>, vector<16xi32>], vector<16xf32>,
      %gather3A_150 = tpu.vector_load_idx %arg12[%add3A_113, %xor3A_142] : memref<128x128xf32, #tpu.memory_space<vmem>>[vector<16xi32>, vector<16xi32>], vector<16xf32>,
      %gather3A_151 = tpu.vector_load_idx %arg12[%add3A_113, %add3A_145] : memref<128x128xf32, #tpu.memory_space<vmem>>[vector<16xi32>, vector<16xi32>], vector<16xf32>,
      %sub3A_152 = arith.subf %gather3A_146, %gather3A_148 : vector<16xf32>
      %sub3A_153 = arith.subf %sub3A_152, %gather3A_150 : vector<16xf32>
      %abs3A_154 = math.absf %sub3A_153 : vector<16xf32>
      %abs3A_155 = math.absf %gather3A_147 : vector<16xf32>
      %add3A_156 = arith.addf %abs3A_154, %abs3A_155 : vector<16xf32>
      %abs3A_157 = math.absf %gather3A_149 : vector<16xf32>
      %add3A_158 = arith.addf %add3A_156, %abs3A_157 : vector<16xf32>
      %abs3A_159 = math.absf %gather3A_151 : vector<16xf32>
      %sub3A_160 = arith.subf %add3A_158, %abs3A_159 : vector<16xf32>
      %max3A_161 = arith.constant 0.000000e+00 : f32
      %max3A_162 = vector.broadcast %max3A_161 : f32 to vector<16xf32>
      %max3A_163 = arith.maximumf %sub3A_160, %max3A_162 : vector<16xf32>
      %mul3A_164 = arith.mulf %max3A_163, %max3A_163 : vector<16xf32>
      %add3A_165 = arith.addf %broadcast_in_dim3A_114, %mul3A_164 : vector<16xf32>
      %mul3A_166 = arith.mulf %gather3A_146, %gather3A_146 : vector<16xf32>
      %add3A_167 = arith.addf %broadcast_in_dim3A_114, %mul3A_166 : vector<16xf32>
      %mul3A_168 = arith.mulf %gather3A_148, %gather3A_148 : vector<16xf32>
      %add3A_169 = arith.addf %broadcast_in_dim3A_114, %mul3A_168 : vector<16xf32>
      %xor3A_170 = arith.constant 2 : i32
      %xor3A_171 = vector.broadcast %xor3A_170 : i32 to vector<16xi32>
      %xor3A_172 = arith.xori %iota3A, %xor3A_171 : vector<16xi32>
      %add3A_173 = arith.constant 64 : i32
      %add3A_174 = vector.broadcast %add3A_173 : i32 to vector<16xi32>
      %add3A_175 = arith.addi %xor3A_172, %add3A_174 : vector<16xi32>
      %gather3A_176 = tpu.vector_load_idx %arg11[%add3A_113, %xor3A_172] : memref<128x128xf32, #tpu.memory_space<vmem>>[vector<16xi32>, vector<16xi32>], vector<16xf32>,
      %gather3A_177 = tpu.vector_load_idx %arg11[%add3A_113, %add3A_175] : memref<128x128xf32, #tpu.memory_space<vmem>>[vector<16xi32>, vector<16xi32>], vector<16xf32>,
      %gather3A_178 = tpu.vector_load_idx %arg13[%add3A_113, %xor3A_172] : memref<128x128xf32, #tpu.memory_space<vmem>>[vector<16xi32>, vector<16xi32>], vector<16xf32>,
      %gather3A_179 = tpu.vector_load_idx %arg13[%add3A_113, %add3A_175] : memref<128x128xf32, #tpu.memory_space<vmem>>[vector<16xi32>, vector<16xi32>], vector<16xf32>,
      %gather3A_180 = tpu.vector_load_idx %arg12[%add3A_113, %xor3A_172] : memref<128x128xf32, #tpu.memory_space<vmem>>[vector<16xi32>, vector<16xi32>], vector<16xf32>,
      %gather3A_181 = tpu.vector_load_idx %arg12[%add3A_113, %add3A_175] : memref<128x128xf32, #tpu.memory_space<vmem>>[vector<16xi32>, vector<16xi32>], vector<16xf32>,
      %sub3A_182 = arith.subf %gather3A_176, %gather3A_178 : vector<16xf32>
      %sub3A_183 = arith.subf %sub3A_182, %gather3A_180 : vector<16xf32>
      %abs3A_184 = math.absf %sub3A_183 : vector<16xf32>
      %abs3A_185 = math.absf %gather3A_177 : vector<16xf32>
      %add3A_186 = arith.addf %abs3A_184, %abs3A_185 : vector<16xf32>
      %abs3A_187 = math.absf %gather3A_179 : vector<16xf32>
      %add3A_188 = arith.addf %add3A_186, %abs3A_187 : vector<16xf32>
      %abs3A_189 = math.absf %gather3A_181 : vector<16xf32>
      %sub3A_190 = arith.subf %add3A_188, %abs3A_189 : vector<16xf32>
      %max3A_191 = arith.constant 0.000000e+00 : f32
      %max3A_192 = vector.broadcast %max3A_191 : f32 to vector<16xf32>
      %max3A_193 = arith.maximumf %sub3A_190, %max3A_192 : vector<16xf32>
      %mul3A_194 = arith.mulf %max3A_193, %max3A_193 : vector<16xf32>
      %add3A_195 = arith.addf %add3A_135, %mul3A_194 : vector<16xf32>
      %mul3A_196 = arith.mulf %gather3A_176, %gather3A_176 : vector<16xf32>
      %add3A_197 = arith.addf %add3A_137, %mul3A_196 : vector<16xf32>
      %mul3A_198 = arith.mulf %gather3A_178, %gather3A_178 : vector<16xf32>
      %add3A_199 = arith.addf %add3A_139, %mul3A_198 : vector<16xf32>
      %xor3A_200 = arith.constant 3 : i32
      %xor3A_201 = vector.broadcast %xor3A_200 : i32 to vector<16xi32>
      %xor3A_202 = arith.xori %iota3A, %xor3A_201 : vector<16xi32>
      %add3A_203 = arith.constant 64 : i32
      %add3A_204 = vector.broadcast %add3A_203 : i32 to vector<16xi32>
      %add3A_205 = arith.addi %xor3A_202, %add3A_204 : vector<16xi32>
      %gather3A_206 = tpu.vector_load_idx %arg11[%add3A_113, %xor3A_202] : memref<128x128xf32, #tpu.memory_space<vmem>>[vector<16xi32>, vector<16xi32>], vector<16xf32>,
      %gather3A_207 = tpu.vector_load_idx %arg11[%add3A_113, %add3A_205] : memref<128x128xf32, #tpu.memory_space<vmem>>[vector<16xi32>, vector<16xi32>], vector<16xf32>,
      %gather3A_208 = tpu.vector_load_idx %arg13[%add3A_113, %xor3A_202] : memref<128x128xf32, #tpu.memory_space<vmem>>[vector<16xi32>, vector<16xi32>], vector<16xf32>,
      %gather3A_209 = tpu.vector_load_idx %arg13[%add3A_113, %add3A_205] : memref<128x128xf32, #tpu.memory_space<vmem>>[vector<16xi32>, vector<16xi32>], vector<16xf32>,
      %gather3A_210 = tpu.vector_load_idx %arg12[%add3A_113, %xor3A_202] : memref<128x128xf32, #tpu.memory_space<vmem>>[vector<16xi32>, vector<16xi32>], vector<16xf32>,
      %gather3A_211 = tpu.vector_load_idx %arg12[%add3A_113, %add3A_205] : memref<128x128xf32, #tpu.memory_space<vmem>>[vector<16xi32>, vector<16xi32>], vector<16xf32>,
      %sub3A_212 = arith.subf %gather3A_206, %gather3A_208 : vector<16xf32>
      %sub3A_213 = arith.subf %sub3A_212, %gather3A_210 : vector<16xf32>
      %abs3A_214 = math.absf %sub3A_213 : vector<16xf32>
      %abs3A_215 = math.absf %gather3A_207 : vector<16xf32>
      %add3A_216 = arith.addf %abs3A_214, %abs3A_215 : vector<16xf32>
      %abs3A_217 = math.absf %gather3A_209 : vector<16xf32>
      %add3A_218 = arith.addf %add3A_216, %abs3A_217 : vector<16xf32>
      %abs3A_219 = math.absf %gather3A_211 : vector<16xf32>
      %sub3A_220 = arith.subf %add3A_218, %abs3A_219 : vector<16xf32>
      %max3A_221 = arith.constant 0.000000e+00 : f32
      %max3A_222 = vector.broadcast %max3A_221 : f32 to vector<16xf32>
      %max3A_223 = arith.maximumf %sub3A_220, %max3A_222 : vector<16xf32>
      %mul3A_224 = arith.mulf %max3A_223, %max3A_223 : vector<16xf32>
      %add3A_225 = arith.addf %add3A_165, %mul3A_224 : vector<16xf32>
      %mul3A_226 = arith.mulf %gather3A_206, %gather3A_206 : vector<16xf32>
      %add3A_227 = arith.addf %add3A_167, %mul3A_226 : vector<16xf32>
      %mul3A_228 = arith.mulf %gather3A_208, %gather3A_208 : vector<16xf32>
      %add3A_229 = arith.addf %add3A_169, %mul3A_228 : vector<16xf32>
      %xor3A_230 = arith.constant 4 : i32
      %xor3A_231 = vector.broadcast %xor3A_230 : i32 to vector<16xi32>
      %xor3A_232 = arith.xori %iota3A, %xor3A_231 : vector<16xi32>
      %add3A_233 = arith.constant 64 : i32
      %add3A_234 = vector.broadcast %add3A_233 : i32 to vector<16xi32>
      %add3A_235 = arith.addi %xor3A_232, %add3A_234 : vector<16xi32>
      %gather3A_236 = tpu.vector_load_idx %arg11[%add3A_113, %xor3A_232] : memref<128x128xf32, #tpu.memory_space<vmem>>[vector<16xi32>, vector<16xi32>], vector<16xf32>,
      %gather3A_237 = tpu.vector_load_idx %arg11[%add3A_113, %add3A_235] : memref<128x128xf32, #tpu.memory_space<vmem>>[vector<16xi32>, vector<16xi32>], vector<16xf32>,
      %gather3A_238 = tpu.vector_load_idx %arg13[%add3A_113, %xor3A_232] : memref<128x128xf32, #tpu.memory_space<vmem>>[vector<16xi32>, vector<16xi32>], vector<16xf32>,
      %gather3A_239 = tpu.vector_load_idx %arg13[%add3A_113, %add3A_235] : memref<128x128xf32, #tpu.memory_space<vmem>>[vector<16xi32>, vector<16xi32>], vector<16xf32>,
      %gather3A_240 = tpu.vector_load_idx %arg12[%add3A_113, %xor3A_232] : memref<128x128xf32, #tpu.memory_space<vmem>>[vector<16xi32>, vector<16xi32>], vector<16xf32>,
      %gather3A_241 = tpu.vector_load_idx %arg12[%add3A_113, %add3A_235] : memref<128x128xf32, #tpu.memory_space<vmem>>[vector<16xi32>, vector<16xi32>], vector<16xf32>,
      %sub3A_242 = arith.subf %gather3A_236, %gather3A_238 : vector<16xf32>
      %sub3A_243 = arith.subf %sub3A_242, %gather3A_240 : vector<16xf32>
      %abs3A_244 = math.absf %sub3A_243 : vector<16xf32>
      %abs3A_245 = math.absf %gather3A_237 : vector<16xf32>
      %add3A_246 = arith.addf %abs3A_244, %abs3A_245 : vector<16xf32>
      %abs3A_247 = math.absf %gather3A_239 : vector<16xf32>
      %add3A_248 = arith.addf %add3A_246, %abs3A_247 : vector<16xf32>
      %abs3A_249 = math.absf %gather3A_241 : vector<16xf32>
      %sub3A_250 = arith.subf %add3A_248, %abs3A_249 : vector<16xf32>
      %max3A_251 = arith.constant 0.000000e+00 : f32
      %max3A_252 = vector.broadcast %max3A_251 : f32 to vector<16xf32>
      %max3A_253 = arith.maximumf %sub3A_250, %max3A_252 : vector<16xf32>
      %mul3A_254 = arith.mulf %max3A_253, %max3A_253 : vector<16xf32>
      %add3A_255 = arith.addf %add3A_195, %mul3A_254 : vector<16xf32>
      %mul3A_256 = arith.mulf %gather3A_236, %gather3A_236 : vector<16xf32>
      %add3A_257 = arith.addf %add3A_197, %mul3A_256 : vector<16xf32>
      %mul3A_258 = arith.mulf %gather3A_238, %gather3A_238 : vector<16xf32>
      %add3A_259 = arith.addf %add3A_199, %mul3A_258 : vector<16xf32>
      %xor3A_260 = arith.constant 5 : i32
      %xor3A_261 = vector.broadcast %xor3A_260 : i32 to vector<16xi32>
      %xor3A_262 = arith.xori %iota3A, %xor3A_261 : vector<16xi32>
      %add3A_263 = arith.constant 64 : i32
      %add3A_264 = vector.broadcast %add3A_263 : i32 to vector<16xi32>
      %add3A_265 = arith.addi %xor3A_262, %add3A_264 : vector<16xi32>
      %gather3A_266 = tpu.vector_load_idx %arg11[%add3A_113, %xor3A_262] : memref<128x128xf32, #tpu.memory_space<vmem>>[vector<16xi32>, vector<16xi32>], vector<16xf32>,
      %gather3A_267 = tpu.vector_load_idx %arg11[%add3A_113, %add3A_265] : memref<128x128xf32, #tpu.memory_space<vmem>>[vector<16xi32>, vector<16xi32>], vector<16xf32>,
      %gather3A_268 = tpu.vector_load_idx %arg13[%add3A_113, %xor3A_262] : memref<128x128xf32, #tpu.memory_space<vmem>>[vector<16xi32>, vector<16xi32>], vector<16xf32>,
      %gather3A_269 = tpu.vector_load_idx %arg13[%add3A_113, %add3A_265] : memref<128x128xf32, #tpu.memory_space<vmem>>[vector<16xi32>, vector<16xi32>], vector<16xf32>,
      %gather3A_270 = tpu.vector_load_idx %arg12[%add3A_113, %xor3A_262] : memref<128x128xf32, #tpu.memory_space<vmem>>[vector<16xi32>, vector<16xi32>], vector<16xf32>,
      %gather3A_271 = tpu.vector_load_idx %arg12[%add3A_113, %add3A_265] : memref<128x128xf32, #tpu.memory_space<vmem>>[vector<16xi32>, vector<16xi32>], vector<16xf32>,
      %sub3A_272 = arith.subf %gather3A_266, %gather3A_268 : vector<16xf32>
      %sub3A_273 = arith.subf %sub3A_272, %gather3A_270 : vector<16xf32>
      %abs3A_274 = math.absf %sub3A_273 : vector<16xf32>
      %abs3A_275 = math.absf %gather3A_267 : vector<16xf32>
      %add3A_276 = arith.addf %abs3A_274, %abs3A_275 : vector<16xf32>
      %abs3A_277 = math.absf %gather3A_269 : vector<16xf32>
      %add3A_278 = arith.addf %add3A_276, %abs3A_277 : vector<16xf32>
      %abs3A_279 = math.absf %gather3A_271 : vector<16xf32>
      %sub3A_280 = arith.subf %add3A_278, %abs3A_279 : vector<16xf32>
      %max3A_281 = arith.constant 0.000000e+00 : f32
      %max3A_282 = vector.broadcast %max3A_281 : f32 to vector<16xf32>
      %max3A_283 = arith.maximumf %sub3A_280, %max3A_282 : vector<16xf32>
      %mul3A_284 = arith.mulf %max3A_283, %max3A_283 : vector<16xf32>
      %add3A_285 = arith.addf %add3A_225, %mul3A_284 : vector<16xf32>
      %mul3A_286 = arith.mulf %gather3A_266, %gather3A_266 : vector<16xf32>
      %add3A_287 = arith.addf %add3A_227, %mul3A_286 : vector<16xf32>
      %mul3A_288 = arith.mulf %gather3A_268, %gather3A_268 : vector<16xf32>
      %add3A_289 = arith.addf %add3A_229, %mul3A_288 : vector<16xf32>
      %xor3A_290 = arith.constant 6 : i32
      %xor3A_291 = vector.broadcast %xor3A_290 : i32 to vector<16xi32>
      %xor3A_292 = arith.xori %iota3A, %xor3A_291 : vector<16xi32>
      %add3A_293 = arith.constant 64 : i32
      %add3A_294 = vector.broadcast %add3A_293 : i32 to vector<16xi32>
      %add3A_295 = arith.addi %xor3A_292, %add3A_294 : vector<16xi32>
      %gather3A_296 = tpu.vector_load_idx %arg11[%add3A_113, %xor3A_292] : memref<128x128xf32, #tpu.memory_space<vmem>>[vector<16xi32>, vector<16xi32>], vector<16xf32>,
      %gather3A_297 = tpu.vector_load_idx %arg11[%add3A_113, %add3A_295] : memref<128x128xf32, #tpu.memory_space<vmem>>[vector<16xi32>, vector<16xi32>], vector<16xf32>,
      %gather3A_298 = tpu.vector_load_idx %arg13[%add3A_113, %xor3A_292] : memref<128x128xf32, #tpu.memory_space<vmem>>[vector<16xi32>, vector<16xi32>], vector<16xf32>,
      %gather3A_299 = tpu.vector_load_idx %arg13[%add3A_113, %add3A_295] : memref<128x128xf32, #tpu.memory_space<vmem>>[vector<16xi32>, vector<16xi32>], vector<16xf32>,
      %gather3A_300 = tpu.vector_load_idx %arg12[%add3A_113, %xor3A_292] : memref<128x128xf32, #tpu.memory_space<vmem>>[vector<16xi32>, vector<16xi32>], vector<16xf32>,
      %gather3A_301 = tpu.vector_load_idx %arg12[%add3A_113, %add3A_295] : memref<128x128xf32, #tpu.memory_space<vmem>>[vector<16xi32>, vector<16xi32>], vector<16xf32>,
      %sub3A_302 = arith.subf %gather3A_296, %gather3A_298 : vector<16xf32>
      %sub3A_303 = arith.subf %sub3A_302, %gather3A_300 : vector<16xf32>
      %abs3A_304 = math.absf %sub3A_303 : vector<16xf32>
      %abs3A_305 = math.absf %gather3A_297 : vector<16xf32>
      %add3A_306 = arith.addf %abs3A_304, %abs3A_305 : vector<16xf32>
      %abs3A_307 = math.absf %gather3A_299 : vector<16xf32>
      %add3A_308 = arith.addf %add3A_306, %abs3A_307 : vector<16xf32>
      %abs3A_309 = math.absf %gather3A_301 : vector<16xf32>
      %sub3A_310 = arith.subf %add3A_308, %abs3A_309 : vector<16xf32>
      %max3A_311 = arith.constant 0.000000e+00 : f32
      %max3A_312 = vector.broadcast %max3A_311 : f32 to vector<16xf32>
      %max3A_313 = arith.maximumf %sub3A_310, %max3A_312 : vector<16xf32>
      %mul3A_314 = arith.mulf %max3A_313, %max3A_313 : vector<16xf32>
      %add3A_315 = arith.addf %add3A_255, %mul3A_314 : vector<16xf32>
      %mul3A_316 = arith.mulf %gather3A_296, %gather3A_296 : vector<16xf32>
      %add3A_317 = arith.addf %add3A_257, %mul3A_316 : vector<16xf32>
      %mul3A_318 = arith.mulf %gather3A_298, %gather3A_298 : vector<16xf32>
      %add3A_319 = arith.addf %add3A_259, %mul3A_318 : vector<16xf32>
      %xor3A_320 = arith.constant 7 : i32
      %xor3A_321 = vector.broadcast %xor3A_320 : i32 to vector<16xi32>
      %xor3A_322 = arith.xori %iota3A, %xor3A_321 : vector<16xi32>
      %add3A_323 = arith.constant 64 : i32
      %add3A_324 = vector.broadcast %add3A_323 : i32 to vector<16xi32>
      %add3A_325 = arith.addi %xor3A_322, %add3A_324 : vector<16xi32>
      %gather3A_326 = tpu.vector_load_idx %arg11[%add3A_113, %xor3A_322] : memref<128x128xf32, #tpu.memory_space<vmem>>[vector<16xi32>, vector<16xi32>], vector<16xf32>,
      %gather3A_327 = tpu.vector_load_idx %arg11[%add3A_113, %add3A_325] : memref<128x128xf32, #tpu.memory_space<vmem>>[vector<16xi32>, vector<16xi32>], vector<16xf32>,
      %gather3A_328 = tpu.vector_load_idx %arg13[%add3A_113, %xor3A_322] : memref<128x128xf32, #tpu.memory_space<vmem>>[vector<16xi32>, vector<16xi32>], vector<16xf32>,
      %gather3A_329 = tpu.vector_load_idx %arg13[%add3A_113, %add3A_325] : memref<128x128xf32, #tpu.memory_space<vmem>>[vector<16xi32>, vector<16xi32>], vector<16xf32>,
      %gather3A_330 = tpu.vector_load_idx %arg12[%add3A_113, %xor3A_322] : memref<128x128xf32, #tpu.memory_space<vmem>>[vector<16xi32>, vector<16xi32>], vector<16xf32>,
      %gather3A_331 = tpu.vector_load_idx %arg12[%add3A_113, %add3A_325] : memref<128x128xf32, #tpu.memory_space<vmem>>[vector<16xi32>, vector<16xi32>], vector<16xf32>,
      %sub3A_332 = arith.subf %gather3A_326, %gather3A_328 : vector<16xf32>
      %sub3A_333 = arith.subf %sub3A_332, %gather3A_330 : vector<16xf32>
      %abs3A_334 = math.absf %sub3A_333 : vector<16xf32>
      %abs3A_335 = math.absf %gather3A_327 : vector<16xf32>
      %add3A_336 = arith.addf %abs3A_334, %abs3A_335 : vector<16xf32>
      %abs3A_337 = math.absf %gather3A_329 : vector<16xf32>
      %add3A_338 = arith.addf %add3A_336, %abs3A_337 : vector<16xf32>
      %abs3A_339 = math.absf %gather3A_331 : vector<16xf32>
      %sub3A_340 = arith.subf %add3A_338, %abs3A_339 : vector<16xf32>
      %max3A_341 = arith.constant 0.000000e+00 : f32
      %max3A_342 = vector.broadcast %max3A_341 : f32 to vector<16xf32>
      %max3A_343 = arith.maximumf %sub3A_340, %max3A_342 : vector<16xf32>
      %mul3A_344 = arith.mulf %max3A_343, %max3A_343 : vector<16xf32>
      %add3A_345 = arith.addf %add3A_285, %mul3A_344 : vector<16xf32>
      %mul3A_346 = arith.mulf %gather3A_326, %gather3A_326 : vector<16xf32>
      %add3A_347 = arith.addf %add3A_287, %mul3A_346 : vector<16xf32>
      %mul3A_348 = arith.mulf %gather3A_328, %gather3A_328 : vector<16xf32>
      %add3A_349 = arith.addf %add3A_289, %mul3A_348 : vector<16xf32>
      %add3A_350 = arith.addf %add3A_315, %add3A_345 : vector<16xf32>
      %bitcast3A = vector.bitcast %add3A_350 : vector<16xf32> to vector<16xi32>
      %shift_right_arithmetic3A = arith.constant 1 : i32
      %shift_right_arithmetic3A_351 = vector.broadcast %shift_right_arithmetic3A : i32 to vector<16xi32>
      %shift_right_arithmetic3A_352 = arith.shrsi %bitcast3A, %shift_right_arithmetic3A_351 : vector<16xi32>
      %add3A_353 = arith.constant 532487669 : i32
      %add3A_354 = vector.broadcast %add3A_353 : i32 to vector<16xi32>
      %add3A_355 = arith.addi %shift_right_arithmetic3A_352, %add3A_354 : vector<16xi32>
      %bitcast3A_356 = vector.bitcast %add3A_355 : vector<16xi32> to vector<16xf32>
      %div3A = arith.divf %add3A_350, %bitcast3A_356 : vector<16xf32>
      %add3A_357 = arith.addf %bitcast3A_356, %div3A : vector<16xf32>
      %mul3A_358 = arith.constant 5.000000e-01 : f32
      %mul3A_359 = vector.broadcast %mul3A_358 : f32 to vector<16xf32>
      %mul3A_360 = arith.mulf %mul3A_359, %add3A_357 : vector<16xf32>
      %div3A_361 = arith.divf %add3A_350, %mul3A_360 : vector<16xf32>
      %add3A_362 = arith.addf %mul3A_360, %div3A_361 : vector<16xf32>
      %mul3A_363 = arith.constant 5.000000e-01 : f32
      %mul3A_364 = vector.broadcast %mul3A_363 : f32 to vector<16xf32>
      %mul3A_365 = arith.mulf %mul3A_364, %add3A_362 : vector<16xf32>
      %add3A_366 = arith.addf %add3A_317, %add3A_347 : vector<16xf32>
      %bitcast3A_367 = vector.bitcast %add3A_366 : vector<16xf32> to vector<16xi32>
      %shift_right_arithmetic3A_368 = arith.constant 1 : i32
      %shift_right_arithmetic3A_369 = vector.broadcast %shift_right_arithmetic3A_368 : i32 to vector<16xi32>
      %shift_right_arithmetic3A_370 = arith.shrsi %bitcast3A_367, %shift_right_arithmetic3A_369 : vector<16xi32>
      %add3A_371 = arith.constant 532487669 : i32
      %add3A_372 = vector.broadcast %add3A_371 : i32 to vector<16xi32>
      %add3A_373 = arith.addi %shift_right_arithmetic3A_370, %add3A_372 : vector<16xi32>
      %bitcast3A_374 = vector.bitcast %add3A_373 : vector<16xi32> to vector<16xf32>
      %div3A_375 = arith.divf %add3A_366, %bitcast3A_374 : vector<16xf32>
      %add3A_376 = arith.addf %bitcast3A_374, %div3A_375 : vector<16xf32>
      %mul3A_377 = arith.constant 5.000000e-01 : f32
      %mul3A_378 = vector.broadcast %mul3A_377 : f32 to vector<16xf32>
      %mul3A_379 = arith.mulf %mul3A_378, %add3A_376 : vector<16xf32>
      %div3A_380 = arith.divf %add3A_366, %mul3A_379 : vector<16xf32>
      %add3A_381 = arith.addf %mul3A_379, %div3A_380 : vector<16xf32>
      %mul3A_382 = arith.constant 5.000000e-01 : f32
      %mul3A_383 = vector.broadcast %mul3A_382 : f32 to vector<16xf32>
      %mul3A_384 = arith.mulf %mul3A_383, %add3A_381 : vector<16xf32>
      %sub3A_385 = arith.constant 1.000000e+00 : f32
      %sub3A_386 = vector.broadcast %sub3A_385 : f32 to vector<16xf32>
      %sub3A_387 = arith.subf %mul3A_384, %sub3A_386 : vector<16xf32>
      %abs3A_388 = math.absf %sub3A_387 : vector<16xf32>
      %add3A_389 = arith.addf %mul3A_365, %abs3A_388 : vector<16xf32>
      %add3A_390 = arith.addf %add3A_319, %add3A_349 : vector<16xf32>
      %bitcast3A_391 = vector.bitcast %add3A_390 : vector<16xf32> to vector<16xi32>
      %shift_right_arithmetic3A_392 = arith.constant 1 : i32
      %shift_right_arithmetic3A_393 = vector.broadcast %shift_right_arithmetic3A_392 : i32 to vector<16xi32>
      %shift_right_arithmetic3A_394 = arith.shrsi %bitcast3A_391, %shift_right_arithmetic3A_393 : vector<16xi32>
      %add3A_395 = arith.constant 532487669 : i32
      %add3A_396 = vector.broadcast %add3A_395 : i32 to vector<16xi32>
      %add3A_397 = arith.addi %shift_right_arithmetic3A_394, %add3A_396 : vector<16xi32>
      %bitcast3A_398 = vector.bitcast %add3A_397 : vector<16xi32> to vector<16xf32>
      %div3A_399 = arith.divf %add3A_390, %bitcast3A_398 : vector<16xf32>
      %add3A_400 = arith.addf %bitcast3A_398, %div3A_399 : vector<16xf32>
      %mul3A_401 = arith.constant 5.000000e-01 : f32
      %mul3A_402 = vector.broadcast %mul3A_401 : f32 to vector<16xf32>
      %mul3A_403 = arith.mulf %mul3A_402, %add3A_400 : vector<16xf32>
      %div3A_404 = arith.divf %add3A_390, %mul3A_403 : vector<16xf32>
      %add3A_405 = arith.addf %mul3A_403, %div3A_404 : vector<16xf32>
      %mul3A_406 = arith.constant 5.000000e-01 : f32
      %mul3A_407 = vector.broadcast %mul3A_406 : f32 to vector<16xf32>
      %mul3A_408 = arith.mulf %mul3A_407, %add3A_405 : vector<16xf32>
      %sub3A_409 = arith.constant 1.000000e+00 : f32
      %sub3A_410 = vector.broadcast %sub3A_409 : f32 to vector<16xf32>
      %sub3A_411 = arith.subf %mul3A_408, %sub3A_410 : vector<16xf32>
      %abs3A_412 = math.absf %sub3A_411 : vector<16xf32>
      %add3A_413 = arith.addf %add3A_389, %abs3A_412 : vector<16xf32>
      %mul3A_414 = arith.constant 16 : i32
      %mul3A_415 = arith.muli %scan3A_108, %mul3A_414 : i32
      %add3A_416 = arith.constant 0 : i32
      %add3A_417 = arith.addi %add3A_416, %mul3A_415 : i32
      %swap3A = arith.index_cast %add3A_417 : i32 to index
      %swap3A_418 = tpu.vector_load %arg20[%swap3A] {strides = array<i32>} : memref<512xf32, #tpu.memory_space<vmem>>, vector<16xf32>,
      tpu.vector_store %arg20[%swap3A], %add3A_413 {strides = array<i32>} : memref<512xf32, #tpu.memory_space<vmem>>, vector<16xf32>,
      %scan3A_419 = arith.constant 0 : i32
      scf.yield %scan3A_419 : i32
    }
    %scan3A_37 = arith.constant 8 : i32
    %add3A_38 = arith.constant 256 : i32
    %add3A_39 = arith.addi %mul3A_2, %add3A_38 : i32
    "tpu.region"() ({
      %run_scoped3A = tpu.sem_alloc : memref<!tpu.dma_semaphore, #tpu.memory_space<semaphore_mem>>
      %dma_start3A_108 = tpu.memref_slice %arg2[%add3A_39] : memref<16384xi32, #tpu.memory_space<hbm>> -> memref<128xi32, #tpu.memory_space<hbm>>
      %dma_start3A_109 = tpu.memref_slice %arg2[%add3A_39] : memref<16384xi32, #tpu.memory_space<hbm>> -> memref<128xi32, #tpu.memory_space<hbm>>
      tpu.enqueue_dma source(%dma_start3A_109 : memref<128xi32, #tpu.memory_space<hbm>>) target(%arg8 : memref<128xi32, #tpu.memory_space<vmem>>) target_semaphore(%run_scoped3A : memref<!tpu.dma_semaphore, #tpu.memory_space<semaphore_mem>>)
      %dma_wait3A_110 = tpu.memref_slice %arg2[%add3A_39] : memref<16384xi32, #tpu.memory_space<hbm>> -> memref<128xi32, #tpu.memory_space<hbm>>
      %dma_wait3A_111 = tpu.memref_slice %arg2[%add3A_39] : memref<16384xi32, #tpu.memory_space<hbm>> -> memref<128xi32, #tpu.memory_space<hbm>>
      tpu.wait_dma2 semaphore(%run_scoped3A : memref<!tpu.dma_semaphore, #tpu.memory_space<semaphore_mem>>) src(%dma_wait3A_111 : memref<128xi32, #tpu.memory_space<hbm>>) dst(%arg8 : memref<128xi32, #tpu.memory_space<vmem>>)
      tpu.yield
    }) : () -> ()
    "tpu.region"() ({
      %run_scoped3A = tpu.sem_alloc : memref<!tpu.dma_semaphore, #tpu.memory_space<semaphore_mem>>
      %dma_start3A_108 = tpu.memref_slice %arg3[%add3A_39] : memref<16384xi32, #tpu.memory_space<hbm>> -> memref<128xi32, #tpu.memory_space<hbm>>
      %dma_start3A_109 = tpu.memref_slice %arg3[%add3A_39] : memref<16384xi32, #tpu.memory_space<hbm>> -> memref<128xi32, #tpu.memory_space<hbm>>
      tpu.enqueue_dma source(%dma_start3A_109 : memref<128xi32, #tpu.memory_space<hbm>>) target(%arg9 : memref<128xi32, #tpu.memory_space<vmem>>) target_semaphore(%run_scoped3A : memref<!tpu.dma_semaphore, #tpu.memory_space<semaphore_mem>>)
      %dma_wait3A_110 = tpu.memref_slice %arg3[%add3A_39] : memref<16384xi32, #tpu.memory_space<hbm>> -> memref<128xi32, #tpu.memory_space<hbm>>
      %dma_wait3A_111 = tpu.memref_slice %arg3[%add3A_39] : memref<16384xi32, #tpu.memory_space<hbm>> -> memref<128xi32, #tpu.memory_space<hbm>>
      tpu.wait_dma2 semaphore(%run_scoped3A : memref<!tpu.dma_semaphore, #tpu.memory_space<semaphore_mem>>) src(%dma_wait3A_111 : memref<128xi32, #tpu.memory_space<hbm>>) dst(%arg9 : memref<128xi32, #tpu.memory_space<vmem>>)
      tpu.yield
    }) : () -> ()
    "tpu.region"() ({
      %run_scoped3A = tpu.sem_alloc : memref<!tpu.dma_semaphore, #tpu.memory_space<semaphore_mem>>
      %dma_start3A_108 = tpu.memref_slice %arg4[%add3A_39] : memref<16384xi32, #tpu.memory_space<hbm>> -> memref<128xi32, #tpu.memory_space<hbm>>
      %dma_start3A_109 = tpu.memref_slice %arg4[%add3A_39] : memref<16384xi32, #tpu.memory_space<hbm>> -> memref<128xi32, #tpu.memory_space<hbm>>
      tpu.enqueue_dma source(%dma_start3A_109 : memref<128xi32, #tpu.memory_space<hbm>>) target(%arg10 : memref<128xi32, #tpu.memory_space<vmem>>) target_semaphore(%run_scoped3A : memref<!tpu.dma_semaphore, #tpu.memory_space<semaphore_mem>>)
      %dma_wait3A_110 = tpu.memref_slice %arg4[%add3A_39] : memref<16384xi32, #tpu.memory_space<hbm>> -> memref<128xi32, #tpu.memory_space<hbm>>
      %dma_wait3A_111 = tpu.memref_slice %arg4[%add3A_39] : memref<16384xi32, #tpu.memory_space<hbm>> -> memref<128xi32, #tpu.memory_space<hbm>>
      tpu.wait_dma2 semaphore(%run_scoped3A : memref<!tpu.dma_semaphore, #tpu.memory_space<semaphore_mem>>) src(%dma_wait3A_111 : memref<128xi32, #tpu.memory_space<hbm>>) dst(%arg10 : memref<128xi32, #tpu.memory_space<vmem>>)
      tpu.yield
    }) : () -> ()
    %dma_start3A_40 = arith.constant 0 : i32
    %dma_start3A_41 = arith.constant 0 : i32
    %dma_start3A_42 = tpu.memref_slice %arg5[%dma_start3A_40, %dma_start3A_41] : memref<1000x128xf32, #tpu.memory_space<hbm>> -> memref<1000x128xf32, #tpu.memory_space<hbm>>
    tpu.enqueue_indirect_dma source(%dma_start3A_42 : memref<1000x128xf32, #tpu.memory_space<hbm>>) target(%arg11 : memref<128x128xf32, #tpu.memory_space<vmem>>) offsets(%arg8 : memref<128xi32, #tpu.memory_space<vmem>>) semaphore(%arg21 : memref<!tpu.dma_semaphore, #tpu.memory_space<semaphore_mem>>)
    %dma_start3A_43 = arith.constant 0 : i32
    %dma_start3A_44 = arith.constant 0 : i32
    %dma_start3A_45 = tpu.memref_slice %arg6[%dma_start3A_43, %dma_start3A_44] : memref<1000x128xf32, #tpu.memory_space<hbm>> -> memref<1000x128xf32, #tpu.memory_space<hbm>>
    tpu.enqueue_indirect_dma source(%dma_start3A_45 : memref<1000x128xf32, #tpu.memory_space<hbm>>) target(%arg12 : memref<128x128xf32, #tpu.memory_space<vmem>>) offsets(%arg9 : memref<128xi32, #tpu.memory_space<vmem>>) semaphore(%arg21 : memref<!tpu.dma_semaphore, #tpu.memory_space<semaphore_mem>>)
    %dma_start3A_46 = arith.constant 0 : i32
    %dma_start3A_47 = arith.constant 0 : i32
    %dma_start3A_48 = tpu.memref_slice %arg5[%dma_start3A_46, %dma_start3A_47] : memref<1000x128xf32, #tpu.memory_space<hbm>> -> memref<1000x128xf32, #tpu.memory_space<hbm>>
    tpu.enqueue_indirect_dma source(%dma_start3A_48 : memref<1000x128xf32, #tpu.memory_space<hbm>>) target(%arg13 : memref<128x128xf32, #tpu.memory_space<vmem>>) offsets(%arg10 : memref<128xi32, #tpu.memory_space<vmem>>) semaphore(%arg21 : memref<!tpu.dma_semaphore, #tpu.memory_space<semaphore_mem>>)
    %dma_wait3A_49 = arith.constant 0 : i32
    %dma_wait3A_50 = arith.constant 0 : i32
    %dma_wait3A_51 = tpu.memref_slice %arg5[%dma_wait3A_49, %dma_wait3A_50] : memref<1000x128xf32, #tpu.memory_space<hbm>> -> memref<1000x128xf32, #tpu.memory_space<hbm>>
    tpu.wait_indirect_dma semaphore(%arg22 : memref<!tpu.dma_semaphore, #tpu.memory_space<semaphore_mem>>) src(%dma_wait3A_51 : memref<1000x128xf32, #tpu.memory_space<hbm>>) dst(%arg17 : memref<128x128xf32, #tpu.memory_space<vmem>>)
    %dma_wait3A_52 = arith.constant 0 : i32
    %dma_wait3A_53 = arith.constant 0 : i32
    %dma_wait3A_54 = tpu.memref_slice %arg6[%dma_wait3A_52, %dma_wait3A_53] : memref<1000x128xf32, #tpu.memory_space<hbm>> -> memref<1000x128xf32, #tpu.memory_space<hbm>>
    tpu.wait_indirect_dma semaphore(%arg22 : memref<!tpu.dma_semaphore, #tpu.memory_space<semaphore_mem>>) src(%dma_wait3A_54 : memref<1000x128xf32, #tpu.memory_space<hbm>>) dst(%arg18 : memref<128x128xf32, #tpu.memory_space<vmem>>)
    %dma_wait3A_55 = arith.constant 0 : i32
    %dma_wait3A_56 = arith.constant 0 : i32
    %dma_wait3A_57 = tpu.memref_slice %arg5[%dma_wait3A_55, %dma_wait3A_56] : memref<1000x128xf32, #tpu.memory_space<hbm>> -> memref<1000x128xf32, #tpu.memory_space<hbm>>
    tpu.wait_indirect_dma semaphore(%arg22 : memref<!tpu.dma_semaphore, #tpu.memory_space<semaphore_mem>>) src(%dma_wait3A_57 : memref<1000x128xf32, #tpu.memory_space<hbm>>) dst(%arg19 : memref<128x128xf32, #tpu.memory_space<vmem>>)
    %scan3A_58 = arith.constant 0 : i32
    %scan3A_59 = arith.constant 0 : i32
    %scan3A_60 = arith.constant 8 : i32
    %scan3A_61 = arith.addi %scan3A_59, %scan3A_60 : i32
    %scan3A_62 = arith.constant 1 : i32
    %scan3A_63 = scf.for %scan3A_108 = %scan3A_59 to %scan3A_61 step %scan3A_62 iter_args(%scan3A_109 = %scan3A_58) -> (i32)  : i32 {
      %mul3A_110 = arith.constant 16 : i32
      %mul3A_111 = arith.muli %scan3A_108, %mul3A_110 : i32
      %add3A_112 = vector.broadcast %mul3A_111 : i32 to vector<16xi32>
      %add3A_113 = arith.addi %iota3A, %add3A_112 : vector<16xi32>
      %broadcast_in_dim3A = arith.constant 0.000000e+00 : f32
      %broadcast_in_dim3A_114 = vector.broadcast %broadcast_in_dim3A : f32 to vector<16xf32>
      %xor3A = arith.constant 0 : i32
      %xor3A_115 = vector.broadcast %xor3A : i32 to vector<16xi32>
      %xor3A_116 = arith.xori %iota3A, %xor3A_115 : vector<16xi32>
      %add3A_117 = arith.constant 64 : i32
      %add3A_118 = vector.broadcast %add3A_117 : i32 to vector<16xi32>
      %add3A_119 = arith.addi %xor3A_116, %add3A_118 : vector<16xi32>
      %gather3A = tpu.vector_load_idx %arg17[%add3A_113, %xor3A_116] : memref<128x128xf32, #tpu.memory_space<vmem>>[vector<16xi32>, vector<16xi32>], vector<16xf32>,
      %gather3A_120 = tpu.vector_load_idx %arg17[%add3A_113, %add3A_119] : memref<128x128xf32, #tpu.memory_space<vmem>>[vector<16xi32>, vector<16xi32>], vector<16xf32>,
      %gather3A_121 = tpu.vector_load_idx %arg19[%add3A_113, %xor3A_116] : memref<128x128xf32, #tpu.memory_space<vmem>>[vector<16xi32>, vector<16xi32>], vector<16xf32>,
      %gather3A_122 = tpu.vector_load_idx %arg19[%add3A_113, %add3A_119] : memref<128x128xf32, #tpu.memory_space<vmem>>[vector<16xi32>, vector<16xi32>], vector<16xf32>,
      %gather3A_123 = tpu.vector_load_idx %arg18[%add3A_113, %xor3A_116] : memref<128x128xf32, #tpu.memory_space<vmem>>[vector<16xi32>, vector<16xi32>], vector<16xf32>,
      %gather3A_124 = tpu.vector_load_idx %arg18[%add3A_113, %add3A_119] : memref<128x128xf32, #tpu.memory_space<vmem>>[vector<16xi32>, vector<16xi32>], vector<16xf32>,
      %sub3A = arith.subf %gather3A, %gather3A_121 : vector<16xf32>
      %sub3A_125 = arith.subf %sub3A, %gather3A_123 : vector<16xf32>
      %abs3A = math.absf %sub3A_125 : vector<16xf32>
      %abs3A_126 = math.absf %gather3A_120 : vector<16xf32>
      %add3A_127 = arith.addf %abs3A, %abs3A_126 : vector<16xf32>
      %abs3A_128 = math.absf %gather3A_122 : vector<16xf32>
      %add3A_129 = arith.addf %add3A_127, %abs3A_128 : vector<16xf32>
      %abs3A_130 = math.absf %gather3A_124 : vector<16xf32>
      %sub3A_131 = arith.subf %add3A_129, %abs3A_130 : vector<16xf32>
      %max3A = arith.constant 0.000000e+00 : f32
      %max3A_132 = vector.broadcast %max3A : f32 to vector<16xf32>
      %max3A_133 = arith.maximumf %sub3A_131, %max3A_132 : vector<16xf32>
      %mul3A_134 = arith.mulf %max3A_133, %max3A_133 : vector<16xf32>
      %add3A_135 = arith.addf %broadcast_in_dim3A_114, %mul3A_134 : vector<16xf32>
      %mul3A_136 = arith.mulf %gather3A, %gather3A : vector<16xf32>
      %add3A_137 = arith.addf %broadcast_in_dim3A_114, %mul3A_136 : vector<16xf32>
      %mul3A_138 = arith.mulf %gather3A_121, %gather3A_121 : vector<16xf32>
      %add3A_139 = arith.addf %broadcast_in_dim3A_114, %mul3A_138 : vector<16xf32>
      %xor3A_140 = arith.constant 1 : i32
      %xor3A_141 = vector.broadcast %xor3A_140 : i32 to vector<16xi32>
      %xor3A_142 = arith.xori %iota3A, %xor3A_141 : vector<16xi32>
      %add3A_143 = arith.constant 64 : i32
      %add3A_144 = vector.broadcast %add3A_143 : i32 to vector<16xi32>
      %add3A_145 = arith.addi %xor3A_142, %add3A_144 : vector<16xi32>
      %gather3A_146 = tpu.vector_load_idx %arg17[%add3A_113, %xor3A_142] : memref<128x128xf32, #tpu.memory_space<vmem>>[vector<16xi32>, vector<16xi32>], vector<16xf32>,
      %gather3A_147 = tpu.vector_load_idx %arg17[%add3A_113, %add3A_145] : memref<128x128xf32, #tpu.memory_space<vmem>>[vector<16xi32>, vector<16xi32>], vector<16xf32>,
      %gather3A_148 = tpu.vector_load_idx %arg19[%add3A_113, %xor3A_142] : memref<128x128xf32, #tpu.memory_space<vmem>>[vector<16xi32>, vector<16xi32>], vector<16xf32>,
      %gather3A_149 = tpu.vector_load_idx %arg19[%add3A_113, %add3A_145] : memref<128x128xf32, #tpu.memory_space<vmem>>[vector<16xi32>, vector<16xi32>], vector<16xf32>,
      %gather3A_150 = tpu.vector_load_idx %arg18[%add3A_113, %xor3A_142] : memref<128x128xf32, #tpu.memory_space<vmem>>[vector<16xi32>, vector<16xi32>], vector<16xf32>,
      %gather3A_151 = tpu.vector_load_idx %arg18[%add3A_113, %add3A_145] : memref<128x128xf32, #tpu.memory_space<vmem>>[vector<16xi32>, vector<16xi32>], vector<16xf32>,
      %sub3A_152 = arith.subf %gather3A_146, %gather3A_148 : vector<16xf32>
      %sub3A_153 = arith.subf %sub3A_152, %gather3A_150 : vector<16xf32>
      %abs3A_154 = math.absf %sub3A_153 : vector<16xf32>
      %abs3A_155 = math.absf %gather3A_147 : vector<16xf32>
      %add3A_156 = arith.addf %abs3A_154, %abs3A_155 : vector<16xf32>
      %abs3A_157 = math.absf %gather3A_149 : vector<16xf32>
      %add3A_158 = arith.addf %add3A_156, %abs3A_157 : vector<16xf32>
      %abs3A_159 = math.absf %gather3A_151 : vector<16xf32>
      %sub3A_160 = arith.subf %add3A_158, %abs3A_159 : vector<16xf32>
      %max3A_161 = arith.constant 0.000000e+00 : f32
      %max3A_162 = vector.broadcast %max3A_161 : f32 to vector<16xf32>
      %max3A_163 = arith.maximumf %sub3A_160, %max3A_162 : vector<16xf32>
      %mul3A_164 = arith.mulf %max3A_163, %max3A_163 : vector<16xf32>
      %add3A_165 = arith.addf %broadcast_in_dim3A_114, %mul3A_164 : vector<16xf32>
      %mul3A_166 = arith.mulf %gather3A_146, %gather3A_146 : vector<16xf32>
      %add3A_167 = arith.addf %broadcast_in_dim3A_114, %mul3A_166 : vector<16xf32>
      %mul3A_168 = arith.mulf %gather3A_148, %gather3A_148 : vector<16xf32>
      %add3A_169 = arith.addf %broadcast_in_dim3A_114, %mul3A_168 : vector<16xf32>
      %xor3A_170 = arith.constant 2 : i32
      %xor3A_171 = vector.broadcast %xor3A_170 : i32 to vector<16xi32>
      %xor3A_172 = arith.xori %iota3A, %xor3A_171 : vector<16xi32>
      %add3A_173 = arith.constant 64 : i32
      %add3A_174 = vector.broadcast %add3A_173 : i32 to vector<16xi32>
      %add3A_175 = arith.addi %xor3A_172, %add3A_174 : vector<16xi32>
      %gather3A_176 = tpu.vector_load_idx %arg17[%add3A_113, %xor3A_172] : memref<128x128xf32, #tpu.memory_space<vmem>>[vector<16xi32>, vector<16xi32>], vector<16xf32>,
      %gather3A_177 = tpu.vector_load_idx %arg17[%add3A_113, %add3A_175] : memref<128x128xf32, #tpu.memory_space<vmem>>[vector<16xi32>, vector<16xi32>], vector<16xf32>,
      %gather3A_178 = tpu.vector_load_idx %arg19[%add3A_113, %xor3A_172] : memref<128x128xf32, #tpu.memory_space<vmem>>[vector<16xi32>, vector<16xi32>], vector<16xf32>,
      %gather3A_179 = tpu.vector_load_idx %arg19[%add3A_113, %add3A_175] : memref<128x128xf32, #tpu.memory_space<vmem>>[vector<16xi32>, vector<16xi32>], vector<16xf32>,
      %gather3A_180 = tpu.vector_load_idx %arg18[%add3A_113, %xor3A_172] : memref<128x128xf32, #tpu.memory_space<vmem>>[vector<16xi32>, vector<16xi32>], vector<16xf32>,
      %gather3A_181 = tpu.vector_load_idx %arg18[%add3A_113, %add3A_175] : memref<128x128xf32, #tpu.memory_space<vmem>>[vector<16xi32>, vector<16xi32>], vector<16xf32>,
      %sub3A_182 = arith.subf %gather3A_176, %gather3A_178 : vector<16xf32>
      %sub3A_183 = arith.subf %sub3A_182, %gather3A_180 : vector<16xf32>
      %abs3A_184 = math.absf %sub3A_183 : vector<16xf32>
      %abs3A_185 = math.absf %gather3A_177 : vector<16xf32>
      %add3A_186 = arith.addf %abs3A_184, %abs3A_185 : vector<16xf32>
      %abs3A_187 = math.absf %gather3A_179 : vector<16xf32>
      %add3A_188 = arith.addf %add3A_186, %abs3A_187 : vector<16xf32>
      %abs3A_189 = math.absf %gather3A_181 : vector<16xf32>
      %sub3A_190 = arith.subf %add3A_188, %abs3A_189 : vector<16xf32>
      %max3A_191 = arith.constant 0.000000e+00 : f32
      %max3A_192 = vector.broadcast %max3A_191 : f32 to vector<16xf32>
      %max3A_193 = arith.maximumf %sub3A_190, %max3A_192 : vector<16xf32>
      %mul3A_194 = arith.mulf %max3A_193, %max3A_193 : vector<16xf32>
      %add3A_195 = arith.addf %add3A_135, %mul3A_194 : vector<16xf32>
      %mul3A_196 = arith.mulf %gather3A_176, %gather3A_176 : vector<16xf32>
      %add3A_197 = arith.addf %add3A_137, %mul3A_196 : vector<16xf32>
      %mul3A_198 = arith.mulf %gather3A_178, %gather3A_178 : vector<16xf32>
      %add3A_199 = arith.addf %add3A_139, %mul3A_198 : vector<16xf32>
      %xor3A_200 = arith.constant 3 : i32
      %xor3A_201 = vector.broadcast %xor3A_200 : i32 to vector<16xi32>
      %xor3A_202 = arith.xori %iota3A, %xor3A_201 : vector<16xi32>
      %add3A_203 = arith.constant 64 : i32
      %add3A_204 = vector.broadcast %add3A_203 : i32 to vector<16xi32>
      %add3A_205 = arith.addi %xor3A_202, %add3A_204 : vector<16xi32>
      %gather3A_206 = tpu.vector_load_idx %arg17[%add3A_113, %xor3A_202] : memref<128x128xf32, #tpu.memory_space<vmem>>[vector<16xi32>, vector<16xi32>], vector<16xf32>,
      %gather3A_207 = tpu.vector_load_idx %arg17[%add3A_113, %add3A_205] : memref<128x128xf32, #tpu.memory_space<vmem>>[vector<16xi32>, vector<16xi32>], vector<16xf32>,
      %gather3A_208 = tpu.vector_load_idx %arg19[%add3A_113, %xor3A_202] : memref<128x128xf32, #tpu.memory_space<vmem>>[vector<16xi32>, vector<16xi32>], vector<16xf32>,
      %gather3A_209 = tpu.vector_load_idx %arg19[%add3A_113, %add3A_205] : memref<128x128xf32, #tpu.memory_space<vmem>>[vector<16xi32>, vector<16xi32>], vector<16xf32>,
      %gather3A_210 = tpu.vector_load_idx %arg18[%add3A_113, %xor3A_202] : memref<128x128xf32, #tpu.memory_space<vmem>>[vector<16xi32>, vector<16xi32>], vector<16xf32>,
      %gather3A_211 = tpu.vector_load_idx %arg18[%add3A_113, %add3A_205] : memref<128x128xf32, #tpu.memory_space<vmem>>[vector<16xi32>, vector<16xi32>], vector<16xf32>,
      %sub3A_212 = arith.subf %gather3A_206, %gather3A_208 : vector<16xf32>
      %sub3A_213 = arith.subf %sub3A_212, %gather3A_210 : vector<16xf32>
      %abs3A_214 = math.absf %sub3A_213 : vector<16xf32>
      %abs3A_215 = math.absf %gather3A_207 : vector<16xf32>
      %add3A_216 = arith.addf %abs3A_214, %abs3A_215 : vector<16xf32>
      %abs3A_217 = math.absf %gather3A_209 : vector<16xf32>
      %add3A_218 = arith.addf %add3A_216, %abs3A_217 : vector<16xf32>
      %abs3A_219 = math.absf %gather3A_211 : vector<16xf32>
      %sub3A_220 = arith.subf %add3A_218, %abs3A_219 : vector<16xf32>
      %max3A_221 = arith.constant 0.000000e+00 : f32
      %max3A_222 = vector.broadcast %max3A_221 : f32 to vector<16xf32>
      %max3A_223 = arith.maximumf %sub3A_220, %max3A_222 : vector<16xf32>
      %mul3A_224 = arith.mulf %max3A_223, %max3A_223 : vector<16xf32>
      %add3A_225 = arith.addf %add3A_165, %mul3A_224 : vector<16xf32>
      %mul3A_226 = arith.mulf %gather3A_206, %gather3A_206 : vector<16xf32>
      %add3A_227 = arith.addf %add3A_167, %mul3A_226 : vector<16xf32>
      %mul3A_228 = arith.mulf %gather3A_208, %gather3A_208 : vector<16xf32>
      %add3A_229 = arith.addf %add3A_169, %mul3A_228 : vector<16xf32>
      %xor3A_230 = arith.constant 4 : i32
      %xor3A_231 = vector.broadcast %xor3A_230 : i32 to vector<16xi32>
      %xor3A_232 = arith.xori %iota3A, %xor3A_231 : vector<16xi32>
      %add3A_233 = arith.constant 64 : i32
      %add3A_234 = vector.broadcast %add3A_233 : i32 to vector<16xi32>
      %add3A_235 = arith.addi %xor3A_232, %add3A_234 : vector<16xi32>
      %gather3A_236 = tpu.vector_load_idx %arg17[%add3A_113, %xor3A_232] : memref<128x128xf32, #tpu.memory_space<vmem>>[vector<16xi32>, vector<16xi32>], vector<16xf32>,
      %gather3A_237 = tpu.vector_load_idx %arg17[%add3A_113, %add3A_235] : memref<128x128xf32, #tpu.memory_space<vmem>>[vector<16xi32>, vector<16xi32>], vector<16xf32>,
      %gather3A_238 = tpu.vector_load_idx %arg19[%add3A_113, %xor3A_232] : memref<128x128xf32, #tpu.memory_space<vmem>>[vector<16xi32>, vector<16xi32>], vector<16xf32>,
      %gather3A_239 = tpu.vector_load_idx %arg19[%add3A_113, %add3A_235] : memref<128x128xf32, #tpu.memory_space<vmem>>[vector<16xi32>, vector<16xi32>], vector<16xf32>,
      %gather3A_240 = tpu.vector_load_idx %arg18[%add3A_113, %xor3A_232] : memref<128x128xf32, #tpu.memory_space<vmem>>[vector<16xi32>, vector<16xi32>], vector<16xf32>,
      %gather3A_241 = tpu.vector_load_idx %arg18[%add3A_113, %add3A_235] : memref<128x128xf32, #tpu.memory_space<vmem>>[vector<16xi32>, vector<16xi32>], vector<16xf32>,
      %sub3A_242 = arith.subf %gather3A_236, %gather3A_238 : vector<16xf32>
      %sub3A_243 = arith.subf %sub3A_242, %gather3A_240 : vector<16xf32>
      %abs3A_244 = math.absf %sub3A_243 : vector<16xf32>
      %abs3A_245 = math.absf %gather3A_237 : vector<16xf32>
      %add3A_246 = arith.addf %abs3A_244, %abs3A_245 : vector<16xf32>
      %abs3A_247 = math.absf %gather3A_239 : vector<16xf32>
      %add3A_248 = arith.addf %add3A_246, %abs3A_247 : vector<16xf32>
      %abs3A_249 = math.absf %gather3A_241 : vector<16xf32>
      %sub3A_250 = arith.subf %add3A_248, %abs3A_249 : vector<16xf32>
      %max3A_251 = arith.constant 0.000000e+00 : f32
      %max3A_252 = vector.broadcast %max3A_251 : f32 to vector<16xf32>
      %max3A_253 = arith.maximumf %sub3A_250, %max3A_252 : vector<16xf32>
      %mul3A_254 = arith.mulf %max3A_253, %max3A_253 : vector<16xf32>
      %add3A_255 = arith.addf %add3A_195, %mul3A_254 : vector<16xf32>
      %mul3A_256 = arith.mulf %gather3A_236, %gather3A_236 : vector<16xf32>
      %add3A_257 = arith.addf %add3A_197, %mul3A_256 : vector<16xf32>
      %mul3A_258 = arith.mulf %gather3A_238, %gather3A_238 : vector<16xf32>
      %add3A_259 = arith.addf %add3A_199, %mul3A_258 : vector<16xf32>
      %xor3A_260 = arith.constant 5 : i32
      %xor3A_261 = vector.broadcast %xor3A_260 : i32 to vector<16xi32>
      %xor3A_262 = arith.xori %iota3A, %xor3A_261 : vector<16xi32>
      %add3A_263 = arith.constant 64 : i32
      %add3A_264 = vector.broadcast %add3A_263 : i32 to vector<16xi32>
      %add3A_265 = arith.addi %xor3A_262, %add3A_264 : vector<16xi32>
      %gather3A_266 = tpu.vector_load_idx %arg17[%add3A_113, %xor3A_262] : memref<128x128xf32, #tpu.memory_space<vmem>>[vector<16xi32>, vector<16xi32>], vector<16xf32>,
      %gather3A_267 = tpu.vector_load_idx %arg17[%add3A_113, %add3A_265] : memref<128x128xf32, #tpu.memory_space<vmem>>[vector<16xi32>, vector<16xi32>], vector<16xf32>,
      %gather3A_268 = tpu.vector_load_idx %arg19[%add3A_113, %xor3A_262] : memref<128x128xf32, #tpu.memory_space<vmem>>[vector<16xi32>, vector<16xi32>], vector<16xf32>,
      %gather3A_269 = tpu.vector_load_idx %arg19[%add3A_113, %add3A_265] : memref<128x128xf32, #tpu.memory_space<vmem>>[vector<16xi32>, vector<16xi32>], vector<16xf32>,
      %gather3A_270 = tpu.vector_load_idx %arg18[%add3A_113, %xor3A_262] : memref<128x128xf32, #tpu.memory_space<vmem>>[vector<16xi32>, vector<16xi32>], vector<16xf32>,
      %gather3A_271 = tpu.vector_load_idx %arg18[%add3A_113, %add3A_265] : memref<128x128xf32, #tpu.memory_space<vmem>>[vector<16xi32>, vector<16xi32>], vector<16xf32>,
      %sub3A_272 = arith.subf %gather3A_266, %gather3A_268 : vector<16xf32>
      %sub3A_273 = arith.subf %sub3A_272, %gather3A_270 : vector<16xf32>
      %abs3A_274 = math.absf %sub3A_273 : vector<16xf32>
      %abs3A_275 = math.absf %gather3A_267 : vector<16xf32>
      %add3A_276 = arith.addf %abs3A_274, %abs3A_275 : vector<16xf32>
      %abs3A_277 = math.absf %gather3A_269 : vector<16xf32>
      %add3A_278 = arith.addf %add3A_276, %abs3A_277 : vector<16xf32>
      %abs3A_279 = math.absf %gather3A_271 : vector<16xf32>
      %sub3A_280 = arith.subf %add3A_278, %abs3A_279 : vector<16xf32>
      %max3A_281 = arith.constant 0.000000e+00 : f32
      %max3A_282 = vector.broadcast %max3A_281 : f32 to vector<16xf32>
      %max3A_283 = arith.maximumf %sub3A_280, %max3A_282 : vector<16xf32>
      %mul3A_284 = arith.mulf %max3A_283, %max3A_283 : vector<16xf32>
      %add3A_285 = arith.addf %add3A_225, %mul3A_284 : vector<16xf32>
      %mul3A_286 = arith.mulf %gather3A_266, %gather3A_266 : vector<16xf32>
      %add3A_287 = arith.addf %add3A_227, %mul3A_286 : vector<16xf32>
      %mul3A_288 = arith.mulf %gather3A_268, %gather3A_268 : vector<16xf32>
      %add3A_289 = arith.addf %add3A_229, %mul3A_288 : vector<16xf32>
      %xor3A_290 = arith.constant 6 : i32
      %xor3A_291 = vector.broadcast %xor3A_290 : i32 to vector<16xi32>
      %xor3A_292 = arith.xori %iota3A, %xor3A_291 : vector<16xi32>
      %add3A_293 = arith.constant 64 : i32
      %add3A_294 = vector.broadcast %add3A_293 : i32 to vector<16xi32>
      %add3A_295 = arith.addi %xor3A_292, %add3A_294 : vector<16xi32>
      %gather3A_296 = tpu.vector_load_idx %arg17[%add3A_113, %xor3A_292] : memref<128x128xf32, #tpu.memory_space<vmem>>[vector<16xi32>, vector<16xi32>], vector<16xf32>,
      %gather3A_297 = tpu.vector_load_idx %arg17[%add3A_113, %add3A_295] : memref<128x128xf32, #tpu.memory_space<vmem>>[vector<16xi32>, vector<16xi32>], vector<16xf32>,
      %gather3A_298 = tpu.vector_load_idx %arg19[%add3A_113, %xor3A_292] : memref<128x128xf32, #tpu.memory_space<vmem>>[vector<16xi32>, vector<16xi32>], vector<16xf32>,
      %gather3A_299 = tpu.vector_load_idx %arg19[%add3A_113, %add3A_295] : memref<128x128xf32, #tpu.memory_space<vmem>>[vector<16xi32>, vector<16xi32>], vector<16xf32>,
      %gather3A_300 = tpu.vector_load_idx %arg18[%add3A_113, %xor3A_292] : memref<128x128xf32, #tpu.memory_space<vmem>>[vector<16xi32>, vector<16xi32>], vector<16xf32>,
      %gather3A_301 = tpu.vector_load_idx %arg18[%add3A_113, %add3A_295] : memref<128x128xf32, #tpu.memory_space<vmem>>[vector<16xi32>, vector<16xi32>], vector<16xf32>,
      %sub3A_302 = arith.subf %gather3A_296, %gather3A_298 : vector<16xf32>
      %sub3A_303 = arith.subf %sub3A_302, %gather3A_300 : vector<16xf32>
      %abs3A_304 = math.absf %sub3A_303 : vector<16xf32>
      %abs3A_305 = math.absf %gather3A_297 : vector<16xf32>
      %add3A_306 = arith.addf %abs3A_304, %abs3A_305 : vector<16xf32>
      %abs3A_307 = math.absf %gather3A_299 : vector<16xf32>
      %add3A_308 = arith.addf %add3A_306, %abs3A_307 : vector<16xf32>
      %abs3A_309 = math.absf %gather3A_301 : vector<16xf32>
      %sub3A_310 = arith.subf %add3A_308, %abs3A_309 : vector<16xf32>
      %max3A_311 = arith.constant 0.000000e+00 : f32
      %max3A_312 = vector.broadcast %max3A_311 : f32 to vector<16xf32>
      %max3A_313 = arith.maximumf %sub3A_310, %max3A_312 : vector<16xf32>
      %mul3A_314 = arith.mulf %max3A_313, %max3A_313 : vector<16xf32>
      %add3A_315 = arith.addf %add3A_255, %mul3A_314 : vector<16xf32>
      %mul3A_316 = arith.mulf %gather3A_296, %gather3A_296 : vector<16xf32>
      %add3A_317 = arith.addf %add3A_257, %mul3A_316 : vector<16xf32>
      %mul3A_318 = arith.mulf %gather3A_298, %gather3A_298 : vector<16xf32>
      %add3A_319 = arith.addf %add3A_259, %mul3A_318 : vector<16xf32>
      %xor3A_320 = arith.constant 7 : i32
      %xor3A_321 = vector.broadcast %xor3A_320 : i32 to vector<16xi32>
      %xor3A_322 = arith.xori %iota3A, %xor3A_321 : vector<16xi32>
      %add3A_323 = arith.constant 64 : i32
      %add3A_324 = vector.broadcast %add3A_323 : i32 to vector<16xi32>
      %add3A_325 = arith.addi %xor3A_322, %add3A_324 : vector<16xi32>
      %gather3A_326 = tpu.vector_load_idx %arg17[%add3A_113, %xor3A_322] : memref<128x128xf32, #tpu.memory_space<vmem>>[vector<16xi32>, vector<16xi32>], vector<16xf32>,
      %gather3A_327 = tpu.vector_load_idx %arg17[%add3A_113, %add3A_325] : memref<128x128xf32, #tpu.memory_space<vmem>>[vector<16xi32>, vector<16xi32>], vector<16xf32>,
      %gather3A_328 = tpu.vector_load_idx %arg19[%add3A_113, %xor3A_322] : memref<128x128xf32, #tpu.memory_space<vmem>>[vector<16xi32>, vector<16xi32>], vector<16xf32>,
      %gather3A_329 = tpu.vector_load_idx %arg19[%add3A_113, %add3A_325] : memref<128x128xf32, #tpu.memory_space<vmem>>[vector<16xi32>, vector<16xi32>], vector<16xf32>,
      %gather3A_330 = tpu.vector_load_idx %arg18[%add3A_113, %xor3A_322] : memref<128x128xf32, #tpu.memory_space<vmem>>[vector<16xi32>, vector<16xi32>], vector<16xf32>,
      %gather3A_331 = tpu.vector_load_idx %arg18[%add3A_113, %add3A_325] : memref<128x128xf32, #tpu.memory_space<vmem>>[vector<16xi32>, vector<16xi32>], vector<16xf32>,
      %sub3A_332 = arith.subf %gather3A_326, %gather3A_328 : vector<16xf32>
      %sub3A_333 = arith.subf %sub3A_332, %gather3A_330 : vector<16xf32>
      %abs3A_334 = math.absf %sub3A_333 : vector<16xf32>
      %abs3A_335 = math.absf %gather3A_327 : vector<16xf32>
      %add3A_336 = arith.addf %abs3A_334, %abs3A_335 : vector<16xf32>
      %abs3A_337 = math.absf %gather3A_329 : vector<16xf32>
      %add3A_338 = arith.addf %add3A_336, %abs3A_337 : vector<16xf32>
      %abs3A_339 = math.absf %gather3A_331 : vector<16xf32>
      %sub3A_340 = arith.subf %add3A_338, %abs3A_339 : vector<16xf32>
      %max3A_341 = arith.constant 0.000000e+00 : f32
      %max3A_342 = vector.broadcast %max3A_341 : f32 to vector<16xf32>
      %max3A_343 = arith.maximumf %sub3A_340, %max3A_342 : vector<16xf32>
      %mul3A_344 = arith.mulf %max3A_343, %max3A_343 : vector<16xf32>
      %add3A_345 = arith.addf %add3A_285, %mul3A_344 : vector<16xf32>
      %mul3A_346 = arith.mulf %gather3A_326, %gather3A_326 : vector<16xf32>
      %add3A_347 = arith.addf %add3A_287, %mul3A_346 : vector<16xf32>
      %mul3A_348 = arith.mulf %gather3A_328, %gather3A_328 : vector<16xf32>
      %add3A_349 = arith.addf %add3A_289, %mul3A_348 : vector<16xf32>
      %add3A_350 = arith.addf %add3A_315, %add3A_345 : vector<16xf32>
      %bitcast3A = vector.bitcast %add3A_350 : vector<16xf32> to vector<16xi32>
      %shift_right_arithmetic3A = arith.constant 1 : i32
      %shift_right_arithmetic3A_351 = vector.broadcast %shift_right_arithmetic3A : i32 to vector<16xi32>
      %shift_right_arithmetic3A_352 = arith.shrsi %bitcast3A, %shift_right_arithmetic3A_351 : vector<16xi32>
      %add3A_353 = arith.constant 532487669 : i32
      %add3A_354 = vector.broadcast %add3A_353 : i32 to vector<16xi32>
      %add3A_355 = arith.addi %shift_right_arithmetic3A_352, %add3A_354 : vector<16xi32>
      %bitcast3A_356 = vector.bitcast %add3A_355 : vector<16xi32> to vector<16xf32>
      %div3A = arith.divf %add3A_350, %bitcast3A_356 : vector<16xf32>
      %add3A_357 = arith.addf %bitcast3A_356, %div3A : vector<16xf32>
      %mul3A_358 = arith.constant 5.000000e-01 : f32
      %mul3A_359 = vector.broadcast %mul3A_358 : f32 to vector<16xf32>
      %mul3A_360 = arith.mulf %mul3A_359, %add3A_357 : vector<16xf32>
      %div3A_361 = arith.divf %add3A_350, %mul3A_360 : vector<16xf32>
      %add3A_362 = arith.addf %mul3A_360, %div3A_361 : vector<16xf32>
      %mul3A_363 = arith.constant 5.000000e-01 : f32
      %mul3A_364 = vector.broadcast %mul3A_363 : f32 to vector<16xf32>
      %mul3A_365 = arith.mulf %mul3A_364, %add3A_362 : vector<16xf32>
      %add3A_366 = arith.addf %add3A_317, %add3A_347 : vector<16xf32>
      %bitcast3A_367 = vector.bitcast %add3A_366 : vector<16xf32> to vector<16xi32>
      %shift_right_arithmetic3A_368 = arith.constant 1 : i32
      %shift_right_arithmetic3A_369 = vector.broadcast %shift_right_arithmetic3A_368 : i32 to vector<16xi32>
      %shift_right_arithmetic3A_370 = arith.shrsi %bitcast3A_367, %shift_right_arithmetic3A_369 : vector<16xi32>
      %add3A_371 = arith.constant 532487669 : i32
      %add3A_372 = vector.broadcast %add3A_371 : i32 to vector<16xi32>
      %add3A_373 = arith.addi %shift_right_arithmetic3A_370, %add3A_372 : vector<16xi32>
      %bitcast3A_374 = vector.bitcast %add3A_373 : vector<16xi32> to vector<16xf32>
      %div3A_375 = arith.divf %add3A_366, %bitcast3A_374 : vector<16xf32>
      %add3A_376 = arith.addf %bitcast3A_374, %div3A_375 : vector<16xf32>
      %mul3A_377 = arith.constant 5.000000e-01 : f32
      %mul3A_378 = vector.broadcast %mul3A_377 : f32 to vector<16xf32>
      %mul3A_379 = arith.mulf %mul3A_378, %add3A_376 : vector<16xf32>
      %div3A_380 = arith.divf %add3A_366, %mul3A_379 : vector<16xf32>
      %add3A_381 = arith.addf %mul3A_379, %div3A_380 : vector<16xf32>
      %mul3A_382 = arith.constant 5.000000e-01 : f32
      %mul3A_383 = vector.broadcast %mul3A_382 : f32 to vector<16xf32>
      %mul3A_384 = arith.mulf %mul3A_383, %add3A_381 : vector<16xf32>
      %sub3A_385 = arith.constant 1.000000e+00 : f32
      %sub3A_386 = vector.broadcast %sub3A_385 : f32 to vector<16xf32>
      %sub3A_387 = arith.subf %mul3A_384, %sub3A_386 : vector<16xf32>
      %abs3A_388 = math.absf %sub3A_387 : vector<16xf32>
      %add3A_389 = arith.addf %mul3A_365, %abs3A_388 : vector<16xf32>
      %add3A_390 = arith.addf %add3A_319, %add3A_349 : vector<16xf32>
      %bitcast3A_391 = vector.bitcast %add3A_390 : vector<16xf32> to vector<16xi32>
      %shift_right_arithmetic3A_392 = arith.constant 1 : i32
      %shift_right_arithmetic3A_393 = vector.broadcast %shift_right_arithmetic3A_392 : i32 to vector<16xi32>
      %shift_right_arithmetic3A_394 = arith.shrsi %bitcast3A_391, %shift_right_arithmetic3A_393 : vector<16xi32>
      %add3A_395 = arith.constant 532487669 : i32
      %add3A_396 = vector.broadcast %add3A_395 : i32 to vector<16xi32>
      %add3A_397 = arith.addi %shift_right_arithmetic3A_394, %add3A_396 : vector<16xi32>
      %bitcast3A_398 = vector.bitcast %add3A_397 : vector<16xi32> to vector<16xf32>
      %div3A_399 = arith.divf %add3A_390, %bitcast3A_398 : vector<16xf32>
      %add3A_400 = arith.addf %bitcast3A_398, %div3A_399 : vector<16xf32>
      %mul3A_401 = arith.constant 5.000000e-01 : f32
      %mul3A_402 = vector.broadcast %mul3A_401 : f32 to vector<16xf32>
      %mul3A_403 = arith.mulf %mul3A_402, %add3A_400 : vector<16xf32>
      %div3A_404 = arith.divf %add3A_390, %mul3A_403 : vector<16xf32>
      %add3A_405 = arith.addf %mul3A_403, %div3A_404 : vector<16xf32>
      %mul3A_406 = arith.constant 5.000000e-01 : f32
      %mul3A_407 = vector.broadcast %mul3A_406 : f32 to vector<16xf32>
      %mul3A_408 = arith.mulf %mul3A_407, %add3A_405 : vector<16xf32>
      %sub3A_409 = arith.constant 1.000000e+00 : f32
      %sub3A_410 = vector.broadcast %sub3A_409 : f32 to vector<16xf32>
      %sub3A_411 = arith.subf %mul3A_408, %sub3A_410 : vector<16xf32>
      %abs3A_412 = math.absf %sub3A_411 : vector<16xf32>
      %add3A_413 = arith.addf %add3A_389, %abs3A_412 : vector<16xf32>
      %mul3A_414 = arith.constant 16 : i32
      %mul3A_415 = arith.muli %scan3A_108, %mul3A_414 : i32
      %add3A_416 = arith.constant 128 : i32
      %add3A_417 = arith.addi %add3A_416, %mul3A_415 : i32
      %swap3A = arith.index_cast %add3A_417 : i32 to index
      %swap3A_418 = tpu.vector_load %arg20[%swap3A] {strides = array<i32>} : memref<512xf32, #tpu.memory_space<vmem>>, vector<16xf32>,
      tpu.vector_store %arg20[%swap3A], %add3A_413 {strides = array<i32>} : memref<512xf32, #tpu.memory_space<vmem>>, vector<16xf32>,
      %scan3A_419 = arith.constant 0 : i32
      scf.yield %scan3A_419 : i32
    }
    %scan3A_64 = arith.constant 8 : i32
    %add3A_65 = arith.constant 384 : i32
    %add3A_66 = arith.addi %mul3A_2, %add3A_65 : i32
    "tpu.region"() ({
      %run_scoped3A = tpu.sem_alloc : memref<!tpu.dma_semaphore, #tpu.memory_space<semaphore_mem>>
      %dma_start3A_108 = tpu.memref_slice %arg2[%add3A_66] : memref<16384xi32, #tpu.memory_space<hbm>> -> memref<128xi32, #tpu.memory_space<hbm>>
      %dma_start3A_109 = tpu.memref_slice %arg2[%add3A_66] : memref<16384xi32, #tpu.memory_space<hbm>> -> memref<128xi32, #tpu.memory_space<hbm>>
      tpu.enqueue_dma source(%dma_start3A_109 : memref<128xi32, #tpu.memory_space<hbm>>) target(%arg14 : memref<128xi32, #tpu.memory_space<vmem>>) target_semaphore(%run_scoped3A : memref<!tpu.dma_semaphore, #tpu.memory_space<semaphore_mem>>)
      %dma_wait3A_110 = tpu.memref_slice %arg2[%add3A_66] : memref<16384xi32, #tpu.memory_space<hbm>> -> memref<128xi32, #tpu.memory_space<hbm>>
      %dma_wait3A_111 = tpu.memref_slice %arg2[%add3A_66] : memref<16384xi32, #tpu.memory_space<hbm>> -> memref<128xi32, #tpu.memory_space<hbm>>
      tpu.wait_dma2 semaphore(%run_scoped3A : memref<!tpu.dma_semaphore, #tpu.memory_space<semaphore_mem>>) src(%dma_wait3A_111 : memref<128xi32, #tpu.memory_space<hbm>>) dst(%arg14 : memref<128xi32, #tpu.memory_space<vmem>>)
      tpu.yield
    }) : () -> ()
    "tpu.region"() ({
      %run_scoped3A = tpu.sem_alloc : memref<!tpu.dma_semaphore, #tpu.memory_space<semaphore_mem>>
      %dma_start3A_108 = tpu.memref_slice %arg3[%add3A_66] : memref<16384xi32, #tpu.memory_space<hbm>> -> memref<128xi32, #tpu.memory_space<hbm>>
      %dma_start3A_109 = tpu.memref_slice %arg3[%add3A_66] : memref<16384xi32, #tpu.memory_space<hbm>> -> memref<128xi32, #tpu.memory_space<hbm>>
      tpu.enqueue_dma source(%dma_start3A_109 : memref<128xi32, #tpu.memory_space<hbm>>) target(%arg15 : memref<128xi32, #tpu.memory_space<vmem>>) target_semaphore(%run_scoped3A : memref<!tpu.dma_semaphore, #tpu.memory_space<semaphore_mem>>)
      %dma_wait3A_110 = tpu.memref_slice %arg3[%add3A_66] : memref<16384xi32, #tpu.memory_space<hbm>> -> memref<128xi32, #tpu.memory_space<hbm>>
      %dma_wait3A_111 = tpu.memref_slice %arg3[%add3A_66] : memref<16384xi32, #tpu.memory_space<hbm>> -> memref<128xi32, #tpu.memory_space<hbm>>
      tpu.wait_dma2 semaphore(%run_scoped3A : memref<!tpu.dma_semaphore, #tpu.memory_space<semaphore_mem>>) src(%dma_wait3A_111 : memref<128xi32, #tpu.memory_space<hbm>>) dst(%arg15 : memref<128xi32, #tpu.memory_space<vmem>>)
      tpu.yield
    }) : () -> ()
    "tpu.region"() ({
      %run_scoped3A = tpu.sem_alloc : memref<!tpu.dma_semaphore, #tpu.memory_space<semaphore_mem>>
      %dma_start3A_108 = tpu.memref_slice %arg4[%add3A_66] : memref<16384xi32, #tpu.memory_space<hbm>> -> memref<128xi32, #tpu.memory_space<hbm>>
      %dma_start3A_109 = tpu.memref_slice %arg4[%add3A_66] : memref<16384xi32, #tpu.memory_space<hbm>> -> memref<128xi32, #tpu.memory_space<hbm>>
      tpu.enqueue_dma source(%dma_start3A_109 : memref<128xi32, #tpu.memory_space<hbm>>) target(%arg16 : memref<128xi32, #tpu.memory_space<vmem>>) target_semaphore(%run_scoped3A : memref<!tpu.dma_semaphore, #tpu.memory_space<semaphore_mem>>)
      %dma_wait3A_110 = tpu.memref_slice %arg4[%add3A_66] : memref<16384xi32, #tpu.memory_space<hbm>> -> memref<128xi32, #tpu.memory_space<hbm>>
      %dma_wait3A_111 = tpu.memref_slice %arg4[%add3A_66] : memref<16384xi32, #tpu.memory_space<hbm>> -> memref<128xi32, #tpu.memory_space<hbm>>
      tpu.wait_dma2 semaphore(%run_scoped3A : memref<!tpu.dma_semaphore, #tpu.memory_space<semaphore_mem>>) src(%dma_wait3A_111 : memref<128xi32, #tpu.memory_space<hbm>>) dst(%arg16 : memref<128xi32, #tpu.memory_space<vmem>>)
      tpu.yield
    }) : () -> ()
    %dma_start3A_67 = arith.constant 0 : i32
    %dma_start3A_68 = arith.constant 0 : i32
    %dma_start3A_69 = tpu.memref_slice %arg5[%dma_start3A_67, %dma_start3A_68] : memref<1000x128xf32, #tpu.memory_space<hbm>> -> memref<1000x128xf32, #tpu.memory_space<hbm>>
    tpu.enqueue_indirect_dma source(%dma_start3A_69 : memref<1000x128xf32, #tpu.memory_space<hbm>>) target(%arg17 : memref<128x128xf32, #tpu.memory_space<vmem>>) offsets(%arg14 : memref<128xi32, #tpu.memory_space<vmem>>) semaphore(%arg22 : memref<!tpu.dma_semaphore, #tpu.memory_space<semaphore_mem>>)
    %dma_start3A_70 = arith.constant 0 : i32
    %dma_start3A_71 = arith.constant 0 : i32
    %dma_start3A_72 = tpu.memref_slice %arg6[%dma_start3A_70, %dma_start3A_71] : memref<1000x128xf32, #tpu.memory_space<hbm>> -> memref<1000x128xf32, #tpu.memory_space<hbm>>
    tpu.enqueue_indirect_dma source(%dma_start3A_72 : memref<1000x128xf32, #tpu.memory_space<hbm>>) target(%arg18 : memref<128x128xf32, #tpu.memory_space<vmem>>) offsets(%arg15 : memref<128xi32, #tpu.memory_space<vmem>>) semaphore(%arg22 : memref<!tpu.dma_semaphore, #tpu.memory_space<semaphore_mem>>)
    %dma_start3A_73 = arith.constant 0 : i32
    %dma_start3A_74 = arith.constant 0 : i32
    %dma_start3A_75 = tpu.memref_slice %arg5[%dma_start3A_73, %dma_start3A_74] : memref<1000x128xf32, #tpu.memory_space<hbm>> -> memref<1000x128xf32, #tpu.memory_space<hbm>>
    tpu.enqueue_indirect_dma source(%dma_start3A_75 : memref<1000x128xf32, #tpu.memory_space<hbm>>) target(%arg19 : memref<128x128xf32, #tpu.memory_space<vmem>>) offsets(%arg16 : memref<128xi32, #tpu.memory_space<vmem>>) semaphore(%arg22 : memref<!tpu.dma_semaphore, #tpu.memory_space<semaphore_mem>>)
    %dma_wait3A_76 = arith.constant 0 : i32
    %dma_wait3A_77 = arith.constant 0 : i32
    %dma_wait3A_78 = tpu.memref_slice %arg5[%dma_wait3A_76, %dma_wait3A_77] : memref<1000x128xf32, #tpu.memory_space<hbm>> -> memref<1000x128xf32, #tpu.memory_space<hbm>>
    tpu.wait_indirect_dma semaphore(%arg21 : memref<!tpu.dma_semaphore, #tpu.memory_space<semaphore_mem>>) src(%dma_wait3A_78 : memref<1000x128xf32, #tpu.memory_space<hbm>>) dst(%arg11 : memref<128x128xf32, #tpu.memory_space<vmem>>)
    %dma_wait3A_79 = arith.constant 0 : i32
    %dma_wait3A_80 = arith.constant 0 : i32
    %dma_wait3A_81 = tpu.memref_slice %arg6[%dma_wait3A_79, %dma_wait3A_80] : memref<1000x128xf32, #tpu.memory_space<hbm>> -> memref<1000x128xf32, #tpu.memory_space<hbm>>
    tpu.wait_indirect_dma semaphore(%arg21 : memref<!tpu.dma_semaphore, #tpu.memory_space<semaphore_mem>>) src(%dma_wait3A_81 : memref<1000x128xf32, #tpu.memory_space<hbm>>) dst(%arg12 : memref<128x128xf32, #tpu.memory_space<vmem>>)
    %dma_wait3A_82 = arith.constant 0 : i32
    %dma_wait3A_83 = arith.constant 0 : i32
    %dma_wait3A_84 = tpu.memref_slice %arg5[%dma_wait3A_82, %dma_wait3A_83] : memref<1000x128xf32, #tpu.memory_space<hbm>> -> memref<1000x128xf32, #tpu.memory_space<hbm>>
    tpu.wait_indirect_dma semaphore(%arg21 : memref<!tpu.dma_semaphore, #tpu.memory_space<semaphore_mem>>) src(%dma_wait3A_84 : memref<1000x128xf32, #tpu.memory_space<hbm>>) dst(%arg13 : memref<128x128xf32, #tpu.memory_space<vmem>>)
    %scan3A_85 = arith.constant 0 : i32
    %scan3A_86 = arith.constant 0 : i32
    %scan3A_87 = arith.constant 8 : i32
    %scan3A_88 = arith.addi %scan3A_86, %scan3A_87 : i32
    %scan3A_89 = arith.constant 1 : i32
    %scan3A_90 = scf.for %scan3A_108 = %scan3A_86 to %scan3A_88 step %scan3A_89 iter_args(%scan3A_109 = %scan3A_85) -> (i32)  : i32 {
      %mul3A_110 = arith.constant 16 : i32
      %mul3A_111 = arith.muli %scan3A_108, %mul3A_110 : i32
      %add3A_112 = vector.broadcast %mul3A_111 : i32 to vector<16xi32>
      %add3A_113 = arith.addi %iota3A, %add3A_112 : vector<16xi32>
      %broadcast_in_dim3A = arith.constant 0.000000e+00 : f32
      %broadcast_in_dim3A_114 = vector.broadcast %broadcast_in_dim3A : f32 to vector<16xf32>
      %xor3A = arith.constant 0 : i32
      %xor3A_115 = vector.broadcast %xor3A : i32 to vector<16xi32>
      %xor3A_116 = arith.xori %iota3A, %xor3A_115 : vector<16xi32>
      %add3A_117 = arith.constant 64 : i32
      %add3A_118 = vector.broadcast %add3A_117 : i32 to vector<16xi32>
      %add3A_119 = arith.addi %xor3A_116, %add3A_118 : vector<16xi32>
      %gather3A = tpu.vector_load_idx %arg11[%add3A_113, %xor3A_116] : memref<128x128xf32, #tpu.memory_space<vmem>>[vector<16xi32>, vector<16xi32>], vector<16xf32>,
      %gather3A_120 = tpu.vector_load_idx %arg11[%add3A_113, %add3A_119] : memref<128x128xf32, #tpu.memory_space<vmem>>[vector<16xi32>, vector<16xi32>], vector<16xf32>,
      %gather3A_121 = tpu.vector_load_idx %arg13[%add3A_113, %xor3A_116] : memref<128x128xf32, #tpu.memory_space<vmem>>[vector<16xi32>, vector<16xi32>], vector<16xf32>,
      %gather3A_122 = tpu.vector_load_idx %arg13[%add3A_113, %add3A_119] : memref<128x128xf32, #tpu.memory_space<vmem>>[vector<16xi32>, vector<16xi32>], vector<16xf32>,
      %gather3A_123 = tpu.vector_load_idx %arg12[%add3A_113, %xor3A_116] : memref<128x128xf32, #tpu.memory_space<vmem>>[vector<16xi32>, vector<16xi32>], vector<16xf32>,
      %gather3A_124 = tpu.vector_load_idx %arg12[%add3A_113, %add3A_119] : memref<128x128xf32, #tpu.memory_space<vmem>>[vector<16xi32>, vector<16xi32>], vector<16xf32>,
      %sub3A = arith.subf %gather3A, %gather3A_121 : vector<16xf32>
      %sub3A_125 = arith.subf %sub3A, %gather3A_123 : vector<16xf32>
      %abs3A = math.absf %sub3A_125 : vector<16xf32>
      %abs3A_126 = math.absf %gather3A_120 : vector<16xf32>
      %add3A_127 = arith.addf %abs3A, %abs3A_126 : vector<16xf32>
      %abs3A_128 = math.absf %gather3A_122 : vector<16xf32>
      %add3A_129 = arith.addf %add3A_127, %abs3A_128 : vector<16xf32>
      %abs3A_130 = math.absf %gather3A_124 : vector<16xf32>
      %sub3A_131 = arith.subf %add3A_129, %abs3A_130 : vector<16xf32>
      %max3A = arith.constant 0.000000e+00 : f32
      %max3A_132 = vector.broadcast %max3A : f32 to vector<16xf32>
      %max3A_133 = arith.maximumf %sub3A_131, %max3A_132 : vector<16xf32>
      %mul3A_134 = arith.mulf %max3A_133, %max3A_133 : vector<16xf32>
      %add3A_135 = arith.addf %broadcast_in_dim3A_114, %mul3A_134 : vector<16xf32>
      %mul3A_136 = arith.mulf %gather3A, %gather3A : vector<16xf32>
      %add3A_137 = arith.addf %broadcast_in_dim3A_114, %mul3A_136 : vector<16xf32>
      %mul3A_138 = arith.mulf %gather3A_121, %gather3A_121 : vector<16xf32>
      %add3A_139 = arith.addf %broadcast_in_dim3A_114, %mul3A_138 : vector<16xf32>
      %xor3A_140 = arith.constant 1 : i32
      %xor3A_141 = vector.broadcast %xor3A_140 : i32 to vector<16xi32>
      %xor3A_142 = arith.xori %iota3A, %xor3A_141 : vector<16xi32>
      %add3A_143 = arith.constant 64 : i32
      %add3A_144 = vector.broadcast %add3A_143 : i32 to vector<16xi32>
      %add3A_145 = arith.addi %xor3A_142, %add3A_144 : vector<16xi32>
      %gather3A_146 = tpu.vector_load_idx %arg11[%add3A_113, %xor3A_142] : memref<128x128xf32, #tpu.memory_space<vmem>>[vector<16xi32>, vector<16xi32>], vector<16xf32>,
      %gather3A_147 = tpu.vector_load_idx %arg11[%add3A_113, %add3A_145] : memref<128x128xf32, #tpu.memory_space<vmem>>[vector<16xi32>, vector<16xi32>], vector<16xf32>,
      %gather3A_148 = tpu.vector_load_idx %arg13[%add3A_113, %xor3A_142] : memref<128x128xf32, #tpu.memory_space<vmem>>[vector<16xi32>, vector<16xi32>], vector<16xf32>,
      %gather3A_149 = tpu.vector_load_idx %arg13[%add3A_113, %add3A_145] : memref<128x128xf32, #tpu.memory_space<vmem>>[vector<16xi32>, vector<16xi32>], vector<16xf32>,
      %gather3A_150 = tpu.vector_load_idx %arg12[%add3A_113, %xor3A_142] : memref<128x128xf32, #tpu.memory_space<vmem>>[vector<16xi32>, vector<16xi32>], vector<16xf32>,
      %gather3A_151 = tpu.vector_load_idx %arg12[%add3A_113, %add3A_145] : memref<128x128xf32, #tpu.memory_space<vmem>>[vector<16xi32>, vector<16xi32>], vector<16xf32>,
      %sub3A_152 = arith.subf %gather3A_146, %gather3A_148 : vector<16xf32>
      %sub3A_153 = arith.subf %sub3A_152, %gather3A_150 : vector<16xf32>
      %abs3A_154 = math.absf %sub3A_153 : vector<16xf32>
      %abs3A_155 = math.absf %gather3A_147 : vector<16xf32>
      %add3A_156 = arith.addf %abs3A_154, %abs3A_155 : vector<16xf32>
      %abs3A_157 = math.absf %gather3A_149 : vector<16xf32>
      %add3A_158 = arith.addf %add3A_156, %abs3A_157 : vector<16xf32>
      %abs3A_159 = math.absf %gather3A_151 : vector<16xf32>
      %sub3A_160 = arith.subf %add3A_158, %abs3A_159 : vector<16xf32>
      %max3A_161 = arith.constant 0.000000e+00 : f32
      %max3A_162 = vector.broadcast %max3A_161 : f32 to vector<16xf32>
      %max3A_163 = arith.maximumf %sub3A_160, %max3A_162 : vector<16xf32>
      %mul3A_164 = arith.mulf %max3A_163, %max3A_163 : vector<16xf32>
      %add3A_165 = arith.addf %broadcast_in_dim3A_114, %mul3A_164 : vector<16xf32>
      %mul3A_166 = arith.mulf %gather3A_146, %gather3A_146 : vector<16xf32>
      %add3A_167 = arith.addf %broadcast_in_dim3A_114, %mul3A_166 : vector<16xf32>
      %mul3A_168 = arith.mulf %gather3A_148, %gather3A_148 : vector<16xf32>
      %add3A_169 = arith.addf %broadcast_in_dim3A_114, %mul3A_168 : vector<16xf32>
      %xor3A_170 = arith.constant 2 : i32
      %xor3A_171 = vector.broadcast %xor3A_170 : i32 to vector<16xi32>
      %xor3A_172 = arith.xori %iota3A, %xor3A_171 : vector<16xi32>
      %add3A_173 = arith.constant 64 : i32
      %add3A_174 = vector.broadcast %add3A_173 : i32 to vector<16xi32>
      %add3A_175 = arith.addi %xor3A_172, %add3A_174 : vector<16xi32>
      %gather3A_176 = tpu.vector_load_idx %arg11[%add3A_113, %xor3A_172] : memref<128x128xf32, #tpu.memory_space<vmem>>[vector<16xi32>, vector<16xi32>], vector<16xf32>,
      %gather3A_177 = tpu.vector_load_idx %arg11[%add3A_113, %add3A_175] : memref<128x128xf32, #tpu.memory_space<vmem>>[vector<16xi32>, vector<16xi32>], vector<16xf32>,
      %gather3A_178 = tpu.vector_load_idx %arg13[%add3A_113, %xor3A_172] : memref<128x128xf32, #tpu.memory_space<vmem>>[vector<16xi32>, vector<16xi32>], vector<16xf32>,
      %gather3A_179 = tpu.vector_load_idx %arg13[%add3A_113, %add3A_175] : memref<128x128xf32, #tpu.memory_space<vmem>>[vector<16xi32>, vector<16xi32>], vector<16xf32>,
      %gather3A_180 = tpu.vector_load_idx %arg12[%add3A_113, %xor3A_172] : memref<128x128xf32, #tpu.memory_space<vmem>>[vector<16xi32>, vector<16xi32>], vector<16xf32>,
      %gather3A_181 = tpu.vector_load_idx %arg12[%add3A_113, %add3A_175] : memref<128x128xf32, #tpu.memory_space<vmem>>[vector<16xi32>, vector<16xi32>], vector<16xf32>,
      %sub3A_182 = arith.subf %gather3A_176, %gather3A_178 : vector<16xf32>
      %sub3A_183 = arith.subf %sub3A_182, %gather3A_180 : vector<16xf32>
      %abs3A_184 = math.absf %sub3A_183 : vector<16xf32>
      %abs3A_185 = math.absf %gather3A_177 : vector<16xf32>
      %add3A_186 = arith.addf %abs3A_184, %abs3A_185 : vector<16xf32>
      %abs3A_187 = math.absf %gather3A_179 : vector<16xf32>
      %add3A_188 = arith.addf %add3A_186, %abs3A_187 : vector<16xf32>
      %abs3A_189 = math.absf %gather3A_181 : vector<16xf32>
      %sub3A_190 = arith.subf %add3A_188, %abs3A_189 : vector<16xf32>
      %max3A_191 = arith.constant 0.000000e+00 : f32
      %max3A_192 = vector.broadcast %max3A_191 : f32 to vector<16xf32>
      %max3A_193 = arith.maximumf %sub3A_190, %max3A_192 : vector<16xf32>
      %mul3A_194 = arith.mulf %max3A_193, %max3A_193 : vector<16xf32>
      %add3A_195 = arith.addf %add3A_135, %mul3A_194 : vector<16xf32>
      %mul3A_196 = arith.mulf %gather3A_176, %gather3A_176 : vector<16xf32>
      %add3A_197 = arith.addf %add3A_137, %mul3A_196 : vector<16xf32>
      %mul3A_198 = arith.mulf %gather3A_178, %gather3A_178 : vector<16xf32>
      %add3A_199 = arith.addf %add3A_139, %mul3A_198 : vector<16xf32>
      %xor3A_200 = arith.constant 3 : i32
      %xor3A_201 = vector.broadcast %xor3A_200 : i32 to vector<16xi32>
      %xor3A_202 = arith.xori %iota3A, %xor3A_201 : vector<16xi32>
      %add3A_203 = arith.constant 64 : i32
      %add3A_204 = vector.broadcast %add3A_203 : i32 to vector<16xi32>
      %add3A_205 = arith.addi %xor3A_202, %add3A_204 : vector<16xi32>
      %gather3A_206 = tpu.vector_load_idx %arg11[%add3A_113, %xor3A_202] : memref<128x128xf32, #tpu.memory_space<vmem>>[vector<16xi32>, vector<16xi32>], vector<16xf32>,
      %gather3A_207 = tpu.vector_load_idx %arg11[%add3A_113, %add3A_205] : memref<128x128xf32, #tpu.memory_space<vmem>>[vector<16xi32>, vector<16xi32>], vector<16xf32>,
      %gather3A_208 = tpu.vector_load_idx %arg13[%add3A_113, %xor3A_202] : memref<128x128xf32, #tpu.memory_space<vmem>>[vector<16xi32>, vector<16xi32>], vector<16xf32>,
      %gather3A_209 = tpu.vector_load_idx %arg13[%add3A_113, %add3A_205] : memref<128x128xf32, #tpu.memory_space<vmem>>[vector<16xi32>, vector<16xi32>], vector<16xf32>,
      %gather3A_210 = tpu.vector_load_idx %arg12[%add3A_113, %xor3A_202] : memref<128x128xf32, #tpu.memory_space<vmem>>[vector<16xi32>, vector<16xi32>], vector<16xf32>,
      %gather3A_211 = tpu.vector_load_idx %arg12[%add3A_113, %add3A_205] : memref<128x128xf32, #tpu.memory_space<vmem>>[vector<16xi32>, vector<16xi32>], vector<16xf32>,
      %sub3A_212 = arith.subf %gather3A_206, %gather3A_208 : vector<16xf32>
      %sub3A_213 = arith.subf %sub3A_212, %gather3A_210 : vector<16xf32>
      %abs3A_214 = math.absf %sub3A_213 : vector<16xf32>
      %abs3A_215 = math.absf %gather3A_207 : vector<16xf32>
      %add3A_216 = arith.addf %abs3A_214, %abs3A_215 : vector<16xf32>
      %abs3A_217 = math.absf %gather3A_209 : vector<16xf32>
      %add3A_218 = arith.addf %add3A_216, %abs3A_217 : vector<16xf32>
      %abs3A_219 = math.absf %gather3A_211 : vector<16xf32>
      %sub3A_220 = arith.subf %add3A_218, %abs3A_219 : vector<16xf32>
      %max3A_221 = arith.constant 0.000000e+00 : f32
      %max3A_222 = vector.broadcast %max3A_221 : f32 to vector<16xf32>
      %max3A_223 = arith.maximumf %sub3A_220, %max3A_222 : vector<16xf32>
      %mul3A_224 = arith.mulf %max3A_223, %max3A_223 : vector<16xf32>
      %add3A_225 = arith.addf %add3A_165, %mul3A_224 : vector<16xf32>
      %mul3A_226 = arith.mulf %gather3A_206, %gather3A_206 : vector<16xf32>
      %add3A_227 = arith.addf %add3A_167, %mul3A_226 : vector<16xf32>
      %mul3A_228 = arith.mulf %gather3A_208, %gather3A_208 : vector<16xf32>
      %add3A_229 = arith.addf %add3A_169, %mul3A_228 : vector<16xf32>
      %xor3A_230 = arith.constant 4 : i32
      %xor3A_231 = vector.broadcast %xor3A_230 : i32 to vector<16xi32>
      %xor3A_232 = arith.xori %iota3A, %xor3A_231 : vector<16xi32>
      %add3A_233 = arith.constant 64 : i32
      %add3A_234 = vector.broadcast %add3A_233 : i32 to vector<16xi32>
      %add3A_235 = arith.addi %xor3A_232, %add3A_234 : vector<16xi32>
      %gather3A_236 = tpu.vector_load_idx %arg11[%add3A_113, %xor3A_232] : memref<128x128xf32, #tpu.memory_space<vmem>>[vector<16xi32>, vector<16xi32>], vector<16xf32>,
      %gather3A_237 = tpu.vector_load_idx %arg11[%add3A_113, %add3A_235] : memref<128x128xf32, #tpu.memory_space<vmem>>[vector<16xi32>, vector<16xi32>], vector<16xf32>,
      %gather3A_238 = tpu.vector_load_idx %arg13[%add3A_113, %xor3A_232] : memref<128x128xf32, #tpu.memory_space<vmem>>[vector<16xi32>, vector<16xi32>], vector<16xf32>,
      %gather3A_239 = tpu.vector_load_idx %arg13[%add3A_113, %add3A_235] : memref<128x128xf32, #tpu.memory_space<vmem>>[vector<16xi32>, vector<16xi32>], vector<16xf32>,
      %gather3A_240 = tpu.vector_load_idx %arg12[%add3A_113, %xor3A_232] : memref<128x128xf32, #tpu.memory_space<vmem>>[vector<16xi32>, vector<16xi32>], vector<16xf32>,
      %gather3A_241 = tpu.vector_load_idx %arg12[%add3A_113, %add3A_235] : memref<128x128xf32, #tpu.memory_space<vmem>>[vector<16xi32>, vector<16xi32>], vector<16xf32>,
      %sub3A_242 = arith.subf %gather3A_236, %gather3A_238 : vector<16xf32>
      %sub3A_243 = arith.subf %sub3A_242, %gather3A_240 : vector<16xf32>
      %abs3A_244 = math.absf %sub3A_243 : vector<16xf32>
      %abs3A_245 = math.absf %gather3A_237 : vector<16xf32>
      %add3A_246 = arith.addf %abs3A_244, %abs3A_245 : vector<16xf32>
      %abs3A_247 = math.absf %gather3A_239 : vector<16xf32>
      %add3A_248 = arith.addf %add3A_246, %abs3A_247 : vector<16xf32>
      %abs3A_249 = math.absf %gather3A_241 : vector<16xf32>
      %sub3A_250 = arith.subf %add3A_248, %abs3A_249 : vector<16xf32>
      %max3A_251 = arith.constant 0.000000e+00 : f32
      %max3A_252 = vector.broadcast %max3A_251 : f32 to vector<16xf32>
      %max3A_253 = arith.maximumf %sub3A_250, %max3A_252 : vector<16xf32>
      %mul3A_254 = arith.mulf %max3A_253, %max3A_253 : vector<16xf32>
      %add3A_255 = arith.addf %add3A_195, %mul3A_254 : vector<16xf32>
      %mul3A_256 = arith.mulf %gather3A_236, %gather3A_236 : vector<16xf32>
      %add3A_257 = arith.addf %add3A_197, %mul3A_256 : vector<16xf32>
      %mul3A_258 = arith.mulf %gather3A_238, %gather3A_238 : vector<16xf32>
      %add3A_259 = arith.addf %add3A_199, %mul3A_258 : vector<16xf32>
      %xor3A_260 = arith.constant 5 : i32
      %xor3A_261 = vector.broadcast %xor3A_260 : i32 to vector<16xi32>
      %xor3A_262 = arith.xori %iota3A, %xor3A_261 : vector<16xi32>
      %add3A_263 = arith.constant 64 : i32
      %add3A_264 = vector.broadcast %add3A_263 : i32 to vector<16xi32>
      %add3A_265 = arith.addi %xor3A_262, %add3A_264 : vector<16xi32>
      %gather3A_266 = tpu.vector_load_idx %arg11[%add3A_113, %xor3A_262] : memref<128x128xf32, #tpu.memory_space<vmem>>[vector<16xi32>, vector<16xi32>], vector<16xf32>,
      %gather3A_267 = tpu.vector_load_idx %arg11[%add3A_113, %add3A_265] : memref<128x128xf32, #tpu.memory_space<vmem>>[vector<16xi32>, vector<16xi32>], vector<16xf32>,
      %gather3A_268 = tpu.vector_load_idx %arg13[%add3A_113, %xor3A_262] : memref<128x128xf32, #tpu.memory_space<vmem>>[vector<16xi32>, vector<16xi32>], vector<16xf32>,
      %gather3A_269 = tpu.vector_load_idx %arg13[%add3A_113, %add3A_265] : memref<128x128xf32, #tpu.memory_space<vmem>>[vector<16xi32>, vector<16xi32>], vector<16xf32>,
      %gather3A_270 = tpu.vector_load_idx %arg12[%add3A_113, %xor3A_262] : memref<128x128xf32, #tpu.memory_space<vmem>>[vector<16xi32>, vector<16xi32>], vector<16xf32>,
      %gather3A_271 = tpu.vector_load_idx %arg12[%add3A_113, %add3A_265] : memref<128x128xf32, #tpu.memory_space<vmem>>[vector<16xi32>, vector<16xi32>], vector<16xf32>,
      %sub3A_272 = arith.subf %gather3A_266, %gather3A_268 : vector<16xf32>
      %sub3A_273 = arith.subf %sub3A_272, %gather3A_270 : vector<16xf32>
      %abs3A_274 = math.absf %sub3A_273 : vector<16xf32>
      %abs3A_275 = math.absf %gather3A_267 : vector<16xf32>
      %add3A_276 = arith.addf %abs3A_274, %abs3A_275 : vector<16xf32>
      %abs3A_277 = math.absf %gather3A_269 : vector<16xf32>
      %add3A_278 = arith.addf %add3A_276, %abs3A_277 : vector<16xf32>
      %abs3A_279 = math.absf %gather3A_271 : vector<16xf32>
      %sub3A_280 = arith.subf %add3A_278, %abs3A_279 : vector<16xf32>
      %max3A_281 = arith.constant 0.000000e+00 : f32
      %max3A_282 = vector.broadcast %max3A_281 : f32 to vector<16xf32>
      %max3A_283 = arith.maximumf %sub3A_280, %max3A_282 : vector<16xf32>
      %mul3A_284 = arith.mulf %max3A_283, %max3A_283 : vector<16xf32>
      %add3A_285 = arith.addf %add3A_225, %mul3A_284 : vector<16xf32>
      %mul3A_286 = arith.mulf %gather3A_266, %gather3A_266 : vector<16xf32>
      %add3A_287 = arith.addf %add3A_227, %mul3A_286 : vector<16xf32>
      %mul3A_288 = arith.mulf %gather3A_268, %gather3A_268 : vector<16xf32>
      %add3A_289 = arith.addf %add3A_229, %mul3A_288 : vector<16xf32>
      %xor3A_290 = arith.constant 6 : i32
      %xor3A_291 = vector.broadcast %xor3A_290 : i32 to vector<16xi32>
      %xor3A_292 = arith.xori %iota3A, %xor3A_291 : vector<16xi32>
      %add3A_293 = arith.constant 64 : i32
      %add3A_294 = vector.broadcast %add3A_293 : i32 to vector<16xi32>
      %add3A_295 = arith.addi %xor3A_292, %add3A_294 : vector<16xi32>
      %gather3A_296 = tpu.vector_load_idx %arg11[%add3A_113, %xor3A_292] : memref<128x128xf32, #tpu.memory_space<vmem>>[vector<16xi32>, vector<16xi32>], vector<16xf32>,
      %gather3A_297 = tpu.vector_load_idx %arg11[%add3A_113, %add3A_295] : memref<128x128xf32, #tpu.memory_space<vmem>>[vector<16xi32>, vector<16xi32>], vector<16xf32>,
      %gather3A_298 = tpu.vector_load_idx %arg13[%add3A_113, %xor3A_292] : memref<128x128xf32, #tpu.memory_space<vmem>>[vector<16xi32>, vector<16xi32>], vector<16xf32>,
      %gather3A_299 = tpu.vector_load_idx %arg13[%add3A_113, %add3A_295] : memref<128x128xf32, #tpu.memory_space<vmem>>[vector<16xi32>, vector<16xi32>], vector<16xf32>,
      %gather3A_300 = tpu.vector_load_idx %arg12[%add3A_113, %xor3A_292] : memref<128x128xf32, #tpu.memory_space<vmem>>[vector<16xi32>, vector<16xi32>], vector<16xf32>,
      %gather3A_301 = tpu.vector_load_idx %arg12[%add3A_113, %add3A_295] : memref<128x128xf32, #tpu.memory_space<vmem>>[vector<16xi32>, vector<16xi32>], vector<16xf32>,
      %sub3A_302 = arith.subf %gather3A_296, %gather3A_298 : vector<16xf32>
      %sub3A_303 = arith.subf %sub3A_302, %gather3A_300 : vector<16xf32>
      %abs3A_304 = math.absf %sub3A_303 : vector<16xf32>
      %abs3A_305 = math.absf %gather3A_297 : vector<16xf32>
      %add3A_306 = arith.addf %abs3A_304, %abs3A_305 : vector<16xf32>
      %abs3A_307 = math.absf %gather3A_299 : vector<16xf32>
      %add3A_308 = arith.addf %add3A_306, %abs3A_307 : vector<16xf32>
      %abs3A_309 = math.absf %gather3A_301 : vector<16xf32>
      %sub3A_310 = arith.subf %add3A_308, %abs3A_309 : vector<16xf32>
      %max3A_311 = arith.constant 0.000000e+00 : f32
      %max3A_312 = vector.broadcast %max3A_311 : f32 to vector<16xf32>
      %max3A_313 = arith.maximumf %sub3A_310, %max3A_312 : vector<16xf32>
      %mul3A_314 = arith.mulf %max3A_313, %max3A_313 : vector<16xf32>
      %add3A_315 = arith.addf %add3A_255, %mul3A_314 : vector<16xf32>
      %mul3A_316 = arith.mulf %gather3A_296, %gather3A_296 : vector<16xf32>
      %add3A_317 = arith.addf %add3A_257, %mul3A_316 : vector<16xf32>
      %mul3A_318 = arith.mulf %gather3A_298, %gather3A_298 : vector<16xf32>
      %add3A_319 = arith.addf %add3A_259, %mul3A_318 : vector<16xf32>
      %xor3A_320 = arith.constant 7 : i32
      %xor3A_321 = vector.broadcast %xor3A_320 : i32 to vector<16xi32>
      %xor3A_322 = arith.xori %iota3A, %xor3A_321 : vector<16xi32>
      %add3A_323 = arith.constant 64 : i32
      %add3A_324 = vector.broadcast %add3A_323 : i32 to vector<16xi32>
      %add3A_325 = arith.addi %xor3A_322, %add3A_324 : vector<16xi32>
      %gather3A_326 = tpu.vector_load_idx %arg11[%add3A_113, %xor3A_322] : memref<128x128xf32, #tpu.memory_space<vmem>>[vector<16xi32>, vector<16xi32>], vector<16xf32>,
      %gather3A_327 = tpu.vector_load_idx %arg11[%add3A_113, %add3A_325] : memref<128x128xf32, #tpu.memory_space<vmem>>[vector<16xi32>, vector<16xi32>], vector<16xf32>,
      %gather3A_328 = tpu.vector_load_idx %arg13[%add3A_113, %xor3A_322] : memref<128x128xf32, #tpu.memory_space<vmem>>[vector<16xi32>, vector<16xi32>], vector<16xf32>,
      %gather3A_329 = tpu.vector_load_idx %arg13[%add3A_113, %add3A_325] : memref<128x128xf32, #tpu.memory_space<vmem>>[vector<16xi32>, vector<16xi32>], vector<16xf32>,
      %gather3A_330 = tpu.vector_load_idx %arg12[%add3A_113, %xor3A_322] : memref<128x128xf32, #tpu.memory_space<vmem>>[vector<16xi32>, vector<16xi32>], vector<16xf32>,
      %gather3A_331 = tpu.vector_load_idx %arg12[%add3A_113, %add3A_325] : memref<128x128xf32, #tpu.memory_space<vmem>>[vector<16xi32>, vector<16xi32>], vector<16xf32>,
      %sub3A_332 = arith.subf %gather3A_326, %gather3A_328 : vector<16xf32>
      %sub3A_333 = arith.subf %sub3A_332, %gather3A_330 : vector<16xf32>
      %abs3A_334 = math.absf %sub3A_333 : vector<16xf32>
      %abs3A_335 = math.absf %gather3A_327 : vector<16xf32>
      %add3A_336 = arith.addf %abs3A_334, %abs3A_335 : vector<16xf32>
      %abs3A_337 = math.absf %gather3A_329 : vector<16xf32>
      %add3A_338 = arith.addf %add3A_336, %abs3A_337 : vector<16xf32>
      %abs3A_339 = math.absf %gather3A_331 : vector<16xf32>
      %sub3A_340 = arith.subf %add3A_338, %abs3A_339 : vector<16xf32>
      %max3A_341 = arith.constant 0.000000e+00 : f32
      %max3A_342 = vector.broadcast %max3A_341 : f32 to vector<16xf32>
      %max3A_343 = arith.maximumf %sub3A_340, %max3A_342 : vector<16xf32>
      %mul3A_344 = arith.mulf %max3A_343, %max3A_343 : vector<16xf32>
      %add3A_345 = arith.addf %add3A_285, %mul3A_344 : vector<16xf32>
      %mul3A_346 = arith.mulf %gather3A_326, %gather3A_326 : vector<16xf32>
      %add3A_347 = arith.addf %add3A_287, %mul3A_346 : vector<16xf32>
      %mul3A_348 = arith.mulf %gather3A_328, %gather3A_328 : vector<16xf32>
      %add3A_349 = arith.addf %add3A_289, %mul3A_348 : vector<16xf32>
      %add3A_350 = arith.addf %add3A_315, %add3A_345 : vector<16xf32>
      %bitcast3A = vector.bitcast %add3A_350 : vector<16xf32> to vector<16xi32>
      %shift_right_arithmetic3A = arith.constant 1 : i32
      %shift_right_arithmetic3A_351 = vector.broadcast %shift_right_arithmetic3A : i32 to vector<16xi32>
      %shift_right_arithmetic3A_352 = arith.shrsi %bitcast3A, %shift_right_arithmetic3A_351 : vector<16xi32>
      %add3A_353 = arith.constant 532487669 : i32
      %add3A_354 = vector.broadcast %add3A_353 : i32 to vector<16xi32>
      %add3A_355 = arith.addi %shift_right_arithmetic3A_352, %add3A_354 : vector<16xi32>
      %bitcast3A_356 = vector.bitcast %add3A_355 : vector<16xi32> to vector<16xf32>
      %div3A = arith.divf %add3A_350, %bitcast3A_356 : vector<16xf32>
      %add3A_357 = arith.addf %bitcast3A_356, %div3A : vector<16xf32>
      %mul3A_358 = arith.constant 5.000000e-01 : f32
      %mul3A_359 = vector.broadcast %mul3A_358 : f32 to vector<16xf32>
      %mul3A_360 = arith.mulf %mul3A_359, %add3A_357 : vector<16xf32>
      %div3A_361 = arith.divf %add3A_350, %mul3A_360 : vector<16xf32>
      %add3A_362 = arith.addf %mul3A_360, %div3A_361 : vector<16xf32>
      %mul3A_363 = arith.constant 5.000000e-01 : f32
      %mul3A_364 = vector.broadcast %mul3A_363 : f32 to vector<16xf32>
      %mul3A_365 = arith.mulf %mul3A_364, %add3A_362 : vector<16xf32>
      %add3A_366 = arith.addf %add3A_317, %add3A_347 : vector<16xf32>
      %bitcast3A_367 = vector.bitcast %add3A_366 : vector<16xf32> to vector<16xi32>
      %shift_right_arithmetic3A_368 = arith.constant 1 : i32
      %shift_right_arithmetic3A_369 = vector.broadcast %shift_right_arithmetic3A_368 : i32 to vector<16xi32>
      %shift_right_arithmetic3A_370 = arith.shrsi %bitcast3A_367, %shift_right_arithmetic3A_369 : vector<16xi32>
      %add3A_371 = arith.constant 532487669 : i32
      %add3A_372 = vector.broadcast %add3A_371 : i32 to vector<16xi32>
      %add3A_373 = arith.addi %shift_right_arithmetic3A_370, %add3A_372 : vector<16xi32>
      %bitcast3A_374 = vector.bitcast %add3A_373 : vector<16xi32> to vector<16xf32>
      %div3A_375 = arith.divf %add3A_366, %bitcast3A_374 : vector<16xf32>
      %add3A_376 = arith.addf %bitcast3A_374, %div3A_375 : vector<16xf32>
      %mul3A_377 = arith.constant 5.000000e-01 : f32
      %mul3A_378 = vector.broadcast %mul3A_377 : f32 to vector<16xf32>
      %mul3A_379 = arith.mulf %mul3A_378, %add3A_376 : vector<16xf32>
      %div3A_380 = arith.divf %add3A_366, %mul3A_379 : vector<16xf32>
      %add3A_381 = arith.addf %mul3A_379, %div3A_380 : vector<16xf32>
      %mul3A_382 = arith.constant 5.000000e-01 : f32
      %mul3A_383 = vector.broadcast %mul3A_382 : f32 to vector<16xf32>
      %mul3A_384 = arith.mulf %mul3A_383, %add3A_381 : vector<16xf32>
      %sub3A_385 = arith.constant 1.000000e+00 : f32
      %sub3A_386 = vector.broadcast %sub3A_385 : f32 to vector<16xf32>
      %sub3A_387 = arith.subf %mul3A_384, %sub3A_386 : vector<16xf32>
      %abs3A_388 = math.absf %sub3A_387 : vector<16xf32>
      %add3A_389 = arith.addf %mul3A_365, %abs3A_388 : vector<16xf32>
      %add3A_390 = arith.addf %add3A_319, %add3A_349 : vector<16xf32>
      %bitcast3A_391 = vector.bitcast %add3A_390 : vector<16xf32> to vector<16xi32>
      %shift_right_arithmetic3A_392 = arith.constant 1 : i32
      %shift_right_arithmetic3A_393 = vector.broadcast %shift_right_arithmetic3A_392 : i32 to vector<16xi32>
      %shift_right_arithmetic3A_394 = arith.shrsi %bitcast3A_391, %shift_right_arithmetic3A_393 : vector<16xi32>
      %add3A_395 = arith.constant 532487669 : i32
      %add3A_396 = vector.broadcast %add3A_395 : i32 to vector<16xi32>
      %add3A_397 = arith.addi %shift_right_arithmetic3A_394, %add3A_396 : vector<16xi32>
      %bitcast3A_398 = vector.bitcast %add3A_397 : vector<16xi32> to vector<16xf32>
      %div3A_399 = arith.divf %add3A_390, %bitcast3A_398 : vector<16xf32>
      %add3A_400 = arith.addf %bitcast3A_398, %div3A_399 : vector<16xf32>
      %mul3A_401 = arith.constant 5.000000e-01 : f32
      %mul3A_402 = vector.broadcast %mul3A_401 : f32 to vector<16xf32>
      %mul3A_403 = arith.mulf %mul3A_402, %add3A_400 : vector<16xf32>
      %div3A_404 = arith.divf %add3A_390, %mul3A_403 : vector<16xf32>
      %add3A_405 = arith.addf %mul3A_403, %div3A_404 : vector<16xf32>
      %mul3A_406 = arith.constant 5.000000e-01 : f32
      %mul3A_407 = vector.broadcast %mul3A_406 : f32 to vector<16xf32>
      %mul3A_408 = arith.mulf %mul3A_407, %add3A_405 : vector<16xf32>
      %sub3A_409 = arith.constant 1.000000e+00 : f32
      %sub3A_410 = vector.broadcast %sub3A_409 : f32 to vector<16xf32>
      %sub3A_411 = arith.subf %mul3A_408, %sub3A_410 : vector<16xf32>
      %abs3A_412 = math.absf %sub3A_411 : vector<16xf32>
      %add3A_413 = arith.addf %add3A_389, %abs3A_412 : vector<16xf32>
      %mul3A_414 = arith.constant 16 : i32
      %mul3A_415 = arith.muli %scan3A_108, %mul3A_414 : i32
      %add3A_416 = arith.constant 256 : i32
      %add3A_417 = arith.addi %add3A_416, %mul3A_415 : i32
      %swap3A = arith.index_cast %add3A_417 : i32 to index
      %swap3A_418 = tpu.vector_load %arg20[%swap3A] {strides = array<i32>} : memref<512xf32, #tpu.memory_space<vmem>>, vector<16xf32>,
      tpu.vector_store %arg20[%swap3A], %add3A_413 {strides = array<i32>} : memref<512xf32, #tpu.memory_space<vmem>>, vector<16xf32>,
      %scan3A_419 = arith.constant 0 : i32
      scf.yield %scan3A_419 : i32
    }
    %scan3A_91 = arith.constant 8 : i32
    %dma_wait3A_92 = arith.constant 0 : i32
    %dma_wait3A_93 = arith.constant 0 : i32
    %dma_wait3A_94 = tpu.memref_slice %arg5[%dma_wait3A_92, %dma_wait3A_93] : memref<1000x128xf32, #tpu.memory_space<hbm>> -> memref<1000x128xf32, #tpu.memory_space<hbm>>
    tpu.wait_indirect_dma semaphore(%arg22 : memref<!tpu.dma_semaphore, #tpu.memory_space<semaphore_mem>>) src(%dma_wait3A_94 : memref<1000x128xf32, #tpu.memory_space<hbm>>) dst(%arg17 : memref<128x128xf32, #tpu.memory_space<vmem>>)
    %dma_wait3A_95 = arith.constant 0 : i32
    %dma_wait3A_96 = arith.constant 0 : i32
    %dma_wait3A_97 = tpu.memref_slice %arg6[%dma_wait3A_95, %dma_wait3A_96] : memref<1000x128xf32, #tpu.memory_space<hbm>> -> memref<1000x128xf32, #tpu.memory_space<hbm>>
    tpu.wait_indirect_dma semaphore(%arg22 : memref<!tpu.dma_semaphore, #tpu.memory_space<semaphore_mem>>) src(%dma_wait3A_97 : memref<1000x128xf32, #tpu.memory_space<hbm>>) dst(%arg18 : memref<128x128xf32, #tpu.memory_space<vmem>>)
    %dma_wait3A_98 = arith.constant 0 : i32
    %dma_wait3A_99 = arith.constant 0 : i32
    %dma_wait3A_100 = tpu.memref_slice %arg5[%dma_wait3A_98, %dma_wait3A_99] : memref<1000x128xf32, #tpu.memory_space<hbm>> -> memref<1000x128xf32, #tpu.memory_space<hbm>>
    tpu.wait_indirect_dma semaphore(%arg22 : memref<!tpu.dma_semaphore, #tpu.memory_space<semaphore_mem>>) src(%dma_wait3A_100 : memref<1000x128xf32, #tpu.memory_space<hbm>>) dst(%arg19 : memref<128x128xf32, #tpu.memory_space<vmem>>)
    %scan3A_101 = arith.constant 0 : i32
    %scan3A_102 = arith.constant 0 : i32
    %scan3A_103 = arith.constant 8 : i32
    %scan3A_104 = arith.addi %scan3A_102, %scan3A_103 : i32
    %scan3A_105 = arith.constant 1 : i32
    %scan3A_106 = scf.for %scan3A_108 = %scan3A_102 to %scan3A_104 step %scan3A_105 iter_args(%scan3A_109 = %scan3A_101) -> (i32)  : i32 {
      %mul3A_110 = arith.constant 16 : i32
      %mul3A_111 = arith.muli %scan3A_108, %mul3A_110 : i32
      %add3A_112 = vector.broadcast %mul3A_111 : i32 to vector<16xi32>
      %add3A_113 = arith.addi %iota3A, %add3A_112 : vector<16xi32>
      %broadcast_in_dim3A = arith.constant 0.000000e+00 : f32
      %broadcast_in_dim3A_114 = vector.broadcast %broadcast_in_dim3A : f32 to vector<16xf32>
      %xor3A = arith.constant 0 : i32
      %xor3A_115 = vector.broadcast %xor3A : i32 to vector<16xi32>
      %xor3A_116 = arith.xori %iota3A, %xor3A_115 : vector<16xi32>
      %add3A_117 = arith.constant 64 : i32
      %add3A_118 = vector.broadcast %add3A_117 : i32 to vector<16xi32>
      %add3A_119 = arith.addi %xor3A_116, %add3A_118 : vector<16xi32>
      %gather3A = tpu.vector_load_idx %arg17[%add3A_113, %xor3A_116] : memref<128x128xf32, #tpu.memory_space<vmem>>[vector<16xi32>, vector<16xi32>], vector<16xf32>,
      %gather3A_120 = tpu.vector_load_idx %arg17[%add3A_113, %add3A_119] : memref<128x128xf32, #tpu.memory_space<vmem>>[vector<16xi32>, vector<16xi32>], vector<16xf32>,
      %gather3A_121 = tpu.vector_load_idx %arg19[%add3A_113, %xor3A_116] : memref<128x128xf32, #tpu.memory_space<vmem>>[vector<16xi32>, vector<16xi32>], vector<16xf32>,
      %gather3A_122 = tpu.vector_load_idx %arg19[%add3A_113, %add3A_119] : memref<128x128xf32, #tpu.memory_space<vmem>>[vector<16xi32>, vector<16xi32>], vector<16xf32>,
      %gather3A_123 = tpu.vector_load_idx %arg18[%add3A_113, %xor3A_116] : memref<128x128xf32, #tpu.memory_space<vmem>>[vector<16xi32>, vector<16xi32>], vector<16xf32>,
      %gather3A_124 = tpu.vector_load_idx %arg18[%add3A_113, %add3A_119] : memref<128x128xf32, #tpu.memory_space<vmem>>[vector<16xi32>, vector<16xi32>], vector<16xf32>,
      %sub3A = arith.subf %gather3A, %gather3A_121 : vector<16xf32>
      %sub3A_125 = arith.subf %sub3A, %gather3A_123 : vector<16xf32>
      %abs3A = math.absf %sub3A_125 : vector<16xf32>
      %abs3A_126 = math.absf %gather3A_120 : vector<16xf32>
      %add3A_127 = arith.addf %abs3A, %abs3A_126 : vector<16xf32>
      %abs3A_128 = math.absf %gather3A_122 : vector<16xf32>
      %add3A_129 = arith.addf %add3A_127, %abs3A_128 : vector<16xf32>
      %abs3A_130 = math.absf %gather3A_124 : vector<16xf32>
      %sub3A_131 = arith.subf %add3A_129, %abs3A_130 : vector<16xf32>
      %max3A = arith.constant 0.000000e+00 : f32
      %max3A_132 = vector.broadcast %max3A : f32 to vector<16xf32>
      %max3A_133 = arith.maximumf %sub3A_131, %max3A_132 : vector<16xf32>
      %mul3A_134 = arith.mulf %max3A_133, %max3A_133 : vector<16xf32>
      %add3A_135 = arith.addf %broadcast_in_dim3A_114, %mul3A_134 : vector<16xf32>
      %mul3A_136 = arith.mulf %gather3A, %gather3A : vector<16xf32>
      %add3A_137 = arith.addf %broadcast_in_dim3A_114, %mul3A_136 : vector<16xf32>
      %mul3A_138 = arith.mulf %gather3A_121, %gather3A_121 : vector<16xf32>
      %add3A_139 = arith.addf %broadcast_in_dim3A_114, %mul3A_138 : vector<16xf32>
      %xor3A_140 = arith.constant 1 : i32
      %xor3A_141 = vector.broadcast %xor3A_140 : i32 to vector<16xi32>
      %xor3A_142 = arith.xori %iota3A, %xor3A_141 : vector<16xi32>
      %add3A_143 = arith.constant 64 : i32
      %add3A_144 = vector.broadcast %add3A_143 : i32 to vector<16xi32>
      %add3A_145 = arith.addi %xor3A_142, %add3A_144 : vector<16xi32>
      %gather3A_146 = tpu.vector_load_idx %arg17[%add3A_113, %xor3A_142] : memref<128x128xf32, #tpu.memory_space<vmem>>[vector<16xi32>, vector<16xi32>], vector<16xf32>,
      %gather3A_147 = tpu.vector_load_idx %arg17[%add3A_113, %add3A_145] : memref<128x128xf32, #tpu.memory_space<vmem>>[vector<16xi32>, vector<16xi32>], vector<16xf32>,
      %gather3A_148 = tpu.vector_load_idx %arg19[%add3A_113, %xor3A_142] : memref<128x128xf32, #tpu.memory_space<vmem>>[vector<16xi32>, vector<16xi32>], vector<16xf32>,
      %gather3A_149 = tpu.vector_load_idx %arg19[%add3A_113, %add3A_145] : memref<128x128xf32, #tpu.memory_space<vmem>>[vector<16xi32>, vector<16xi32>], vector<16xf32>,
      %gather3A_150 = tpu.vector_load_idx %arg18[%add3A_113, %xor3A_142] : memref<128x128xf32, #tpu.memory_space<vmem>>[vector<16xi32>, vector<16xi32>], vector<16xf32>,
      %gather3A_151 = tpu.vector_load_idx %arg18[%add3A_113, %add3A_145] : memref<128x128xf32, #tpu.memory_space<vmem>>[vector<16xi32>, vector<16xi32>], vector<16xf32>,
      %sub3A_152 = arith.subf %gather3A_146, %gather3A_148 : vector<16xf32>
      %sub3A_153 = arith.subf %sub3A_152, %gather3A_150 : vector<16xf32>
      %abs3A_154 = math.absf %sub3A_153 : vector<16xf32>
      %abs3A_155 = math.absf %gather3A_147 : vector<16xf32>
      %add3A_156 = arith.addf %abs3A_154, %abs3A_155 : vector<16xf32>
      %abs3A_157 = math.absf %gather3A_149 : vector<16xf32>
      %add3A_158 = arith.addf %add3A_156, %abs3A_157 : vector<16xf32>
      %abs3A_159 = math.absf %gather3A_151 : vector<16xf32>
      %sub3A_160 = arith.subf %add3A_158, %abs3A_159 : vector<16xf32>
      %max3A_161 = arith.constant 0.000000e+00 : f32
      %max3A_162 = vector.broadcast %max3A_161 : f32 to vector<16xf32>
      %max3A_163 = arith.maximumf %sub3A_160, %max3A_162 : vector<16xf32>
      %mul3A_164 = arith.mulf %max3A_163, %max3A_163 : vector<16xf32>
      %add3A_165 = arith.addf %broadcast_in_dim3A_114, %mul3A_164 : vector<16xf32>
      %mul3A_166 = arith.mulf %gather3A_146, %gather3A_146 : vector<16xf32>
      %add3A_167 = arith.addf %broadcast_in_dim3A_114, %mul3A_166 : vector<16xf32>
      %mul3A_168 = arith.mulf %gather3A_148, %gather3A_148 : vector<16xf32>
      %add3A_169 = arith.addf %broadcast_in_dim3A_114, %mul3A_168 : vector<16xf32>
      %xor3A_170 = arith.constant 2 : i32
      %xor3A_171 = vector.broadcast %xor3A_170 : i32 to vector<16xi32>
      %xor3A_172 = arith.xori %iota3A, %xor3A_171 : vector<16xi32>
      %add3A_173 = arith.constant 64 : i32
      %add3A_174 = vector.broadcast %add3A_173 : i32 to vector<16xi32>
      %add3A_175 = arith.addi %xor3A_172, %add3A_174 : vector<16xi32>
      %gather3A_176 = tpu.vector_load_idx %arg17[%add3A_113, %xor3A_172] : memref<128x128xf32, #tpu.memory_space<vmem>>[vector<16xi32>, vector<16xi32>], vector<16xf32>,
      %gather3A_177 = tpu.vector_load_idx %arg17[%add3A_113, %add3A_175] : memref<128x128xf32, #tpu.memory_space<vmem>>[vector<16xi32>, vector<16xi32>], vector<16xf32>,
      %gather3A_178 = tpu.vector_load_idx %arg19[%add3A_113, %xor3A_172] : memref<128x128xf32, #tpu.memory_space<vmem>>[vector<16xi32>, vector<16xi32>], vector<16xf32>,
      %gather3A_179 = tpu.vector_load_idx %arg19[%add3A_113, %add3A_175] : memref<128x128xf32, #tpu.memory_space<vmem>>[vector<16xi32>, vector<16xi32>], vector<16xf32>,
      %gather3A_180 = tpu.vector_load_idx %arg18[%add3A_113, %xor3A_172] : memref<128x128xf32, #tpu.memory_space<vmem>>[vector<16xi32>, vector<16xi32>], vector<16xf32>,
      %gather3A_181 = tpu.vector_load_idx %arg18[%add3A_113, %add3A_175] : memref<128x128xf32, #tpu.memory_space<vmem>>[vector<16xi32>, vector<16xi32>], vector<16xf32>,
      %sub3A_182 = arith.subf %gather3A_176, %gather3A_178 : vector<16xf32>
      %sub3A_183 = arith.subf %sub3A_182, %gather3A_180 : vector<16xf32>
      %abs3A_184 = math.absf %sub3A_183 : vector<16xf32>
      %abs3A_185 = math.absf %gather3A_177 : vector<16xf32>
      %add3A_186 = arith.addf %abs3A_184, %abs3A_185 : vector<16xf32>
      %abs3A_187 = math.absf %gather3A_179 : vector<16xf32>
      %add3A_188 = arith.addf %add3A_186, %abs3A_187 : vector<16xf32>
      %abs3A_189 = math.absf %gather3A_181 : vector<16xf32>
      %sub3A_190 = arith.subf %add3A_188, %abs3A_189 : vector<16xf32>
      %max3A_191 = arith.constant 0.000000e+00 : f32
      %max3A_192 = vector.broadcast %max3A_191 : f32 to vector<16xf32>
      %max3A_193 = arith.maximumf %sub3A_190, %max3A_192 : vector<16xf32>
      %mul3A_194 = arith.mulf %max3A_193, %max3A_193 : vector<16xf32>
      %add3A_195 = arith.addf %add3A_135, %mul3A_194 : vector<16xf32>
      %mul3A_196 = arith.mulf %gather3A_176, %gather3A_176 : vector<16xf32>
      %add3A_197 = arith.addf %add3A_137, %mul3A_196 : vector<16xf32>
      %mul3A_198 = arith.mulf %gather3A_178, %gather3A_178 : vector<16xf32>
      %add3A_199 = arith.addf %add3A_139, %mul3A_198 : vector<16xf32>
      %xor3A_200 = arith.constant 3 : i32
      %xor3A_201 = vector.broadcast %xor3A_200 : i32 to vector<16xi32>
      %xor3A_202 = arith.xori %iota3A, %xor3A_201 : vector<16xi32>
      %add3A_203 = arith.constant 64 : i32
      %add3A_204 = vector.broadcast %add3A_203 : i32 to vector<16xi32>
      %add3A_205 = arith.addi %xor3A_202, %add3A_204 : vector<16xi32>
      %gather3A_206 = tpu.vector_load_idx %arg17[%add3A_113, %xor3A_202] : memref<128x128xf32, #tpu.memory_space<vmem>>[vector<16xi32>, vector<16xi32>], vector<16xf32>,
      %gather3A_207 = tpu.vector_load_idx %arg17[%add3A_113, %add3A_205] : memref<128x128xf32, #tpu.memory_space<vmem>>[vector<16xi32>, vector<16xi32>], vector<16xf32>,
      %gather3A_208 = tpu.vector_load_idx %arg19[%add3A_113, %xor3A_202] : memref<128x128xf32, #tpu.memory_space<vmem>>[vector<16xi32>, vector<16xi32>], vector<16xf32>,
      %gather3A_209 = tpu.vector_load_idx %arg19[%add3A_113, %add3A_205] : memref<128x128xf32, #tpu.memory_space<vmem>>[vector<16xi32>, vector<16xi32>], vector<16xf32>,
      %gather3A_210 = tpu.vector_load_idx %arg18[%add3A_113, %xor3A_202] : memref<128x128xf32, #tpu.memory_space<vmem>>[vector<16xi32>, vector<16xi32>], vector<16xf32>,
      %gather3A_211 = tpu.vector_load_idx %arg18[%add3A_113, %add3A_205] : memref<128x128xf32, #tpu.memory_space<vmem>>[vector<16xi32>, vector<16xi32>], vector<16xf32>,
      %sub3A_212 = arith.subf %gather3A_206, %gather3A_208 : vector<16xf32>
      %sub3A_213 = arith.subf %sub3A_212, %gather3A_210 : vector<16xf32>
      %abs3A_214 = math.absf %sub3A_213 : vector<16xf32>
      %abs3A_215 = math.absf %gather3A_207 : vector<16xf32>
      %add3A_216 = arith.addf %abs3A_214, %abs3A_215 : vector<16xf32>
      %abs3A_217 = math.absf %gather3A_209 : vector<16xf32>
      %add3A_218 = arith.addf %add3A_216, %abs3A_217 : vector<16xf32>
      %abs3A_219 = math.absf %gather3A_211 : vector<16xf32>
      %sub3A_220 = arith.subf %add3A_218, %abs3A_219 : vector<16xf32>
      %max3A_221 = arith.constant 0.000000e+00 : f32
      %max3A_222 = vector.broadcast %max3A_221 : f32 to vector<16xf32>
      %max3A_223 = arith.maximumf %sub3A_220, %max3A_222 : vector<16xf32>
      %mul3A_224 = arith.mulf %max3A_223, %max3A_223 : vector<16xf32>
      %add3A_225 = arith.addf %add3A_165, %mul3A_224 : vector<16xf32>
      %mul3A_226 = arith.mulf %gather3A_206, %gather3A_206 : vector<16xf32>
      %add3A_227 = arith.addf %add3A_167, %mul3A_226 : vector<16xf32>
      %mul3A_228 = arith.mulf %gather3A_208, %gather3A_208 : vector<16xf32>
      %add3A_229 = arith.addf %add3A_169, %mul3A_228 : vector<16xf32>
      %xor3A_230 = arith.constant 4 : i32
      %xor3A_231 = vector.broadcast %xor3A_230 : i32 to vector<16xi32>
      %xor3A_232 = arith.xori %iota3A, %xor3A_231 : vector<16xi32>
      %add3A_233 = arith.constant 64 : i32
      %add3A_234 = vector.broadcast %add3A_233 : i32 to vector<16xi32>
      %add3A_235 = arith.addi %xor3A_232, %add3A_234 : vector<16xi32>
      %gather3A_236 = tpu.vector_load_idx %arg17[%add3A_113, %xor3A_232] : memref<128x128xf32, #tpu.memory_space<vmem>>[vector<16xi32>, vector<16xi32>], vector<16xf32>,
      %gather3A_237 = tpu.vector_load_idx %arg17[%add3A_113, %add3A_235] : memref<128x128xf32, #tpu.memory_space<vmem>>[vector<16xi32>, vector<16xi32>], vector<16xf32>,
      %gather3A_238 = tpu.vector_load_idx %arg19[%add3A_113, %xor3A_232] : memref<128x128xf32, #tpu.memory_space<vmem>>[vector<16xi32>, vector<16xi32>], vector<16xf32>,
      %gather3A_239 = tpu.vector_load_idx %arg19[%add3A_113, %add3A_235] : memref<128x128xf32, #tpu.memory_space<vmem>>[vector<16xi32>, vector<16xi32>], vector<16xf32>,
      %gather3A_240 = tpu.vector_load_idx %arg18[%add3A_113, %xor3A_232] : memref<128x128xf32, #tpu.memory_space<vmem>>[vector<16xi32>, vector<16xi32>], vector<16xf32>,
      %gather3A_241 = tpu.vector_load_idx %arg18[%add3A_113, %add3A_235] : memref<128x128xf32, #tpu.memory_space<vmem>>[vector<16xi32>, vector<16xi32>], vector<16xf32>,
      %sub3A_242 = arith.subf %gather3A_236, %gather3A_238 : vector<16xf32>
      %sub3A_243 = arith.subf %sub3A_242, %gather3A_240 : vector<16xf32>
      %abs3A_244 = math.absf %sub3A_243 : vector<16xf32>
      %abs3A_245 = math.absf %gather3A_237 : vector<16xf32>
      %add3A_246 = arith.addf %abs3A_244, %abs3A_245 : vector<16xf32>
      %abs3A_247 = math.absf %gather3A_239 : vector<16xf32>
      %add3A_248 = arith.addf %add3A_246, %abs3A_247 : vector<16xf32>
      %abs3A_249 = math.absf %gather3A_241 : vector<16xf32>
      %sub3A_250 = arith.subf %add3A_248, %abs3A_249 : vector<16xf32>
      %max3A_251 = arith.constant 0.000000e+00 : f32
      %max3A_252 = vector.broadcast %max3A_251 : f32 to vector<16xf32>
      %max3A_253 = arith.maximumf %sub3A_250, %max3A_252 : vector<16xf32>
      %mul3A_254 = arith.mulf %max3A_253, %max3A_253 : vector<16xf32>
      %add3A_255 = arith.addf %add3A_195, %mul3A_254 : vector<16xf32>
      %mul3A_256 = arith.mulf %gather3A_236, %gather3A_236 : vector<16xf32>
      %add3A_257 = arith.addf %add3A_197, %mul3A_256 : vector<16xf32>
      %mul3A_258 = arith.mulf %gather3A_238, %gather3A_238 : vector<16xf32>
      %add3A_259 = arith.addf %add3A_199, %mul3A_258 : vector<16xf32>
      %xor3A_260 = arith.constant 5 : i32
      %xor3A_261 = vector.broadcast %xor3A_260 : i32 to vector<16xi32>
      %xor3A_262 = arith.xori %iota3A, %xor3A_261 : vector<16xi32>
      %add3A_263 = arith.constant 64 : i32
      %add3A_264 = vector.broadcast %add3A_263 : i32 to vector<16xi32>
      %add3A_265 = arith.addi %xor3A_262, %add3A_264 : vector<16xi32>
      %gather3A_266 = tpu.vector_load_idx %arg17[%add3A_113, %xor3A_262] : memref<128x128xf32, #tpu.memory_space<vmem>>[vector<16xi32>, vector<16xi32>], vector<16xf32>,
      %gather3A_267 = tpu.vector_load_idx %arg17[%add3A_113, %add3A_265] : memref<128x128xf32, #tpu.memory_space<vmem>>[vector<16xi32>, vector<16xi32>], vector<16xf32>,
      %gather3A_268 = tpu.vector_load_idx %arg19[%add3A_113, %xor3A_262] : memref<128x128xf32, #tpu.memory_space<vmem>>[vector<16xi32>, vector<16xi32>], vector<16xf32>,
      %gather3A_269 = tpu.vector_load_idx %arg19[%add3A_113, %add3A_265] : memref<128x128xf32, #tpu.memory_space<vmem>>[vector<16xi32>, vector<16xi32>], vector<16xf32>,
      %gather3A_270 = tpu.vector_load_idx %arg18[%add3A_113, %xor3A_262] : memref<128x128xf32, #tpu.memory_space<vmem>>[vector<16xi32>, vector<16xi32>], vector<16xf32>,
      %gather3A_271 = tpu.vector_load_idx %arg18[%add3A_113, %add3A_265] : memref<128x128xf32, #tpu.memory_space<vmem>>[vector<16xi32>, vector<16xi32>], vector<16xf32>,
      %sub3A_272 = arith.subf %gather3A_266, %gather3A_268 : vector<16xf32>
      %sub3A_273 = arith.subf %sub3A_272, %gather3A_270 : vector<16xf32>
      %abs3A_274 = math.absf %sub3A_273 : vector<16xf32>
      %abs3A_275 = math.absf %gather3A_267 : vector<16xf32>
      %add3A_276 = arith.addf %abs3A_274, %abs3A_275 : vector<16xf32>
      %abs3A_277 = math.absf %gather3A_269 : vector<16xf32>
      %add3A_278 = arith.addf %add3A_276, %abs3A_277 : vector<16xf32>
      %abs3A_279 = math.absf %gather3A_271 : vector<16xf32>
      %sub3A_280 = arith.subf %add3A_278, %abs3A_279 : vector<16xf32>
      %max3A_281 = arith.constant 0.000000e+00 : f32
      %max3A_282 = vector.broadcast %max3A_281 : f32 to vector<16xf32>
      %max3A_283 = arith.maximumf %sub3A_280, %max3A_282 : vector<16xf32>
      %mul3A_284 = arith.mulf %max3A_283, %max3A_283 : vector<16xf32>
      %add3A_285 = arith.addf %add3A_225, %mul3A_284 : vector<16xf32>
      %mul3A_286 = arith.mulf %gather3A_266, %gather3A_266 : vector<16xf32>
      %add3A_287 = arith.addf %add3A_227, %mul3A_286 : vector<16xf32>
      %mul3A_288 = arith.mulf %gather3A_268, %gather3A_268 : vector<16xf32>
      %add3A_289 = arith.addf %add3A_229, %mul3A_288 : vector<16xf32>
      %xor3A_290 = arith.constant 6 : i32
      %xor3A_291 = vector.broadcast %xor3A_290 : i32 to vector<16xi32>
      %xor3A_292 = arith.xori %iota3A, %xor3A_291 : vector<16xi32>
      %add3A_293 = arith.constant 64 : i32
      %add3A_294 = vector.broadcast %add3A_293 : i32 to vector<16xi32>
      %add3A_295 = arith.addi %xor3A_292, %add3A_294 : vector<16xi32>
      %gather3A_296 = tpu.vector_load_idx %arg17[%add3A_113, %xor3A_292] : memref<128x128xf32, #tpu.memory_space<vmem>>[vector<16xi32>, vector<16xi32>], vector<16xf32>,
      %gather3A_297 = tpu.vector_load_idx %arg17[%add3A_113, %add3A_295] : memref<128x128xf32, #tpu.memory_space<vmem>>[vector<16xi32>, vector<16xi32>], vector<16xf32>,
      %gather3A_298 = tpu.vector_load_idx %arg19[%add3A_113, %xor3A_292] : memref<128x128xf32, #tpu.memory_space<vmem>>[vector<16xi32>, vector<16xi32>], vector<16xf32>,
      %gather3A_299 = tpu.vector_load_idx %arg19[%add3A_113, %add3A_295] : memref<128x128xf32, #tpu.memory_space<vmem>>[vector<16xi32>, vector<16xi32>], vector<16xf32>,
      %gather3A_300 = tpu.vector_load_idx %arg18[%add3A_113, %xor3A_292] : memref<128x128xf32, #tpu.memory_space<vmem>>[vector<16xi32>, vector<16xi32>], vector<16xf32>,
      %gather3A_301 = tpu.vector_load_idx %arg18[%add3A_113, %add3A_295] : memref<128x128xf32, #tpu.memory_space<vmem>>[vector<16xi32>, vector<16xi32>], vector<16xf32>,
      %sub3A_302 = arith.subf %gather3A_296, %gather3A_298 : vector<16xf32>
      %sub3A_303 = arith.subf %sub3A_302, %gather3A_300 : vector<16xf32>
      %abs3A_304 = math.absf %sub3A_303 : vector<16xf32>
      %abs3A_305 = math.absf %gather3A_297 : vector<16xf32>
      %add3A_306 = arith.addf %abs3A_304, %abs3A_305 : vector<16xf32>
      %abs3A_307 = math.absf %gather3A_299 : vector<16xf32>
      %add3A_308 = arith.addf %add3A_306, %abs3A_307 : vector<16xf32>
      %abs3A_309 = math.absf %gather3A_301 : vector<16xf32>
      %sub3A_310 = arith.subf %add3A_308, %abs3A_309 : vector<16xf32>
      %max3A_311 = arith.constant 0.000000e+00 : f32
      %max3A_312 = vector.broadcast %max3A_311 : f32 to vector<16xf32>
      %max3A_313 = arith.maximumf %sub3A_310, %max3A_312 : vector<16xf32>
      %mul3A_314 = arith.mulf %max3A_313, %max3A_313 : vector<16xf32>
      %add3A_315 = arith.addf %add3A_255, %mul3A_314 : vector<16xf32>
      %mul3A_316 = arith.mulf %gather3A_296, %gather3A_296 : vector<16xf32>
      %add3A_317 = arith.addf %add3A_257, %mul3A_316 : vector<16xf32>
      %mul3A_318 = arith.mulf %gather3A_298, %gather3A_298 : vector<16xf32>
      %add3A_319 = arith.addf %add3A_259, %mul3A_318 : vector<16xf32>
      %xor3A_320 = arith.constant 7 : i32
      %xor3A_321 = vector.broadcast %xor3A_320 : i32 to vector<16xi32>
      %xor3A_322 = arith.xori %iota3A, %xor3A_321 : vector<16xi32>
      %add3A_323 = arith.constant 64 : i32
      %add3A_324 = vector.broadcast %add3A_323 : i32 to vector<16xi32>
      %add3A_325 = arith.addi %xor3A_322, %add3A_324 : vector<16xi32>
      %gather3A_326 = tpu.vector_load_idx %arg17[%add3A_113, %xor3A_322] : memref<128x128xf32, #tpu.memory_space<vmem>>[vector<16xi32>, vector<16xi32>], vector<16xf32>,
      %gather3A_327 = tpu.vector_load_idx %arg17[%add3A_113, %add3A_325] : memref<128x128xf32, #tpu.memory_space<vmem>>[vector<16xi32>, vector<16xi32>], vector<16xf32>,
      %gather3A_328 = tpu.vector_load_idx %arg19[%add3A_113, %xor3A_322] : memref<128x128xf32, #tpu.memory_space<vmem>>[vector<16xi32>, vector<16xi32>], vector<16xf32>,
      %gather3A_329 = tpu.vector_load_idx %arg19[%add3A_113, %add3A_325] : memref<128x128xf32, #tpu.memory_space<vmem>>[vector<16xi32>, vector<16xi32>], vector<16xf32>,
      %gather3A_330 = tpu.vector_load_idx %arg18[%add3A_113, %xor3A_322] : memref<128x128xf32, #tpu.memory_space<vmem>>[vector<16xi32>, vector<16xi32>], vector<16xf32>,
      %gather3A_331 = tpu.vector_load_idx %arg18[%add3A_113, %add3A_325] : memref<128x128xf32, #tpu.memory_space<vmem>>[vector<16xi32>, vector<16xi32>], vector<16xf32>,
      %sub3A_332 = arith.subf %gather3A_326, %gather3A_328 : vector<16xf32>
      %sub3A_333 = arith.subf %sub3A_332, %gather3A_330 : vector<16xf32>
      %abs3A_334 = math.absf %sub3A_333 : vector<16xf32>
      %abs3A_335 = math.absf %gather3A_327 : vector<16xf32>
      %add3A_336 = arith.addf %abs3A_334, %abs3A_335 : vector<16xf32>
      %abs3A_337 = math.absf %gather3A_329 : vector<16xf32>
      %add3A_338 = arith.addf %add3A_336, %abs3A_337 : vector<16xf32>
      %abs3A_339 = math.absf %gather3A_331 : vector<16xf32>
      %sub3A_340 = arith.subf %add3A_338, %abs3A_339 : vector<16xf32>
      %max3A_341 = arith.constant 0.000000e+00 : f32
      %max3A_342 = vector.broadcast %max3A_341 : f32 to vector<16xf32>
      %max3A_343 = arith.maximumf %sub3A_340, %max3A_342 : vector<16xf32>
      %mul3A_344 = arith.mulf %max3A_343, %max3A_343 : vector<16xf32>
      %add3A_345 = arith.addf %add3A_285, %mul3A_344 : vector<16xf32>
      %mul3A_346 = arith.mulf %gather3A_326, %gather3A_326 : vector<16xf32>
      %add3A_347 = arith.addf %add3A_287, %mul3A_346 : vector<16xf32>
      %mul3A_348 = arith.mulf %gather3A_328, %gather3A_328 : vector<16xf32>
      %add3A_349 = arith.addf %add3A_289, %mul3A_348 : vector<16xf32>
      %add3A_350 = arith.addf %add3A_315, %add3A_345 : vector<16xf32>
      %bitcast3A = vector.bitcast %add3A_350 : vector<16xf32> to vector<16xi32>
      %shift_right_arithmetic3A = arith.constant 1 : i32
      %shift_right_arithmetic3A_351 = vector.broadcast %shift_right_arithmetic3A : i32 to vector<16xi32>
      %shift_right_arithmetic3A_352 = arith.shrsi %bitcast3A, %shift_right_arithmetic3A_351 : vector<16xi32>
      %add3A_353 = arith.constant 532487669 : i32
      %add3A_354 = vector.broadcast %add3A_353 : i32 to vector<16xi32>
      %add3A_355 = arith.addi %shift_right_arithmetic3A_352, %add3A_354 : vector<16xi32>
      %bitcast3A_356 = vector.bitcast %add3A_355 : vector<16xi32> to vector<16xf32>
      %div3A = arith.divf %add3A_350, %bitcast3A_356 : vector<16xf32>
      %add3A_357 = arith.addf %bitcast3A_356, %div3A : vector<16xf32>
      %mul3A_358 = arith.constant 5.000000e-01 : f32
      %mul3A_359 = vector.broadcast %mul3A_358 : f32 to vector<16xf32>
      %mul3A_360 = arith.mulf %mul3A_359, %add3A_357 : vector<16xf32>
      %div3A_361 = arith.divf %add3A_350, %mul3A_360 : vector<16xf32>
      %add3A_362 = arith.addf %mul3A_360, %div3A_361 : vector<16xf32>
      %mul3A_363 = arith.constant 5.000000e-01 : f32
      %mul3A_364 = vector.broadcast %mul3A_363 : f32 to vector<16xf32>
      %mul3A_365 = arith.mulf %mul3A_364, %add3A_362 : vector<16xf32>
      %add3A_366 = arith.addf %add3A_317, %add3A_347 : vector<16xf32>
      %bitcast3A_367 = vector.bitcast %add3A_366 : vector<16xf32> to vector<16xi32>
      %shift_right_arithmetic3A_368 = arith.constant 1 : i32
      %shift_right_arithmetic3A_369 = vector.broadcast %shift_right_arithmetic3A_368 : i32 to vector<16xi32>
      %shift_right_arithmetic3A_370 = arith.shrsi %bitcast3A_367, %shift_right_arithmetic3A_369 : vector<16xi32>
      %add3A_371 = arith.constant 532487669 : i32
      %add3A_372 = vector.broadcast %add3A_371 : i32 to vector<16xi32>
      %add3A_373 = arith.addi %shift_right_arithmetic3A_370, %add3A_372 : vector<16xi32>
      %bitcast3A_374 = vector.bitcast %add3A_373 : vector<16xi32> to vector<16xf32>
      %div3A_375 = arith.divf %add3A_366, %bitcast3A_374 : vector<16xf32>
      %add3A_376 = arith.addf %bitcast3A_374, %div3A_375 : vector<16xf32>
      %mul3A_377 = arith.constant 5.000000e-01 : f32
      %mul3A_378 = vector.broadcast %mul3A_377 : f32 to vector<16xf32>
      %mul3A_379 = arith.mulf %mul3A_378, %add3A_376 : vector<16xf32>
      %div3A_380 = arith.divf %add3A_366, %mul3A_379 : vector<16xf32>
      %add3A_381 = arith.addf %mul3A_379, %div3A_380 : vector<16xf32>
      %mul3A_382 = arith.constant 5.000000e-01 : f32
      %mul3A_383 = vector.broadcast %mul3A_382 : f32 to vector<16xf32>
      %mul3A_384 = arith.mulf %mul3A_383, %add3A_381 : vector<16xf32>
      %sub3A_385 = arith.constant 1.000000e+00 : f32
      %sub3A_386 = vector.broadcast %sub3A_385 : f32 to vector<16xf32>
      %sub3A_387 = arith.subf %mul3A_384, %sub3A_386 : vector<16xf32>
      %abs3A_388 = math.absf %sub3A_387 : vector<16xf32>
      %add3A_389 = arith.addf %mul3A_365, %abs3A_388 : vector<16xf32>
      %add3A_390 = arith.addf %add3A_319, %add3A_349 : vector<16xf32>
      %bitcast3A_391 = vector.bitcast %add3A_390 : vector<16xf32> to vector<16xi32>
      %shift_right_arithmetic3A_392 = arith.constant 1 : i32
      %shift_right_arithmetic3A_393 = vector.broadcast %shift_right_arithmetic3A_392 : i32 to vector<16xi32>
      %shift_right_arithmetic3A_394 = arith.shrsi %bitcast3A_391, %shift_right_arithmetic3A_393 : vector<16xi32>
      %add3A_395 = arith.constant 532487669 : i32
      %add3A_396 = vector.broadcast %add3A_395 : i32 to vector<16xi32>
      %add3A_397 = arith.addi %shift_right_arithmetic3A_394, %add3A_396 : vector<16xi32>
      %bitcast3A_398 = vector.bitcast %add3A_397 : vector<16xi32> to vector<16xf32>
      %div3A_399 = arith.divf %add3A_390, %bitcast3A_398 : vector<16xf32>
      %add3A_400 = arith.addf %bitcast3A_398, %div3A_399 : vector<16xf32>
      %mul3A_401 = arith.constant 5.000000e-01 : f32
      %mul3A_402 = vector.broadcast %mul3A_401 : f32 to vector<16xf32>
      %mul3A_403 = arith.mulf %mul3A_402, %add3A_400 : vector<16xf32>
      %div3A_404 = arith.divf %add3A_390, %mul3A_403 : vector<16xf32>
      %add3A_405 = arith.addf %mul3A_403, %div3A_404 : vector<16xf32>
      %mul3A_406 = arith.constant 5.000000e-01 : f32
      %mul3A_407 = vector.broadcast %mul3A_406 : f32 to vector<16xf32>
      %mul3A_408 = arith.mulf %mul3A_407, %add3A_405 : vector<16xf32>
      %sub3A_409 = arith.constant 1.000000e+00 : f32
      %sub3A_410 = vector.broadcast %sub3A_409 : f32 to vector<16xf32>
      %sub3A_411 = arith.subf %mul3A_408, %sub3A_410 : vector<16xf32>
      %abs3A_412 = math.absf %sub3A_411 : vector<16xf32>
      %add3A_413 = arith.addf %add3A_389, %abs3A_412 : vector<16xf32>
      %mul3A_414 = arith.constant 16 : i32
      %mul3A_415 = arith.muli %scan3A_108, %mul3A_414 : i32
      %add3A_416 = arith.constant 384 : i32
      %add3A_417 = arith.addi %add3A_416, %mul3A_415 : i32
      %swap3A = arith.index_cast %add3A_417 : i32 to index
      %swap3A_418 = tpu.vector_load %arg20[%swap3A] {strides = array<i32>} : memref<512xf32, #tpu.memory_space<vmem>>, vector<16xf32>,
      tpu.vector_store %arg20[%swap3A], %add3A_413 {strides = array<i32>} : memref<512xf32, #tpu.memory_space<vmem>>, vector<16xf32>,
      %scan3A_419 = arith.constant 0 : i32
      scf.yield %scan3A_419 : i32
    }
    %scan3A_107 = arith.constant 8 : i32
    "tpu.region"() ({
      %run_scoped3A = tpu.sem_alloc : memref<!tpu.dma_semaphore, #tpu.memory_space<semaphore_mem>>
      %dma_start3A_108 = tpu.memref_slice %arg7[%mul3A_2] : memref<16384xf32, #tpu.memory_space<hbm>> -> memref<512xf32, #tpu.memory_space<hbm>>
      %dma_start3A_109 = tpu.memref_slice %arg7[%mul3A_2] : memref<16384xf32, #tpu.memory_space<hbm>> -> memref<512xf32, #tpu.memory_space<hbm>>
      tpu.enqueue_dma source(%arg20 : memref<512xf32, #tpu.memory_space<vmem>>) target(%dma_start3A_109 : memref<512xf32, #tpu.memory_space<hbm>>) target_semaphore(%run_scoped3A : memref<!tpu.dma_semaphore, #tpu.memory_space<semaphore_mem>>)
      %dma_wait3A_110 = tpu.memref_slice %arg7[%mul3A_2] : memref<16384xf32, #tpu.memory_space<hbm>> -> memref<512xf32, #tpu.memory_space<hbm>>
      %dma_wait3A_111 = tpu.memref_slice %arg7[%mul3A_2] : memref<16384xf32, #tpu.memory_space<hbm>> -> memref<512xf32, #tpu.memory_space<hbm>>
      tpu.wait_dma2 semaphore(%run_scoped3A : memref<!tpu.dma_semaphore, #tpu.memory_space<semaphore_mem>>) src(%arg20 : memref<512xf32, #tpu.memory_space<vmem>>) dst(%dma_wait3A_111 : memref<512xf32, #tpu.memory_space<hbm>>)
      tpu.yield
    }) : () -> ()
    return
  }
}

</mosaic_0001>

<sc_bundles>
// kernel: kernel.3.cloned.1.call-start
scs
__scs_entry_jumppad:
0x0: {  	(pc) =	sbr.rel $0x88, $3  }
0x1: {  	(tag) =	ssettag $0x0;
	lr =	simm.s32 $0x1  }
0x2: {  	[smem:$0x3F9E] =	sst lr;
	_ =	strace $0xD0000000  }
0x3: {  	_ = 	snop  }
0x4: {  	_ = 	snop  }
0x5: {  	_ = 	snop  }
0x6: {  	_ = 	snop  }
0x7: {  	_ = 	snop  }
__scs_overlays_trampoline_lowered:
0x8: {  	[smem:$0x3FAD] =	sst s0  }
0x9: {  	[smem:$0x3FAE] =	sst s1  }
0xa: {  	[smem:$0x3FAF] =	sst s2  }
0xb: {  	[smem:$0x3FB0] =	sst s3  }
0xc: {  	[smem:$0x3FB1] =	sst s4  }
0xd: {  	[smem:$0x3FB2] =	sst s5  }
0xe: {  	[smem:$0x3FB3] =	sst s6  }
0xf: {  	[smem:$0x3FB4] =	sst s7  }
0x10: {  	[smem:$0x3FB5] =	sst s8  }
0x11: {  	[smem:$0x3FB6] =	sst s9;
	s0 =	simm.s32 @!p0 $0x0  }
0x12: {  	s1 =	sld [smem:$0x3F9C];
	s0 =	simm.s32 @p0 $0x1  }
0x13: {  	[smem:$0x3FB7] =	sst s0;
	s0 =	simm.s32 @!p1 $0x0  }
0x14: {  	s2 =	sld [smem:$0x3F9B];
	s0 =	simm.s32 @p1 $0x1  }
0x15: {  	[smem:$0x3FB8] =	sst s0;
	s0 =	simm.s32 @!p2 $0x0  }
0x16: {  	s3 =	sld [smem:$0x3FDB];
	s0 =	simm.s32 @p2 $0x1  }
0x17: {  	s4 =	simm.s32 $0x1BF5;
	[smem:$0x3FBA] =	sst s0  }
0x18: {  	s0 =	sld [smem:$0x3F9D];
	_ =	swait.ge [sflag:s4], $0x0  }
0x19: {  	s7 =	sld [smem:$0x3F9E]  }
0x1a: {  	s8 =	sadd.s32 $0xFFFFE003, lr  }
0x1b: {  	s9 =	sadd.s32 $0xFFFFFEF7, lr;
	s5 =	simm.s32 $0xFFFFFFFF;
	p2 =	slt.u32 s8, $0xFFFFF086  }
0x1c: {  	p1 =	slt.u32 s9, $0xF7A;
	s5 =	simm.s32 @!p2 $0x0  }
0x1d: {  	s5 =	simm.s32 @p1 $0x1;
	p0 =	seq.s32 s7, s2  }
0x1e: {  	s7 =	smul.u32 @!p0 $0xF7A, s2;
	p2 =	seq.s32 @!p0 s5, $0x0  }
0x1f: {  	s9 =	smul.u32 $0xF7A, s1;
	s8 =	simm.s32 @!p0 $0x1BF5;
	p2 =	por !p2, p0  }
0x20: {  	[sflag:s8] =	ssyncset.s32 @!p0 $0xFFFFF086;
	s6 =	sadd.s32 @!p0 s3, s7;
	s7 =	simm.s32 @!p0 $0x108  }
0x21: {  	s3 =	sadd.s32 s3, s9;
	s6 =	sadd.s32 @!p0 $0x88, s6;
	s7 =	simm.s32 @p2 $0x1082  }
0x22: {  	[simem:s7], [sflag:s8] =	dma.local @!p0 [hbm:s6], $0xF7A  }
0x23: {  	s9 =	sor.u32 $0xD0000000, s2;
	s6 =	simm.s32 $0x108;
	_ =	swait.ge @!p0 [sflag:s8], $0x0  }
0x24: {  	s3 =	sadd.s32 $0x88, s3;
	s6 =	simm.s32 @!p1 $0x1082;
	[sflag:s4] =	ssyncset.s32 $0xFFFFF086  }
0x25: {  	[simem:s6], [sflag:s4] =	dma.local [hbm:s3], $0xF7A  }
0x26: {  	[smem:$0x3F9E] =	sst s1;
	(tag) =	ssettag s2;
	_ =	strace s9  }
0x27: {  	s1 =	sld [smem:$0x3FAE]  }
0x28: {  	s2 =	sld [smem:$0x3FAF]  }
0x29: {  	s4 =	sld [smem:$0x3FB1]  }
0x2a: {  	p0 =	seq.s32 s5, $0x0;
	s5 =	sld [smem:$0x3FB2]  }
0x2b: {  	s6 =	sld [smem:$0x3FB3]  }
0x2c: {  	s7 =	sld [smem:$0x3FB4]  }
0x2d: {  	s3 =	simm.s32 $0x108;
	s8 =	sld [smem:$0x3FB5]  }
0x2e: {  	s3 =	simm.s32 @!p0 $0x1082;
	s9 =	sld [smem:$0x3FB6]  }
0x2f: {  	lr =	sadd.s32 s0, s3;
	s0 =	sld [smem:$0x3FAD]  }
0x30: {  	s3 =	sld [smem:$0x3FB0]  }
0x31: {  	[smem:$0x3FB9] =	sst s10  }
0x32: {  	s10 =	sld [smem:$0x3FB7];
	_ =	sdelay $0x3  }
0x33: {  	p0 =	seq.s32 s10, $0x1;
	s10 =	sld [smem:$0x3FB9];
	_ =	sdelay $0x3  }
0x34: {  	[smem:$0x3FB9] =	sst s10  }
0x35: {  	s10 =	sld [smem:$0x3FB8];
	_ =	sdelay $0x3  }
0x36: {  	p1 =	seq.s32 s10, $0x1;
	s10 =	sld [smem:$0x3FB9];
	_ =	sdelay $0x3  }
0x37: {  	[smem:$0x3FB9] =	sst s10  }
0x38: {  	s10 =	sld [smem:$0x3FBA]  }
0x39: {  	_ = 	snop;
	(pc) =	sbr.ind lr, $3  }
0x3a: {  	_ = 	snop  }
0x3b: {  	_ = 	snop  }
0x3c: {  	p2 =	seq.s32 s10, $0x1;
	s10 =	sld [smem:$0x3FB9]  }
0x3d: {  	_ =	shalt  }
0x3e: {  	_ =	shalt  }
0x3f: {  	_ =	shalt  }
0x40: {  	_ =	shalt  }
0x41: {  	_ =	shalt  }
0x42: {  	_ =	shalt  }
0x43: {  	_ =	shalt  }
0x44: {  	_ =	shalt  }
0x45: {  	_ =	shalt  }
0x46: {  	_ =	shalt  }
0x47: {  	_ =	shalt  }
0x48: {  	_ =	shalt  }
0x49: {  	_ =	shalt  }
0x4a: {  	_ =	shalt  }
0x4b: {  	_ =	shalt  }
0x4c: {  	_ =	shalt  }
0x4d: {  	_ =	shalt  }
0x4e: {  	_ =	shalt  }
0x4f: {  	_ =	shalt  }
0x50: {  	_ =	shalt  }
0x51: {  	_ =	shalt  }
0x52: {  	_ =	shalt  }
0x53: {  	_ =	shalt  }
0x54: {  	_ =	shalt  }
0x55: {  	_ =	shalt  }
0x56: {  	_ =	shalt  }
0x57: {  	_ =	shalt  }
0x58: {  	_ =	shalt  }
0x59: {  	_ =	shalt  }
0x5a: {  	_ =	shalt  }
0x5b: {  	_ =	shalt  }
0x5c: {  	_ =	shalt  }
0x5d: {  	_ =	shalt  }
0x5e: {  	_ =	shalt  }
0x5f: {  	_ =	shalt  }
0x60: {  	_ =	shalt  }
0x61: {  	_ =	shalt  }
0x62: {  	_ =	shalt  }
0x63: {  	_ =	shalt  }
0x64: {  	_ =	shalt  }
0x65: {  	_ =	shalt  }
0x66: {  	_ =	shalt  }
0x67: {  	_ =	shalt  }
0x68: {  	_ =	shalt  }
0x69: {  	_ =	shalt  }
0x6a: {  	_ =	shalt  }
0x6b: {  	_ =	shalt  }
0x6c: {  	_ =	shalt  }
0x6d: {  	_ =	shalt  }
0x6e: {  	_ =	shalt  }
0x6f: {  	_ =	shalt  }
0x70: {  	_ =	shalt  }
0x71: {  	_ =	shalt  }
0x72: {  	_ =	shalt  }
0x73: {  	_ =	shalt  }
0x74: {  	_ =	shalt  }
0x75: {  	_ =	shalt  }
0x76: {  	_ =	shalt  }
0x77: {  	_ =	shalt  }
0x78: {  	_ =	shalt  }
0x79: {  	_ =	shalt  }
0x7a: {  	_ =	shalt  }
0x7b: {  	_ =	shalt  }
0x7c: {  	_ =	shalt  }
0x7d: {  	_ =	shalt  }
0x7e: {  	_ =	shalt  }
0x7f: {  	_ =	shalt  }
0x80: {  	_ =	shalt  }
0x81: {  	_ =	shalt  }
0x82: {  	_ =	shalt  }
0x83: {  	_ =	shalt  }
0x84: {  	_ =	shalt  }
0x85: {  	_ =	shalt  }
0x86: {  	_ =	shalt  }
0x87: {  	_ =	shalt  }
.Lfunc_end0:
.L_simem_size_0:
called_computation_lowered:
.L_overlay_start_0:
0x88: {  	s2 =	sld [smem:$0x3FD9]  }
0x89: {  	s3 =	sld [smem:$0x3FFE];
	_ =	sdelay $0x1  }
0x8a: {  	s1 =	srdreg.scid  }
0x8b: {  	s0 =	sand.u32 $0x1, s1  }
0x8c: {  	s17 =	sshll.u32 s0, $0xA;
	s2 =	sadd.s32 s3, s2  }
0x8d: {  	s2 =	sadd.s32 s2, s17  }
0x8e: {  	[smem:$0x3FC5] =	sst s2  }
0x8f: {  	_ = 	snop  }
0x90: {  	s2 =	sld [smem:$0x3FC8]  }
0x91: {  	s18 =	sld [smem:$0x3FC7]  }
0x92: {  	s4 =	sld [smem:$0x3FD0];
	(tm) =	ssettm $0x1  }
0x93: {  	s5 =	sld [smem:$0x3FFB];
	_ =	sdelay $0x3  }
0x94: {  	_ =	strace s5  }
0x95: {  	s5 =	sld [smem:$0x3FFC];
	_ =	sdelay $0x3  }
0x96: {  	_ =	strace s5  }
0x97: {  	s5 =	sld [smem:$0x3FFD];
	_ =	sdelay $0x3  }
0x98: {  	_ =	strace s5  }
0x99: {  	_ =	strace $0x8FFFFFFF  }
0x9a: {  	s19 =	sld [smem:$0x3FDB];
	_ =	sdelay $0x1  }
0x9b: {  	s6 =	simm.s32 $_scs_section_size  }
0x9c: {  	s7 =	simm.s32 $_size__tile_overlayer_lowered;
	s8 =	simm.s32 $_tile_overlayer_lowered  }
0x9d: {  	s22 =	simm.s32 $0x1BFF;
	s21 =	sshll.u32 s8, $0x1;
	s5 =	sadd.s32 s6, s19  }
0x9e: {  	s9 =	simm.s32 $0x0;
	s20 =	sshll.u32 s7, $0x1;
	s7 =	sadd.s32 s21, s5  }
0x9f: {  	[timem:s9], [sflag:s22] =	dma.local [hbm:s7], s20  }
0xa0: {  	_ =	swait.ge [sflag:s22], s20  }
0xa1: {  	s6 =	ssub.s32 $0x0, s20;
	[sflag:s22] =	ssyncset.done $0x0  }
0xa2: {  	[sflag:s22] =	ssyncadd.s32 s6;
	_ =	sdelay $0x1  }
0xa3: {  	s23 =	simm.s32 $0x1B8B  }
0xa4: {  	_ =	swait.ge [sflag:s23], $0x1  }
0xa5: {  	[sflag:s23] =	ssyncset.done $0x0  }
0xa6: {  	s25 =	simm.s32 $0x1B8E;
	s24 =	sld [smem:$0x3FFE];
	[sflag:s23] =	ssyncadd.s32 $0xFFFFFFFF  }
0xa7: {  	s26 =	simm.s32 $execute0_lowered;
	[smem:$0x3FD2] =	sst s25  }
0xa8: {  	s7 =	sshll.u32 s26, $0x1;
	_ =	strace $0x80000046;
	[dreg:$0x1] =	wrdreg $0xFFFFFFFF  }
0xa9: {  	s28 =	simm.s32 $_size_execute0_lowered;
	s5 =	sadd.s32 s5, s7;
	[dreg:$0x0] =	wrdreg $0x0  }
0xaa: {  	s7 =	sshll.u32 s28, $0x1;
	[dreg:$0x2] =	wrdreg s5  }
0xab: {  	[dreg:$0x3] =	wrdreg s7  }
0xac: {  	[dreg:$0x4] =	wrdreg $0xC0  }
0xad: {  	_ =	task [dreg:s9], $0x5FFFF  }
0xae: {  	[dreg:$0x1] =	wrdreg $0xFFFFFFFF  }
0xaf: {  	[dreg:$0x0] =	wrdreg $0x60  }
0xb0: {  	[dreg:$0x2] =	wrdreg s24  }
0xb1: {  	[dreg:$0x3] =	wrdreg s2  }
0xb2: {  	[dreg:$0x4] =	wrdreg s18  }
0xb3: {  	[dreg:$0x5] =	wrdreg s4  }
0xb4: {  	[dreg:$0x6] =	wrdreg $0x9  }
0xb5: {  	_ =	task.clear_ibuf [dreg:s9], $0x7FFFF;
	_ =	strace $0x90000046  }
0xb6: {  	s29 =	simm.s32 $0x9;
	_ =	strace $0x80000048  }
0xb7: {  	_ =	swait.ge [sflag:s29], $0x1  }
0xb8: {  	[sflag:s29] =	ssyncadd.s32 $0xFFFFFFFF  }
0xb9: {  	_ =	strace $0x90000048  }
0xba: {  	_ =	sfence  }
0xbb: {  	s30 =	sld [smem:$0x0];
	_ =	sdelay $0x2  }
0xbc: {  	s31 =	sshll.u32 s1, $0xD;
	s1 =	sshrl.u32 s1, $0x2  }
0xbd: {  	s3 =	sand.u32 $0x4000, s31;
	s1 =	sadd.s32 s1, s30  }
0xbe: {  	s0 =	sor.u32 s3, s0;
	s1 =	sshll.u32 s1, $0x11  }
0xbf: {  	s0 =	sor.u32 s1, s0  }
0xc0: {  	s0 =	sadd.s32 $0x8F2B, s0  }
0xc1: {  	[sflag:s0] =	ssyncadd.remote.s32 $0x1  }
0xc2: {  	_ =	sfence.sel $0xFFFF  }
0xc3: {  	[dreg:$0x0] =	wrdreg $0xFFFFFFFF;
	(pc) =	sbr.abs _section_cstart, $3  }
0xc4: {  	[dreg:$0x1] =	wrdreg $0xFFFFFFFF  }
0xc5: {  	_ =	task.clear_ibuf [dreg:s9], $0x2FFFF;
	_ =	strace $0x9FFFFFFF  }
0xc6: {  	(tm) =	ssettm $0x7FFFFFFF  }
0xc7: {  	_ =	shalt  }
tec
execute0_lowered:
.L_overlay_start_1:
0x0: {  	(tag) =	ssettag $0x1  }
0x1: {  	v0 =	vimm.s32 $0xEFCDAB89;
	v1 =	vimm.s32 $0x67452301  }
0x2: {  	v2 =	vimm.s32 $0x4A4B4849;
	v3 =	vimm.s32 $0x4E4F4C4D;
	vm0 =	vcmask $0x1F10  }
0x3: {  	v5 =	vimm.s32 $0x4D4C4F4E;
	v11 =	vimm.s32 $0x45670123;
	v13 =	vimm.s32 $0x32107654  }
0x4: {  	v25 =	vimm.s32 $0xAB89EFCD;
	v27 =	vimm.s32 $0x23016745;
	v56 =	vimm.s32 $0x98BADCFE  }
0x5: {  	v57 =	vimm.s32 $0x10325476;
	v0 =	vunpack.c.l.s4.s8 v0;
	v1 =	vunpack.c.l.s4.s8 v1  }
0x6: {  	v6 =	vunpack.c.0.s8.s32 v2;
	v7 =	vunpack.c.0.s8.s32 v3;
	v2 =	vimm.s32 $0x42434041  }
0x7: {  	v3 =	vimm.s32 $0xDCFE98BA;
	v15 =	vunpack.c.0.s8.s32 v5;
	v5 =	vimm.s32 $0xCDEF89AB  }
0x8: {  	v25 =	vunpack.c.l.s4.s8 v25;
	v8 =	vunpack.c.0.s8.s32 v2;
	v2 =	vimm.s32 $0x46474445  }
0x9: {  	v5 =	vunpack.c.l.s4.s8 v5;
	v0 =	vunpack.c.0.s8.s32 v0;
	v1 =	vunpack.c.0.s8.s32 v1  }
0xa: {  	v9 =	vunpack.c.0.s8.s32 v2;
	v2 =	vunpack.c.l.s4.s8 v3;
	v3 =	vimm.s32 $0x54761032  }
0xb: {  	v58 =	vsel vm0, v6, v7;
	v10 =	vcombine.low v1, v0;
	v0 =	vunpack.c.l.s4.s8 v3  }
0xc: {  	v3 =	vsel vm0, v9, v8;
	v59 =	vsel vm0, v8, v9;
	v8 =	vimm.s32 $0x89ABCDEF  }
0xd: {  	v1 =	vsel vm0, v7, v6;
	v9 =	vimm.s32 $0x1234567;
	v60 =	vunpack.c.l.s4.s8 v8  }
0xe: {  	v61 =	vunpack.c.l.s4.s8 v9;
	v4 =	vunpack.c.0.s8.s32 v0;
	v0 =	vimm.s32 $0x49484B4A  }
0xf: {  	v2 =	vunpack.c.0.s8.s32 v2;
	v14 =	vunpack.c.0.s8.s32 v0;
	v0 =	vimm.s32 $0x41404342  }
0x10: {  	v62 =	vunpack.c.0.s8.s32 v60;
	v63 =	vunpack.c.0.s8.s32 v61;
	v16 =	vunpack.c.0.s8.s32 v0  }
0x11: {  	v0 =	vimm.s32 $0x45444746;
	v12 =	vcombine.low v4, v2;
	v4 =	vunpack.c.0.s8.s32 v5  }
0x12: {  	s4 =	rddreg [dreg:$0x0];
	v17 =	vunpack.c.0.s8.s32 v0;
	v0 =	vcombine.low v3, v1;
	v1 =	vunpack.c.l.s4.s8 v11  }
0x13: {  	s0 =	rddreg [dreg:$0x1];
	v2 =	vsel vm0, v15, v14;
	v11 =	vimm.s32 $0x4C4D4E4F;
	v14 =	vsel vm0, v14, v15  }
0x14: {  	s1 =	rddreg [dreg:$0x2];
	v15 =	vcombine.low v63, v62;
	v19 =	vunpack.c.0.s8.s32 v11;
	v11 =	vimm.s32 $0xBA98FEDC  }
0x15: {  	s2 =	rddreg [dreg:$0x3];
	s3 =	simm.s32 $0x0;
	v8 =	vand.u32 $0xF, v12;
	v12 =	vcombine.low v59, v58;
	v3 =	vsel vm0, v17, v16  }
0x16: {  	s5 =	srdreg.scid;
	s10 =	stileid.u32;
	s19 =	simm.s32 $0x3;
	v5 =	vunpack.c.0.s8.s32 v1;
	v1 =	vimm.s32 $0x48494A4B;
	v11 =	vunpack.c.l.s4.s8 v11  }
0x17: {  	s20 =	simm.s32 $0x80;
	s28 =	simm.s32 $0xC280;
	s29 =	simm.s32 $0xC300;
	v16 =	vsel vm0, v16, v17;
	v18 =	vunpack.c.0.s8.s32 v1;
	v1 =	vimm.s32 $0x40414243  }
0x18: {  	s30 =	simm.s32 $0x10300;
	s31 =	simm.s32 $0x14300;
	[smem:$0x7FF] =	sst s3;
	v15 =	vand.u32 $0xF, v15;
	v20 =	vunpack.c.0.s8.s32 v1;
	v1 =	vimm.s32 $0x44454647  }
0x19: {  	s6 =	sadd.s32 $0x1600, s4;
	s5 =	sand.u32 $0x1, s5;
	s7 =	sadd.s32 $0xE00, s4;
	v21 =	vunpack.c.0.s8.s32 v1;
	v1 =	vcombine.low v3, v2;
	v2 =	vunpack.c.l.s4.s8 v13  }
0x1a: {  	s10 =	sshll.u32 s10, $0x7;
	s8 =	ssub.s32 $0x2, s5;
	s5 =	sshll.u32 s5, $0x6;
	v22 =	vcombine.low v5, v4;
	v5 =	vunpack.c.0.s8.s32 v11;
	v3 =	vsel vm0, v19, v18  }
0x1b: {  	s4 =	sadd.s32 $0x600, s4;
	s9 =	sshrl.u32 s8, $0x1;
	s5 =	sor.u32 s5, s10;
	v13 =	vimm.s32 $0x4B4A4948;
	v11 =	vunpack.c.0.s8.s32 v2;
	v2 =	vimm.s32 $0x4F4E4D4C  }
0x1c: {  	_ =	strace $0x80000047;
	s8 =	ssub.s32 s8, s9;
	s21 =	sadd.s32 s6, s5;
	v13 =	vunpack.c.0.s8.s32 v13;
	v23 =	vunpack.c.0.s8.s32 v2;
	v2 =	vimm.s32 $0x47464544  }
0x1d: {  	s22 =	sadd.s32 s7, s5;
	s23 =	sor.u32 $0x10, s5;
	s10 =	sadd.s32 s4, s5;
	v4 =	vsel vm0, v21, v20;
	v24 =	vunpack.c.0.s8.s32 v2;
	v2 =	vimm.s32 $0x43424140  }
0x1e: {  	s13 =	sor.u32 $0x20, s5;
	s26 =	sor.u32 $0x30, s5;
	[dreg:$0x5] =	wrdreg s21;
	v11 =	vcombine.low v11, v5;
	v26 =	vunpack.c.0.s8.s32 v2;
	v2 =	vcombine.low v4, v3  }
0x1f: {  	s17 =	sadd.s32 s2, s5;
	s2 =	simm.s32 $0x1;
	[dreg:$0x6] =	wrdreg s22;
	v3 =	vunpack.c.l.s4.s8 v27;
	v4 =	vsel vm0, v13, v23;
	v13 =	vunpack.c.0.s8.s32 v25  }
0x20: {  	s5 =	simm.s32 $0x0;
	[dreg:$0x7] =	wrdreg s10;
	s24 =	sadd.s32 s6, s23;
	v25 =	vunpack.c.l.s4.s8 v57;
	v5 =	vsel vm0, v26, v24;
	v24 =	vunpack.c.l.s4.s8 v56  }
0x21: {  	s25 =	sadd.s32 s7, s23;
	s10 =	sadd.s32 s4, s23;
	s11 =	sadd.s32 s6, s13;
	v14 =	vcombine.low v16, v14;
	v17 =	vsel vm0, v18, v19;
	v18 =	vsel vm0, v20, v21  }
0x22: {  	s12 =	sadd.s32 s7, s13;
	s13 =	sadd.s32 s4, s13;
	s14 =	sadd.s32 s6, s26;
	v55 =	vunpack.c.0.s8.s32 v3;
	v7 =	vunpack.c.0.s8.s32 v25;
	v6 =	vunpack.c.0.s8.s32 v24  }
0x23: {  	s15 =	sadd.s32 s7, s26;
	s16 =	sadd.s32 s4, s26;
	s18 =	smax.u32 s8, $0x1;
	v9 =	vand.u32 $0xF, v22;
	v16 =	vcombine.low v18, v17;
	v4 =	vcombine.low v5, v4  }
0x24: {  	s21 =	simm.s32 $0x100;
	s22 =	simm.s32 $0x180;
	s23 =	simm.s32 $0x4180;
	v3 =	vlaneseq.u32;
	v13 =	vcombine.low v55, v13;
	v25 =	vcombine.low v7, v6  }
0x25: {  	s26 =	simm.s32 $0xC200;
	s4 =	simm.s32 $0x2;
	[dreg:$0x8] =	wrdreg s24;
	v5 =	vmul.u32 $0x80, v3;
	v6 =	vor.u32 $0x40, v3;
	v7 =	vand.u32 $0xF, v10  }
0x26: {  	[dreg:$0x9] =	wrdreg s25;
	s24 =	simm.s32 $0x8180;
	s25 =	simm.s32 $0xC180;
	v10 =	vand.u32 $0xF, v11;
	v11 =	vand.u32 $0xF, v13;
	v13 =	vand.u32 $0xF, v25  }
.LBB2_1:
0x27: {  	s6 =	rddreg [dreg:$0x5]  }
0x28: {  	[tilespmem:s3], [sflag:$0x3] =	stream.linear.gather [hbm4b:s6+s3], $0x80, $0x38;
	[tilespmem:$0x18500] =	vst v63  }
0x29: {  	_ =	swait.ge [sflag:s19], $0x80  }
0x2a: {  	[sflag:s19] =	ssyncset.done $0x0  }
0x2b: {  	s9 =	rddreg [dreg:$0x6];
	[sflag:s19] =	ssyncadd.s32 $0xFFFFFF80  }
0x2c: {  	[tilespmem:s20], [sflag:$0x3] =	stream.linear.gather [hbm4b:s9+s3], $0x80, $0x38;
	[tilespmem:$0x18500] =	vst v63  }
0x2d: {  	_ =	swait.ge [sflag:s19], $0x80  }
0x2e: {  	[sflag:s19] =	ssyncset.done $0x0  }
0x2f: {  	s7 =	rddreg [dreg:$0x7];
	[sflag:s19] =	ssyncadd.s32 $0xFFFFFF80  }
0x30: {  	[tilespmem:s21], [sflag:$0x3] =	stream.linear.gather [hbm4b:s7+s3], $0x80, $0x38;
	[tilespmem:$0x18500] =	vst v63  }
0x31: {  	_ =	swait.ge [sflag:s19], $0x80  }
0x32: {  	[sflag:s19] =	ssyncset.done $0x0  }
0x33: {  	[sflag:s19] =	ssyncadd.s32 $0xFFFFFF80  }
0x34: {  	[tilespmem:s22], [sflag:$0x1] =	stream.indirect.gather [hbm4b:s0+s20], $0x80, s3, s20, $0xb8;
	[tilespmem:$0x18500] =	vst v63  }
0x35: {  	_ = 	snop  }
0x36: {  	[tilespmem:s23], [sflag:$0x1] =	stream.indirect.gather [hbm4b:s1+s20], $0x80, s20, s20, $0xb8;
	[tilespmem:$0x18500] =	vst v63  }
0x37: {  	_ = 	snop  }
0x38: {  	[tilespmem:s24], [sflag:$0x1] =	stream.indirect.gather [hbm4b:s0+s20], $0x80, s21, s20, $0xb8;
	[tilespmem:$0x18500] =	vst v63  }
0x39: {  	s8 =	rddreg [dreg:$0x8]  }
0x3a: {  	[tilespmem:s25], [sflag:$0x3] =	stream.linear.gather [hbm4b:s8+s3], $0x80, $0x38;
	[tilespmem:$0x18500] =	vst v63  }
0x3b: {  	_ =	swait.ge [sflag:s19], $0x80  }
0x3c: {  	[sflag:s19] =	ssyncset.done $0x0  }
0x3d: {  	s9 =	rddreg [dreg:$0x9];
	[sflag:s19] =	ssyncadd.s32 $0xFFFFFF80  }
0x3e: {  	[tilespmem:s26], [sflag:$0x3] =	stream.linear.gather [hbm4b:s9+s3], $0x80, $0x38;
	[tilespmem:$0x18500] =	vst v63  }
0x3f: {  	_ =	swait.ge [sflag:s19], $0x80  }
0x40: {  	[sflag:s19] =	ssyncset.done $0x0  }
0x41: {  	[sflag:s19] =	ssyncadd.s32 $0xFFFFFF80  }
0x42: {  	[tilespmem:s28], [sflag:$0x3] =	stream.linear.gather [hbm4b:s10+s3], $0x80, $0x38;
	[tilespmem:$0x18500] =	vst v63  }
0x43: {  	_ =	swait.ge [sflag:s19], $0x80  }
0x44: {  	[sflag:s19] =	ssyncset.done $0x0  }
0x45: {  	[sflag:s19] =	ssyncadd.s32 $0xFFFFFF80  }
0x46: {  	[tilespmem:s29], [sflag:$0x2] =	stream.indirect.gather [hbm4b:s0+s20], $0x80, s25, s20, $0xb8;
	[tilespmem:$0x18500] =	vst v63  }
0x47: {  	_ = 	snop  }
0x48: {  	[tilespmem:s30], [sflag:$0x2] =	stream.indirect.gather [hbm4b:s1+s20], $0x80, s26, s20, $0xb8;
	[tilespmem:$0x18500] =	vst v63  }
0x49: {  	_ = 	snop  }
0x4a: {  	[tilespmem:s31], [sflag:$0x2] =	stream.indirect.gather [hbm4b:s0+s20], $0x80, s28, s20, $0xb8;
	[tilespmem:$0x18500] =	vst v63  }
0x4b: {  	_ =	swait.ge [sflag:s2], $0x4000  }
0x4c: {  	v17 =	vmov s3;
	[sflag:s2] =	ssyncset.done $0x0  }
0x4d: {  	v17 =	vshll.u32 v17, $0x7;
	[sflag:s2] =	ssyncadd.s32 $0xFFFFC000  }
0x4e: {  	v18 =	vor.u32 v5, v17;
	_ =	swait.ge [sflag:s2], $0x4000  }
0x4f: {  	v19 =	vor.u32 v3, v18;
	[sflag:s2] =	ssyncset.done $0x0  }
0x50: {  	v20 =	vor.u32 v9, v18;
	[sflag:s2] =	ssyncadd.s32 $0xFFFFC000  }
0x51: {  	v21 =	vor.u32 v2, v18;
	_ =	swait.ge [sflag:s2], $0x4000  }
0x52: {  	v22 =	vor.u32 v11, v18;
	[sflag:s2] =	ssyncset.done $0x0  }
0x53: {  	v17 =	vor.u32 v4, v18;
	[sflag:s2] =	ssyncadd.s32 $0xFFFFC000  }
0x54: {  	v23 =	vld.idx.msk [tilespmem:v19+s24+$0x0], $0xffff  }
0x55: {  	v24 =	vld.idx.msk [tilespmem:v20+s23+$0x0], $0xffff  }
0x56: {  	v25 =	vld.idx.msk [tilespmem:v21+s22+$0x0], $0xffff  }
0x57: {  	v26 =	vor.u32 v0, v18;
	v27 =	vld.idx.msk [tilespmem:v22+s23+$0x0], $0xffff  }
0x58: {  	v28 =	vor.u32 v10, v18;
	v29 =	vld.idx.msk [tilespmem:v17+s22+$0x0], $0xffff  }
0x59: {  	v30 =	vor.u32 v1, v18;
	v31 =	vld.idx.msk [tilespmem:v17+s24+$0x0], $0xffff  }
0x5a: {  	v32 =	vor.u32 v7, v18;
	v33 =	vld.idx.msk [tilespmem:v22+s24+$0x0], $0xffff  }
0x5b: {  	v22 =	vld.idx.msk [tilespmem:v22+s22+$0x0], $0xffff  }
0x5c: {  	v34 =	vld.idx.msk [tilespmem:v26+s24+$0x0], $0xffff  }
0x5d: {  	v35 =	vld.idx.msk [tilespmem:v28+s23+$0x0], $0xffff  }
0x5e: {  	v36 =	vld.idx.msk [tilespmem:v30+s22+$0x0], $0xffff  }
0x5f: {  	v37 =	vld.idx.msk [tilespmem:v32+s23+$0x0], $0xffff  }
0x60: {  	v38 =	vld.idx.msk [tilespmem:v28+s24+$0x0], $0xffff  }
0x61: {  	v28 =	vld.idx.msk [tilespmem:v28+s22+$0x0], $0xffff  }
0x62: {  	v40 =	vld.idx.msk [tilespmem:v26+s22+$0x0], $0xffff  }
0x63: {  	v39 =	vor.u32 v8, v18;
	v41 =	vld.idx.msk [tilespmem:v19+s22+$0x0], $0xffff  }
0x64: {  	v43 =	vor.u32 v12, v18;
	v42 =	vld.idx.msk [tilespmem:v32+s22+$0x0], $0xffff  }
0x65: {  	v32 =	vld.idx.msk [tilespmem:v32+s24+$0x0], $0xffff  }
0x66: {  	v44 =	vor.u32 v6, v18;
	v45 =	vor.u32 v13, v18;
	v50 =	vld.idx.msk [tilespmem:v20+s22+$0x0], $0xffff  }
0x67: {  	v48 =	vor.u32 v14, v18;
	v49 =	vor.u32 v16, v18;
	v18 =	vor.u32 v15, v18;
	v20 =	vld.idx.msk [tilespmem:v20+s24+$0x0], $0xffff  }
0x68: {  	v46 =	vld.idx.msk [tilespmem:v39+s24+$0x0], $0xffff;
	v47 =	vsub.f32 v28, v38;
	v34 =	vand.u32 $0x7FFFFFFF, v34;
	v36 =	vand.u32 $0x7FFFFFFF, v36  }
0x69: {  	v52 =	vld.idx.msk [tilespmem:v43+s22+$0x0], $0xffff;
	v40 =	vand.u32 $0x7FFFFFFF, v40;
	v29 =	vand.u32 $0x7FFFFFFF, v29;
	v31 =	vand.u32 $0x7FFFFFFF, v31  }
0x6a: {  	v19 =	vld.idx.msk [tilespmem:v19+s23+$0x0], $0xffff;
	v51 =	vmul.f32 v22, v22;
	v53 =	vsub.f32 v42, v32;
	v42 =	vmul.f32 v42, v42  }
0x6b: {  	v54 =	vld.idx.msk [tilespmem:v43+s24+$0x0], $0xffff;
	v22 =	vsub.f32 v22, v33;
	v60 =	vmul.f32 v50, v50;
	v28 =	vmul.f32 v28, v28  }
0x6c: {  	v62 =	vld.idx.msk [tilespmem:v21+s24+$0x0], $0xffff;
	v55 =	vmul.f32 v41, v41;
	v56 =	vmul.f32 v20, v20;
	v20 =	vsub.f32 v50, v20  }
0x6d: {  	v41 =	vsub.f32 v41, v23;
	v23 =	vmul.f32 v23, v23;
	v32 =	vmul.f32 v32, v32  }
0x6e: {  	v63 =	vld.idx.msk [tilespmem:v44+s22+$0x0], $0xffff;
	v57 =	vmul.f32 v38, v38;
	v35 =	vsub.f32 v47, v35;
	v37 =	vsub.f32 v53, v37  }
0x6f: {  	v43 =	vld.idx.msk [tilespmem:v43+s23+$0x0], $0xffff;
	v22 =	vsub.f32 v22, v27;
	v20 =	vsub.f32 v20, v24;
	v24 =	vand.u32 $0x7FFFFFFF, v25  }
0x70: {  	v61 =	vld.idx.msk [tilespmem:v44+s24+$0x0], $0xffff;
	v25 =	vand.u32 $0x7FFFFFFF, v52;
	v42 =	vadd.f32 v60, v42;
	v19 =	vsub.f32 v41, v19  }
0x71: {  	v59 =	vld.idx.msk [tilespmem:v45+s24+$0x0], $0xffff;
	v52 =	vmul.f32 v46, v46;
	v53 =	vand.u32 $0x7FFFFFFF, v54;
	v54 =	vand.u32 $0x7FFFFFFF, v62  }
0x72: {  	v47 =	vld.idx.msk [tilespmem:v39+s22+$0x0], $0xffff;
	v32 =	vadd.f32 v56, v32;
	v35 =	vand.u32 $0x7FFFFFFF, v35;
	v37 =	vand.u32 $0x7FFFFFFF, v37  }
0x73: {  	v26 =	vld.idx.msk [tilespmem:v26+s23+$0x0], $0xffff;
	v22 =	vand.u32 $0x7FFFFFFF, v22;
	v42 =	vadd.f32 v51, v42;
	v20 =	vand.u32 $0x7FFFFFFF, v20  }
0x74: {  	v21 =	vld.idx.msk [tilespmem:v21+s23+$0x0], $0xffff;
	v19 =	vand.u32 $0x7FFFFFFF, v19;
	v23 =	vadd.f32 v52, v23;
	v29 =	vadd.f32 v35, v29  }
0x75: {  	v62 =	vld.idx.msk [tilespmem:v45+s22+$0x0], $0xffff;
	v35 =	vand.u32 $0x7FFFFFFF, v63;
	v22 =	vadd.f32 v22, v25;
	v37 =	vadd.f32 v37, v40  }
0x76: {  	v44 =	vld.idx.msk [tilespmem:v44+s23+$0x0], $0xffff;
	v33 =	vmul.f32 v33, v33;
	v20 =	vadd.f32 v20, v24;
	v19 =	vadd.f32 v19, v35  }
0x77: {  	v27 =	vld.idx.msk [tilespmem:v39+s23+$0x0], $0xffff;
	v56 =	vmul.f32 v59, v59;
	v23 =	vadd.f32 v57, v23;
	v39 =	vsub.f32 v47, v46  }
0x78: {  	v51 =	vld.idx.msk [tilespmem:v45+s23+$0x0], $0xffff;
	v29 =	vadd.f32 v29, v31;
	v63 =	vmul.f32 v47, v47;
	v22 =	vadd.f32 v22, v53  }
0x79: {  	v52 =	vld.idx.msk [tilespmem:v48+s22+$0x0], $0xffff;
	v31 =	vand.u32 $0x7FFFFFFF, v61;
	v24 =	vadd.f32 v37, v34;
	v20 =	vadd.f32 v20, v54  }
0x7a: {  	v43 =	vand.u32 $0x7FFFFFFF, v43;
	v25 =	vld.idx.msk [tilespmem:v18+s24+$0x0], $0xffff;
	v53 =	vsub.f32 v62, v59;
	v19 =	vadd.f32 v19, v31  }
0x7b: {  	v26 =	vand.u32 $0x7FFFFFFF, v26;
	v23 =	vadd.f32 v56, v23;
	v60 =	vadd.f32 v63, v55  }
0x7c: {  	v21 =	vand.u32 $0x7FFFFFFF, v21;
	v47 =	vld.idx.msk [tilespmem:v18+s22+$0x0], $0xffff;
	v27 =	vsub.f32 v39, v27;
	v22 =	vsub.f32 v22, v43  }
0x7d: {  	v50 =	vand.u32 $0x7FFFFFFF, v44;
	v24 =	vsub.f32 v24, v26;
	v21 =	vsub.f32 v20, v21  }
0x7e: {  	v18 =	vld.idx.msk [tilespmem:v18+s23+$0x0], $0xffff;
	v54 =	vmul.f32 v62, v62;
	v20 =	vadd.f32 v33, v32;
	v31 =	vsub.f32 v53, v51  }
0x7f: {  	v57 =	vand.u32 $0x7FFFFFFF, v52;
	v61 =	vmul.f32 v25, v25;
	v19 =	vsub.f32 v19, v50  }
0x80: {  	v63 =	vld.idx.msk [tilespmem:v30+s24+$0x0], $0xffff;
	v26 =	vand.u32 $0x7FFFFFFF, v27;
	v22 =	vmax.f32 v22, $0.0e+00;
	v28 =	vadd.f32 v28, v60  }
0x81: {  	v55 =	vld.idx.msk [tilespmem:v48+s24+$0x0], $0xffff;
	v24 =	vmax.f32 v24, $0.0e+00;
	v21 =	vmax.f32 v21, $0.0e+00;
	v25 =	vsub.f32 v47, v25  }
0x82: {  	v30 =	vld.idx.msk [tilespmem:v30+s23+$0x0], $0xffff;
	v58 =	vmul.f32 v47, v47;
	v26 =	vadd.f32 v26, v36;
	v22 =	vmul.f32 v22, v22  }
0x83: {  	v20 =	vadd.f32 v61, v20;
	v59 =	vmax.f32 v19, $0.0e+00;
	v18 =	vsub.f32 v25, v18;
	v25 =	vld.idx.msk [tilespmem:v49+s22+$0x0], $0xffff  }
0x84: {  	v60 =	vld.idx.msk [tilespmem:v49+s24+$0x0], $0xffff;
	v24 =	vmul.f32 v24, v24;
	v28 =	vadd.f32 v54, v28;
	v27 =	vadd.f32 v58, v42  }
0x85: {  	v34 =	vand.u32 $0x7FFFFFFF, v63;
	v20 =	vadd.f32 v20, v23;
	v63 =	vld.idx.msk [tilespmem:v17+s23+$0x0], $0xffff;
	v17 =	vmul.f32 v21, v21  }
0x86: {  	v58 =	vld.idx.msk [tilespmem:v48+s23+$0x0], $0xffff;
	v26 =	vadd.f32 v26, v34;
	v19 =	vadd.f32 v27, v28;
	v27 =	vand.u32 $0x7FFFFFFF, v31  }
0x87: {  	v62 =	vld.idx.msk [tilespmem:v49+s23+$0x0], $0xffff;
	v61 =	vand.u32 $0x7FFFFFFF, v55;
	v17 =	vadd.f32 v17, v24;
	v23 =	vadd.f32 v27, v57  }
0x88: {  	v27 =	vand.u32 $0x7FFFFFFF, v18;
	v18 =	vshra.s32 v19, $0x1;
	v25 =	vand.u32 $0x7FFFFFFF, v25  }
0x89: {  	v24 =	vand.u32 $0x7FFFFFFF, v60;
	v18 =	vadd.s32 $0x1FBD1DF5, v18;
	v21 =	vadd.f32 v27, v25  }
0x8a: {  	v22 =	vadd.f32 v22, v17;
	v23 =	vadd.f32 v23, v61;
	(erf) = vrcp.f32 v18  }
0x8b: {  	v25 =	vand.u32 $0x7FFFFFFF, v58;
	v27 =	vand.u32 $0x7FFFFFFF, v30;
	v21 =	vadd.f32 v21, v24  }
0x8c: {  	v23 =	vsub.f32 v23, v25;
	v25 =	vand.u32 $0x7FFFFFFF, v62;
	v24 =	vshra.s32 v20, $0x1  }
0x8d: {  	v17 =	vadd.s32 $0x1FBD1DF5, v24;
	v24 =	vand.u32 $0x7FFFFFFF, v63;
	v21 =	vsub.f32 v21, v25  }
0x8e: {  	v26 =	vsub.f32 v26, v27;
	(erf) = vrcp.f32 v17;
	v24 =	vsub.f32 v29, v24  }
0x8f: {  	v27 =	vmax.f32 v23, $0.0e+00;
	v21 =	vmax.f32 v21, $0.0e+00  }
0x90: {  	v25 =	vmax.f32 v26, $0.0e+00;
	v23 =	vmul.f32 v21, v21;
	v21 =	vmax.f32 v24, $0.0e+00  }
0x91: {  	v26 =	vmul.f32 v59, v59;
	v25 =	vmul.f32 v25, v25;
	_ =	sdelay $0x1  }
0x92: {  	s6 =	simm.s32 $0x18300;
	s7 =	simm.s32 $0x10;
	s8 =	simm.s32 $0x18300;
	v24 =	vmul.f32 v27, v27;
	v25 =	vadd.f32 v25, v26;
	v26 =	vmul.f32 v21, v21;
	v21 =	vpop (erf)  }
.LBB2_2:
0x93: {  	p0 =	sne.s32 s7, $0x70  }
0x94: {  	v25 =	vadd.f32 v26, v25;
	s8 =	sadd.s32 $0x10, s8;
	s9 =	smov.u32 s7;
	s7 =	sadd.s32 $0x10, s7  }
0x95: {  	_ = 	snop  }
0x96: {  	v22 =	vadd.f32 v23, v22;
	v24 =	vadd.f32 v24, v25;
	v23 =	vpop (erf)  }
0x97: {  	v23 =	vmul.f32 v23, v20  }
0x98: {  	v22 =	vadd.f32 v22, v24  }
0x99: {  	v17 =	vadd.f32 v17, v23  }
0x9a: {  	v23 =	vshra.s32 v22, $0x1  }
0x9b: {  	v23 =	vadd.s32 $0x1FBD1DF5, v23;
	v17 =	vmul.f32 $5.000000000e-01, v17  }
0x9c: {  	(erf) = vrcp.f32 v23  }
0x9d: {  	(erf) = vrcp.f32 v17;
	_ =	sdelay $0x5  }
0x9e: {  	v25 =	vmul.f32 v21, v19;
	_ =	sdelay $0x1  }
0x9f: {  	v18 =	vadd.f32 v18, v25;
	v21 =	vpop (erf)  }
0xa0: {  	v21 =	vmul.f32 v21, v22;
	v24 =	vpop (erf)  }
0xa1: {  	v18 =	vmul.f32 $5.000000000e-01, v18;
	v20 =	vmul.f32 v24, v20  }
0xa2: {  	v21 =	vadd.f32 v23, v21  }
0xa3: {  	v17 =	vadd.f32 v20, v17;
	(erf) = vrcp.f32 v18  }
0xa4: {  	v20 =	vmul.f32 $5.000000000e-01, v21  }
0xa5: {  	v17 =	vmul.f32 $5.000000000e-01, v17  }
0xa6: {  	(erf) = vrcp.f32 v20  }
0xa7: {  	v17 =	vadd.f32 $-1.000000000e+00, v17;
	_ =	sdelay $0x4  }
0xa8: {  	v21 =	vpop (erf)  }
0xa9: {  	v21 =	vmul.f32 v21, v19;
	_ =	sdelay $0x1  }
0xaa: {  	v18 =	vadd.f32 v21, v18;
	v19 =	vpop (erf)  }
0xab: {  	v19 =	vmul.f32 v19, v22  }
0xac: {  	v18 =	vmul.f32 $5.000000000e-01, v18  }
0xad: {  	v21 =	vmov s9;
	v19 =	vadd.f32 v19, v20  }
0xae: {  	v20 =	vshll.u32 v21, $0x7;
	v18 =	vadd.f32 $-1.000000000e+00, v18  }
0xaf: {  	v22 =	vand.u32 $0x7FFFFFFF, v17;
	v21 =	vor.u32 v5, v20;
	v19 =	vmul.f32 $5.000000000e-01, v19  }
0xb0: {  	v23 =	vor.u32 v3, v21;
	v24 =	vor.u32 v7, v21;
	v17 =	vand.u32 $0x7FFFFFFF, v18  }
0xb1: {  	v25 =	vor.u32 v0, v21;
	v26 =	vor.u32 v9, v21;
	v18 =	vadd.f32 v19, v17  }
0xb2: {  	v20 =	vor.u32 v1, v21;
	v27 =	vor.u32 v11, v21;
	v17 =	vor.u32 v4, v21  }
0xb3: {  	v28 =	vor.u32 v6, v21;
	v29 =	vor.u32 v2, v21;
	v30 =	vadd.f32 v18, v22  }
0xb4: {  	v19 =	vor.u32 v14, v21;
	v22 =	vor.u32 v13, v21;
	v18 =	vor.u32 v16, v21  }
0xb5: {  	[tilespmem:s6+$0x0] =	vst v30;
	s6 =	smov.u32 s8  }
0xb6: {  	v30 =	vld.idx.msk [tilespmem:v23+s24+$0x0], $0xffff  }
0xb7: {  	v31 =	vld.idx.msk [tilespmem:v26+s23+$0x0], $0xffff  }
0xb8: {  	v33 =	vor.u32 v10, v21;
	v32 =	vld.idx.msk [tilespmem:v29+s22+$0x0], $0xffff  }
0xb9: {  	v34 =	vld.idx.msk [tilespmem:v27+s23+$0x0], $0xffff  }
0xba: {  	v35 =	vld.idx.msk [tilespmem:v17+s22+$0x0], $0xffff  }
0xbb: {  	v36 =	vor.u32 v8, v21;
	v37 =	vld.idx.msk [tilespmem:v17+s24+$0x0], $0xffff  }
0xbc: {  	v38 =	vld.idx.msk [tilespmem:v27+s24+$0x0], $0xffff  }
0xbd: {  	v27 =	vld.idx.msk [tilespmem:v27+s22+$0x0], $0xffff  }
0xbe: {  	v39 =	vld.idx.msk [tilespmem:v25+s24+$0x0], $0xffff  }
0xbf: {  	v40 =	vld.idx.msk [tilespmem:v33+s23+$0x0], $0xffff  }
0xc0: {  	v41 =	vld.idx.msk [tilespmem:v20+s22+$0x0], $0xffff  }
0xc1: {  	v42 =	vld.idx.msk [tilespmem:v24+s23+$0x0], $0xffff  }
0xc2: {  	v43 =	vld.idx.msk [tilespmem:v33+s24+$0x0], $0xffff  }
0xc3: {  	v33 =	vld.idx.msk [tilespmem:v33+s22+$0x0], $0xffff  }
0xc4: {  	v44 =	vld.idx.msk [tilespmem:v25+s22+$0x0], $0xffff  }
0xc5: {  	v45 =	vld.idx.msk [tilespmem:v23+s22+$0x0], $0xffff  }
0xc6: {  	v46 =	vld.idx.msk [tilespmem:v24+s22+$0x0], $0xffff  }
0xc7: {  	v47 =	vor.u32 v12, v21;
	v24 =	vld.idx.msk [tilespmem:v24+s24+$0x0], $0xffff  }
0xc8: {  	v48 =	vld.idx.msk [tilespmem:v36+s24+$0x0], $0xffff  }
0xc9: {  	v39 =	vand.u32 $0x7FFFFFFF, v39;
	v50 =	vsub.f32 v33, v43;
	v49 =	vld.idx.msk [tilespmem:v26+s22+$0x0], $0xffff  }
0xca: {  	v41 =	vand.u32 $0x7FFFFFFF, v41;
	v26 =	vld.idx.msk [tilespmem:v26+s24+$0x0], $0xffff  }
0xcb: {  	v44 =	vand.u32 $0x7FFFFFFF, v44;
	v40 =	vsub.f32 v50, v40;
	v51 =	vld.idx.msk [tilespmem:v36+s22+$0x0], $0xffff  }
0xcc: {  	v35 =	vand.u32 $0x7FFFFFFF, v35;
	v37 =	vand.u32 $0x7FFFFFFF, v37;
	v52 =	vmul.f32 v27, v27;
	v50 =	vld.idx.msk [tilespmem:v47+s22+$0x0], $0xffff  }
0xcd: {  	v53 =	vsub.f32 v46, v24;
	v46 =	vmul.f32 v46, v46;
	v40 =	vand.u32 $0x7FFFFFFF, v40;
	v23 =	vld.idx.msk [tilespmem:v23+s23+$0x0], $0xffff  }
0xce: {  	v27 =	vsub.f32 v27, v38;
	v35 =	vadd.f32 v40, v35;
	v40 =	vor.u32 v15, v21;
	v54 =	vld.idx.msk [tilespmem:v28+s22+$0x0], $0xffff  }
0xcf: {  	v33 =	vmul.f32 v33, v33;
	v21 =	vsub.f32 v53, v42;
	v42 =	vmul.f32 v49, v49;
	v53 =	vld.idx.msk [tilespmem:v47+s24+$0x0], $0xffff  }
0xd0: {  	v27 =	vsub.f32 v27, v34;
	v55 =	vmul.f32 v45, v45;
	v56 =	vmul.f32 v26, v26;
	v36 =	vld.idx.msk [tilespmem:v36+s23+$0x0], $0xffff  }
0xd1: {  	v26 =	vsub.f32 v49, v26;
	v34 =	vand.u32 $0x7FFFFFFF, v21;
	v57 =	vsub.f32 v51, v48;
	v47 =	vld.idx.msk [tilespmem:v47+s23+$0x0], $0xffff  }
0xd2: {  	v27 =	vand.u32 $0x7FFFFFFF, v27;
	v45 =	vsub.f32 v45, v30;
	v21 =	vadd.f32 v35, v37;
	v49 =	vld.idx.msk [tilespmem:v28+s24+$0x0], $0xffff  }
0xd3: {  	v26 =	vsub.f32 v26, v31;
	v31 =	vand.u32 $0x7FFFFFFF, v32;
	v32 =	vand.u32 $0x7FFFFFFF, v50;
	v35 =	vld.idx.msk [tilespmem:v29+s24+$0x0], $0xffff  }
0xd4: {  	v42 =	vadd.f32 v42, v46;
	v27 =	vadd.f32 v27, v32;
	v37 =	vand.u32 $0x7FFFFFFF, v54;
	v32 =	vld.idx.msk [tilespmem:v40+s24+$0x0], $0xffff  }
0xd5: {  	v30 =	vmul.f32 v30, v30;
	v23 =	vsub.f32 v45, v23;
	v45 =	vmul.f32 v51, v51;
	v46 =	vld.idx.msk [tilespmem:v40+s22+$0x0], $0xffff  }
0xd6: {  	v34 =	vadd.f32 v34, v44;
	v44 =	vmul.f32 v48, v48;
	v48 =	vand.u32 $0x7FFFFFFF, v53;
	v25 =	vld.idx.msk [tilespmem:v25+s23+$0x0], $0xffff  }
0xd7: {  	v38 =	vmul.f32 v38, v38;
	v42 =	vadd.f32 v52, v42;
	v27 =	vadd.f32 v27, v48;
	v29 =	vld.idx.msk [tilespmem:v29+s23+$0x0], $0xffff  }
0xd8: {  	v24 =	vmul.f32 v24, v24;
	v26 =	vand.u32 $0x7FFFFFFF, v26;
	v47 =	vand.u32 $0x7FFFFFFF, v47;
	v28 =	vld.idx.msk [tilespmem:v28+s23+$0x0], $0xffff  }
0xd9: {  	v23 =	vand.u32 $0x7FFFFFFF, v23;
	v26 =	vadd.f32 v26, v31;
	v48 =	vand.u32 $0x7FFFFFFF, v49;
	v31 =	vld.idx.msk [tilespmem:v22+s24+$0x0], $0xffff  }
0xda: {  	v34 =	vadd.f32 v34, v39;
	v39 =	vmul.f32 v43, v43;
	v35 =	vand.u32 $0x7FFFFFFF, v35;
	v43 =	vld.idx.msk [tilespmem:v22+s22+$0x0], $0xffff  }
0xdb: {  	v30 =	vadd.f32 v44, v30;
	v23 =	vadd.f32 v23, v37;
	v37 =	vld.idx.msk [tilespmem:v40+s23+$0x0], $0xffff;
	v40 =	vmul.f32 v46, v46  }
0xdc: {  	v45 =	vadd.f32 v45, v55;
	v49 =	vmul.f32 v32, v32;
	v25 =	vand.u32 $0x7FFFFFFF, v25;
	v44 =	vld.idx.msk [tilespmem:v20+s24+$0x0], $0xffff  }
0xdd: {  	v36 =	vsub.f32 v57, v36;
	v26 =	vadd.f32 v26, v35;
	v29 =	vand.u32 $0x7FFFFFFF, v29;
	v22 =	vld.idx.msk [tilespmem:v22+s23+$0x0], $0xffff  }
0xde: {  	v24 =	vadd.f32 v56, v24;
	v27 =	vsub.f32 v27, v47;
	v28 =	vand.u32 $0x7FFFFFFF, v28  }
0xdf: {  	v30 =	vadd.f32 v39, v30;
	v25 =	vsub.f32 v34, v25;
	v34 =	vand.u32 $0x7FFFFFFF, v36  }
0xe0: {  	v27 =	vmax.f32 v27, $0.0e+00;
	v32 =	vsub.f32 v46, v32;
	v36 =	vadd.f32 v40, v42;
	v35 =	vld.idx.msk [tilespmem:v19+s22+$0x0], $0xffff  }
0xe1: {  	v33 =	vadd.f32 v33, v45;
	v27 =	vmul.f32 v27, v27;
	v39 =	vld.idx.msk [tilespmem:v20+s23+$0x0], $0xffff;
	v20 =	vadd.f32 v34, v41  }
0xe2: {  	v23 =	vadd.f32 v23, v48;
	v40 =	vsub.f32 v43, v31;
	v41 =	vmul.f32 v43, v43;
	v34 =	vld.idx.msk [tilespmem:v19+s24+$0x0], $0xffff  }
0xe3: {  	v24 =	vadd.f32 v38, v24;
	v26 =	vsub.f32 v26, v29;
	v42 =	vand.u32 $0x7FFFFFFF, v44;
	v29 =	vld.idx.msk [tilespmem:v18+s22+$0x0], $0xffff  }
0xe4: {  	v31 =	vmul.f32 v31, v31;
	v22 =	vsub.f32 v40, v22;
	v33 =	vadd.f32 v41, v33  }
0xe5: {  	v23 =	vsub.f32 v23, v28;
	v25 =	vmax.f32 v25, $0.0e+00;
	v32 =	vsub.f32 v32, v37;
	v28 =	vld.idx.msk [tilespmem:v19+s23+$0x0], $0xffff  }
0xe6: {  	v24 =	vadd.f32 v49, v24;
	v30 =	vadd.f32 v31, v30;
	v35 =	vand.u32 $0x7FFFFFFF, v35  }
0xe7: {  	v23 =	vmax.f32 v23, $0.0e+00;
	v31 =	vadd.f32 v20, v42;
	v22 =	vand.u32 $0x7FFFFFFF, v22;
	v37 =	vld.idx.msk [tilespmem:v18+s24+$0x0], $0xffff  }
0xe8: {  	v20 =	vadd.f32 v24, v30;
	v19 =	vadd.f32 v36, v33;
	v34 =	vand.u32 $0x7FFFFFFF, v34  }
0xe9: {  	v22 =	vadd.f32 v22, v35;
	v29 =	vand.u32 $0x7FFFFFFF, v29;
	v24 =	vld.idx.msk [tilespmem:v18+s23+$0x0], $0xffff;
	v18 =	vand.u32 $0x7FFFFFFF, v32  }
0xea: {  	v26 =	vmax.f32 v26, $0.0e+00;
	v30 =	vld.idx.msk [tilespmem:v17+s23+$0x0], $0xffff;
	v17 =	vadd.f32 v18, v29;
	v18 =	vshra.s32 v19, $0x1  }
0xeb: {  	v25 =	vmul.f32 v25, v25;
	v26 =	vmul.f32 v26, v26;
	v28 =	vand.u32 $0x7FFFFFFF, v28  }
0xec: {  	v22 =	vadd.f32 v22, v34;
	v29 =	vand.u32 $0x7FFFFFFF, v39;
	v18 =	vadd.s32 $0x1FBD1DF5, v18  }
0xed: {  	v25 =	vadd.f32 v26, v25;
	v26 =	vand.u32 $0x7FFFFFFF, v37;
	(erf) = vrcp.f32 v18  }
0xee: {  	v28 =	vsub.f32 v22, v28;
	v26 =	vadd.f32 v17, v26;
	v17 =	vshra.s32 v20, $0x1  }
0xef: {  	v22 =	vadd.f32 v27, v25;
	v24 =	vand.u32 $0x7FFFFFFF, v24;
	v17 =	vadd.s32 $0x1FBD1DF5, v17  }
0xf0: {  	v25 =	vsub.f32 v31, v29;
	v24 =	vsub.f32 v26, v24;
	(erf) = vrcp.f32 v17  }
0xf1: {  	v27 =	vmax.f32 v28, $0.0e+00;
	v26 =	vmul.f32 v23, v23;
	v23 =	vand.u32 $0x7FFFFFFF, v30  }
.Ltmp0:
0xf2: {  	v25 =	vmax.f32 v25, $0.0e+00;
	v21 =	vsub.f32 v21, v23;
	v23 =	vmax.f32 v24, $0.0e+00;
	(pc) =	sbr.rel @p0 .LBB2_2-.Ltmp0, $4  }
0xf3: {  	v25 =	vmul.f32 v25, v25;
	v23 =	vmul.f32 v23, v23  }
0xf4: {  	v24 =	vmul.f32 v27, v27;
	v28 =	vmax.f32 v21, $0.0e+00  }
0xf5: {  	v25 =	vadd.f32 v25, v26;
	v26 =	vmul.f32 v28, v28  }
0xf6: {  	v21 =	vpop (erf)  }
0xf7: {  	v25 =	vadd.f32 v26, v25;
	_ =	sdelay $0x1  }
0xf8: {  	v22 =	vadd.f32 v23, v22;
	v24 =	vadd.f32 v24, v25;
	_ =	sdelay $0x1  }
0xf9: {  	v22 =	vadd.f32 v22, v24;
	_ =	sdelay $0x1  }
0xfa: {  	v23 =	vshra.s32 v22, $0x1  }
0xfb: {  	v23 =	vadd.s32 $0x1FBD1DF5, v23  }
0xfc: {  	(erf) = vrcp.f32 v23;
	_ =	sdelay $0x2  }
0xfd: {  	v24 =	vpop (erf)  }
0xfe: {  	v24 =	vmul.f32 v24, v20  }
0xff: {  	v21 =	vmul.f32 v21, v19  }
0x100: {  	v17 =	vadd.f32 v17, v24  }
0x101: {  	v18 =	vadd.f32 v18, v21  }
0x102: {  	v17 =	vmul.f32 $5.000000000e-01, v17  }
0x103: {  	v18 =	vmul.f32 $5.000000000e-01, v18;
	v21 =	vpop (erf)  }
0x104: {  	(erf) = vrcp.f32 v17;
	v21 =	vmul.f32 v21, v22  }
0x105: {  	(erf) = vrcp.f32 v18  }
0x106: {  	v21 =	vadd.f32 v23, v21;
	_ =	sdelay $0x1  }
0x107: {  	v21 =	vmul.f32 $5.000000000e-01, v21;
	_ =	sdelay $0x1  }
0x108: {  	(erf) = vrcp.f32 v21;
	_ =	sdelay $0x2  }
0x109: {  	v23 =	vpop (erf)  }
0x10a: {  	v24 =	vpop (erf)  }
0x10b: {  	v19 =	vmul.f32 v24, v19;
	_ =	sdelay $0x3  }
0x10c: {  	v20 =	vmul.f32 v23, v20;
	v18 =	vadd.f32 v19, v18;
	v19 =	vpop (erf)  }
0x10d: {  	v19 =	vmul.f32 v19, v22  }
0x10e: {  	v17 =	vadd.f32 v20, v17;
	v18 =	vmul.f32 $5.000000000e-01, v18  }
0x10f: {  	v19 =	vadd.f32 v19, v21  }
0x110: {  	v17 =	vmul.f32 $5.000000000e-01, v17;
	v18 =	vadd.f32 $-1.000000000e+00, v18  }
0x111: {  	v19 =	vmul.f32 $5.000000000e-01, v19  }
0x112: {  	v17 =	vadd.f32 $-1.000000000e+00, v17;
	v18 =	vand.u32 $0x7FFFFFFF, v18  }
0x113: {  	v18 =	vadd.f32 v19, v18  }
0x114: {  	v17 =	vand.u32 $0x7FFFFFFF, v17  }
0x115: {  	v17 =	vadd.f32 v18, v17;
	_ =	sdelay $0x1  }
0x116: {  	s9 =	simm.s32 $0x0;
	[tilespmem:s6+$0x0] =	vst v17  }
0x117: {  	[tilespmem:s9], [sflag:$0x3] =	stream.linear.gather [hbm4b:s11+s9], $0x80, $0x38;
	[tilespmem:$0x18500] =	vst v63  }
0x118: {  	_ =	swait.ge [sflag:s19], $0x80  }
0x119: {  	[sflag:s19] =	ssyncset.done $0x0  }
0x11a: {  	[sflag:s19] =	ssyncadd.s32 $0xFFFFFF80  }
0x11b: {  	[tilespmem:s20], [sflag:$0x3] =	stream.linear.gather [hbm4b:s12+s9], $0x80, $0x38;
	[tilespmem:$0x18500] =	vst v63  }
0x11c: {  	_ =	swait.ge [sflag:s19], $0x80  }
0x11d: {  	[sflag:s19] =	ssyncset.done $0x0  }
0x11e: {  	[sflag:s19] =	ssyncadd.s32 $0xFFFFFF80  }
0x11f: {  	[tilespmem:s21], [sflag:$0x3] =	stream.linear.gather [hbm4b:s13+s9], $0x80, $0x38;
	[tilespmem:$0x18500] =	vst v63  }
0x120: {  	_ =	swait.ge [sflag:s19], $0x80  }
0x121: {  	[sflag:s19] =	ssyncset.done $0x0  }
0x122: {  	[sflag:s19] =	ssyncadd.s32 $0xFFFFFF80  }
0x123: {  	[tilespmem:s22], [sflag:$0x1] =	stream.indirect.gather [hbm4b:s0+s20], $0x80, s9, s20, $0xb8;
	[tilespmem:$0x18500] =	vst v63  }
0x124: {  	_ = 	snop  }
0x125: {  	[tilespmem:s23], [sflag:$0x1] =	stream.indirect.gather [hbm4b:s1+s20], $0x80, s20, s20, $0xb8;
	[tilespmem:$0x18500] =	vst v63  }
0x126: {  	_ = 	snop  }
0x127: {  	[tilespmem:s24], [sflag:$0x1] =	stream.indirect.gather [hbm4b:s0+s20], $0x80, s21, s20, $0xb8;
	[tilespmem:$0x18500] =	vst v63  }
0x128: {  	_ =	swait.ge [sflag:s4], $0x4000  }
0x129: {  	v17 =	vmov s9;
	[sflag:s4] =	ssyncset.done $0x0  }
0x12a: {  	v17 =	vshll.u32 v17, $0x7;
	[sflag:s4] =	ssyncadd.s32 $0xFFFFC000  }
0x12b: {  	v18 =	vor.u32 v5, v17;
	_ =	swait.ge [sflag:s4], $0x4000  }
0x12c: {  	v19 =	vor.u32 v3, v18;
	[sflag:s4] =	ssyncset.done $0x0  }
0x12d: {  	v20 =	vor.u32 v9, v18;
	[sflag:s4] =	ssyncadd.s32 $0xFFFFC000  }
0x12e: {  	v21 =	vor.u32 v2, v18;
	_ =	swait.ge [sflag:s4], $0x4000  }
0x12f: {  	v22 =	vor.u32 v11, v18;
	[sflag:s4] =	ssyncset.done $0x0  }
0x130: {  	v17 =	vor.u32 v4, v18;
	[sflag:s4] =	ssyncadd.s32 $0xFFFFC000  }
0x131: {  	v23 =	vld.idx.msk [tilespmem:v19+s31+$0x0], $0xffff  }
0x132: {  	v24 =	vld.idx.msk [tilespmem:v20+s30+$0x0], $0xffff  }
0x133: {  	v25 =	vld.idx.msk [tilespmem:v21+s29+$0x0], $0xffff  }
0x134: {  	v26 =	vor.u32 v0, v18;
	v27 =	vld.idx.msk [tilespmem:v22+s30+$0x0], $0xffff  }
0x135: {  	v28 =	vor.u32 v10, v18;
	v29 =	vld.idx.msk [tilespmem:v17+s29+$0x0], $0xffff  }
0x136: {  	v30 =	vor.u32 v1, v18;
	v31 =	vld.idx.msk [tilespmem:v17+s31+$0x0], $0xffff  }
0x137: {  	v32 =	vor.u32 v7, v18;
	v33 =	vld.idx.msk [tilespmem:v22+s31+$0x0], $0xffff  }
0x138: {  	v22 =	vld.idx.msk [tilespmem:v22+s29+$0x0], $0xffff  }
0x139: {  	v34 =	vld.idx.msk [tilespmem:v26+s31+$0x0], $0xffff  }
0x13a: {  	v35 =	vld.idx.msk [tilespmem:v28+s30+$0x0], $0xffff  }
0x13b: {  	v36 =	vld.idx.msk [tilespmem:v30+s29+$0x0], $0xffff  }
0x13c: {  	v37 =	vld.idx.msk [tilespmem:v32+s30+$0x0], $0xffff  }
0x13d: {  	v38 =	vld.idx.msk [tilespmem:v28+s31+$0x0], $0xffff  }
0x13e: {  	v28 =	vld.idx.msk [tilespmem:v28+s29+$0x0], $0xffff  }
0x13f: {  	v40 =	vld.idx.msk [tilespmem:v26+s29+$0x0], $0xffff  }
0x140: {  	v39 =	vor.u32 v8, v18;
	v41 =	vld.idx.msk [tilespmem:v19+s29+$0x0], $0xffff  }
0x141: {  	v43 =	vor.u32 v12, v18;
	v42 =	vld.idx.msk [tilespmem:v32+s29+$0x0], $0xffff  }
0x142: {  	v32 =	vld.idx.msk [tilespmem:v32+s31+$0x0], $0xffff  }
0x143: {  	v44 =	vor.u32 v6, v18;
	v45 =	vor.u32 v13, v18;
	v50 =	vld.idx.msk [tilespmem:v20+s29+$0x0], $0xffff  }
0x144: {  	v48 =	vor.u32 v14, v18;
	v49 =	vor.u32 v16, v18;
	v18 =	vor.u32 v15, v18;
	v20 =	vld.idx.msk [tilespmem:v20+s31+$0x0], $0xffff  }
0x145: {  	v46 =	vld.idx.msk [tilespmem:v39+s31+$0x0], $0xffff;
	v47 =	vsub.f32 v28, v38;
	v34 =	vand.u32 $0x7FFFFFFF, v34;
	v36 =	vand.u32 $0x7FFFFFFF, v36  }
0x146: {  	v52 =	vld.idx.msk [tilespmem:v43+s29+$0x0], $0xffff;
	v40 =	vand.u32 $0x7FFFFFFF, v40;
	v29 =	vand.u32 $0x7FFFFFFF, v29;
	v31 =	vand.u32 $0x7FFFFFFF, v31  }
0x147: {  	v19 =	vld.idx.msk [tilespmem:v19+s30+$0x0], $0xffff;
	v51 =	vmul.f32 v22, v22;
	v53 =	vsub.f32 v42, v32;
	v42 =	vmul.f32 v42, v42  }
0x148: {  	v54 =	vld.idx.msk [tilespmem:v43+s31+$0x0], $0xffff;
	v22 =	vsub.f32 v22, v33;
	v60 =	vmul.f32 v50, v50;
	v28 =	vmul.f32 v28, v28  }
0x149: {  	v62 =	vld.idx.msk [tilespmem:v21+s31+$0x0], $0xffff;
	v55 =	vmul.f32 v41, v41;
	v56 =	vmul.f32 v20, v20;
	v20 =	vsub.f32 v50, v20  }
0x14a: {  	v41 =	vsub.f32 v41, v23;
	v23 =	vmul.f32 v23, v23;
	v32 =	vmul.f32 v32, v32  }
0x14b: {  	v63 =	vld.idx.msk [tilespmem:v44+s29+$0x0], $0xffff;
	v57 =	vmul.f32 v38, v38;
	v35 =	vsub.f32 v47, v35;
	v37 =	vsub.f32 v53, v37  }
0x14c: {  	v43 =	vld.idx.msk [tilespmem:v43+s30+$0x0], $0xffff;
	v22 =	vsub.f32 v22, v27;
	v20 =	vsub.f32 v20, v24;
	v24 =	vand.u32 $0x7FFFFFFF, v25  }
0x14d: {  	v61 =	vld.idx.msk [tilespmem:v44+s31+$0x0], $0xffff;
	v25 =	vand.u32 $0x7FFFFFFF, v52;
	v42 =	vadd.f32 v60, v42;
	v19 =	vsub.f32 v41, v19  }
0x14e: {  	v59 =	vld.idx.msk [tilespmem:v45+s31+$0x0], $0xffff;
	v52 =	vmul.f32 v46, v46;
	v53 =	vand.u32 $0x7FFFFFFF, v54;
	v54 =	vand.u32 $0x7FFFFFFF, v62  }
0x14f: {  	v47 =	vld.idx.msk [tilespmem:v39+s29+$0x0], $0xffff;
	v32 =	vadd.f32 v56, v32;
	v35 =	vand.u32 $0x7FFFFFFF, v35;
	v37 =	vand.u32 $0x7FFFFFFF, v37  }
0x150: {  	v26 =	vld.idx.msk [tilespmem:v26+s30+$0x0], $0xffff;
	v22 =	vand.u32 $0x7FFFFFFF, v22;
	v42 =	vadd.f32 v51, v42;
	v20 =	vand.u32 $0x7FFFFFFF, v20  }
0x151: {  	v21 =	vld.idx.msk [tilespmem:v21+s30+$0x0], $0xffff;
	v19 =	vand.u32 $0x7FFFFFFF, v19;
	v23 =	vadd.f32 v52, v23;
	v29 =	vadd.f32 v35, v29  }
0x152: {  	v62 =	vld.idx.msk [tilespmem:v45+s29+$0x0], $0xffff;
	v35 =	vand.u32 $0x7FFFFFFF, v63;
	v22 =	vadd.f32 v22, v25;
	v37 =	vadd.f32 v37, v40  }
0x153: {  	v44 =	vld.idx.msk [tilespmem:v44+s30+$0x0], $0xffff;
	v33 =	vmul.f32 v33, v33;
	v20 =	vadd.f32 v20, v24;
	v19 =	vadd.f32 v19, v35  }
0x154: {  	v27 =	vld.idx.msk [tilespmem:v39+s30+$0x0], $0xffff;
	v56 =	vmul.f32 v59, v59;
	v23 =	vadd.f32 v57, v23;
	v39 =	vsub.f32 v47, v46  }
0x155: {  	v51 =	vld.idx.msk [tilespmem:v45+s30+$0x0], $0xffff;
	v29 =	vadd.f32 v29, v31;
	v63 =	vmul.f32 v47, v47;
	v22 =	vadd.f32 v22, v53  }
0x156: {  	v52 =	vld.idx.msk [tilespmem:v48+s29+$0x0], $0xffff;
	v31 =	vand.u32 $0x7FFFFFFF, v61;
	v24 =	vadd.f32 v37, v34;
	v20 =	vadd.f32 v20, v54  }
0x157: {  	v43 =	vand.u32 $0x7FFFFFFF, v43;
	v25 =	vld.idx.msk [tilespmem:v18+s31+$0x0], $0xffff;
	v53 =	vsub.f32 v62, v59;
	v19 =	vadd.f32 v19, v31  }
0x158: {  	v26 =	vand.u32 $0x7FFFFFFF, v26;
	v23 =	vadd.f32 v56, v23;
	v60 =	vadd.f32 v63, v55  }
0x159: {  	v21 =	vand.u32 $0x7FFFFFFF, v21;
	v47 =	vld.idx.msk [tilespmem:v18+s29+$0x0], $0xffff;
	v27 =	vsub.f32 v39, v27;
	v22 =	vsub.f32 v22, v43  }
0x15a: {  	v50 =	vand.u32 $0x7FFFFFFF, v44;
	v24 =	vsub.f32 v24, v26;
	v21 =	vsub.f32 v20, v21  }
0x15b: {  	v18 =	vld.idx.msk [tilespmem:v18+s30+$0x0], $0xffff;
	v54 =	vmul.f32 v62, v62;
	v20 =	vadd.f32 v33, v32;
	v31 =	vsub.f32 v53, v51  }
0x15c: {  	v57 =	vand.u32 $0x7FFFFFFF, v52;
	v61 =	vmul.f32 v25, v25;
	v19 =	vsub.f32 v19, v50  }
0x15d: {  	v63 =	vld.idx.msk [tilespmem:v30+s31+$0x0], $0xffff;
	v26 =	vand.u32 $0x7FFFFFFF, v27;
	v22 =	vmax.f32 v22, $0.0e+00;
	v28 =	vadd.f32 v28, v60  }
0x15e: {  	v55 =	vld.idx.msk [tilespmem:v48+s31+$0x0], $0xffff;
	v24 =	vmax.f32 v24, $0.0e+00;
	v21 =	vmax.f32 v21, $0.0e+00;
	v25 =	vsub.f32 v47, v25  }
0x15f: {  	v30 =	vld.idx.msk [tilespmem:v30+s30+$0x0], $0xffff;
	v58 =	vmul.f32 v47, v47;
	v26 =	vadd.f32 v26, v36;
	v22 =	vmul.f32 v22, v22  }
0x160: {  	v20 =	vadd.f32 v61, v20;
	v59 =	vmax.f32 v19, $0.0e+00;
	v18 =	vsub.f32 v25, v18;
	v25 =	vld.idx.msk [tilespmem:v49+s29+$0x0], $0xffff  }
0x161: {  	v60 =	vld.idx.msk [tilespmem:v49+s31+$0x0], $0xffff;
	v24 =	vmul.f32 v24, v24;
	v28 =	vadd.f32 v54, v28;
	v27 =	vadd.f32 v58, v42  }
0x162: {  	v34 =	vand.u32 $0x7FFFFFFF, v63;
	v20 =	vadd.f32 v20, v23;
	v63 =	vld.idx.msk [tilespmem:v17+s30+$0x0], $0xffff;
	v17 =	vmul.f32 v21, v21  }
0x163: {  	v58 =	vld.idx.msk [tilespmem:v48+s30+$0x0], $0xffff;
	v26 =	vadd.f32 v26, v34;
	v19 =	vadd.f32 v27, v28;
	v27 =	vand.u32 $0x7FFFFFFF, v31  }
0x164: {  	v62 =	vld.idx.msk [tilespmem:v49+s30+$0x0], $0xffff;
	v61 =	vand.u32 $0x7FFFFFFF, v55;
	v17 =	vadd.f32 v17, v24;
	v23 =	vadd.f32 v27, v57  }
0x165: {  	v27 =	vand.u32 $0x7FFFFFFF, v18;
	v18 =	vshra.s32 v19, $0x1;
	v25 =	vand.u32 $0x7FFFFFFF, v25  }
0x166: {  	v24 =	vand.u32 $0x7FFFFFFF, v60;
	v18 =	vadd.s32 $0x1FBD1DF5, v18;
	v21 =	vadd.f32 v27, v25  }
0x167: {  	v22 =	vadd.f32 v22, v17;
	v23 =	vadd.f32 v23, v61;
	(erf) = vrcp.f32 v18  }
0x168: {  	v25 =	vand.u32 $0x7FFFFFFF, v58;
	v27 =	vand.u32 $0x7FFFFFFF, v30;
	v21 =	vadd.f32 v21, v24  }
0x169: {  	v23 =	vsub.f32 v23, v25;
	v25 =	vand.u32 $0x7FFFFFFF, v62;
	v24 =	vshra.s32 v20, $0x1  }
0x16a: {  	v17 =	vadd.s32 $0x1FBD1DF5, v24;
	v24 =	vand.u32 $0x7FFFFFFF, v63;
	v21 =	vsub.f32 v21, v25  }
0x16b: {  	v26 =	vsub.f32 v26, v27;
	(erf) = vrcp.f32 v17;
	v24 =	vsub.f32 v29, v24  }
0x16c: {  	v27 =	vmax.f32 v23, $0.0e+00;
	v21 =	vmax.f32 v21, $0.0e+00  }
0x16d: {  	v25 =	vmax.f32 v26, $0.0e+00;
	v23 =	vmul.f32 v21, v21;
	v21 =	vmax.f32 v24, $0.0e+00  }
0x16e: {  	v26 =	vmul.f32 v59, v59;
	v25 =	vmul.f32 v25, v25;
	_ =	sdelay $0x1  }
0x16f: {  	s7 =	simm.s32 $0x18380;
	s8 =	simm.s32 $0x10;
	s6 =	simm.s32 $0x18380;
	v24 =	vmul.f32 v27, v27;
	v25 =	vadd.f32 v25, v26;
	v26 =	vmul.f32 v21, v21;
	v21 =	vpop (erf)  }
.LBB2_4:
0x170: {  	p0 =	sne.s32 s8, $0x70  }
0x171: {  	v25 =	vadd.f32 v26, v25;
	s7 =	sadd.s32 $0x10, s7;
	s9 =	smov.u32 s8;
	s8 =	sadd.s32 $0x10, s8  }
0x172: {  	_ = 	snop  }
0x173: {  	v22 =	vadd.f32 v23, v22;
	v24 =	vadd.f32 v24, v25;
	v23 =	vpop (erf)  }
0x174: {  	v23 =	vmul.f32 v23, v20  }
0x175: {  	v22 =	vadd.f32 v22, v24  }
0x176: {  	v17 =	vadd.f32 v17, v23  }
0x177: {  	v23 =	vshra.s32 v22, $0x1  }
0x178: {  	v23 =	vadd.s32 $0x1FBD1DF5, v23;
	v17 =	vmul.f32 $5.000000000e-01, v17  }
0x179: {  	(erf) = vrcp.f32 v23  }
0x17a: {  	(erf) = vrcp.f32 v17;
	_ =	sdelay $0x5  }
0x17b: {  	v25 =	vmul.f32 v21, v19;
	_ =	sdelay $0x1  }
0x17c: {  	v18 =	vadd.f32 v18, v25;
	v21 =	vpop (erf)  }
0x17d: {  	v21 =	vmul.f32 v21, v22;
	v24 =	vpop (erf)  }
0x17e: {  	v18 =	vmul.f32 $5.000000000e-01, v18;
	v20 =	vmul.f32 v24, v20  }
0x17f: {  	v21 =	vadd.f32 v23, v21  }
0x180: {  	v17 =	vadd.f32 v20, v17;
	(erf) = vrcp.f32 v18  }
0x181: {  	v20 =	vmul.f32 $5.000000000e-01, v21  }
0x182: {  	v17 =	vmul.f32 $5.000000000e-01, v17  }
0x183: {  	(erf) = vrcp.f32 v20  }
0x184: {  	v17 =	vadd.f32 $-1.000000000e+00, v17;
	_ =	sdelay $0x4  }
0x185: {  	v21 =	vpop (erf)  }
0x186: {  	v21 =	vmul.f32 v21, v19;
	_ =	sdelay $0x1  }
0x187: {  	v18 =	vadd.f32 v21, v18;
	v19 =	vpop (erf)  }
0x188: {  	v19 =	vmul.f32 v19, v22  }
0x189: {  	v18 =	vmul.f32 $5.000000000e-01, v18  }
0x18a: {  	v21 =	vmov s9;
	v19 =	vadd.f32 v19, v20  }
0x18b: {  	v20 =	vshll.u32 v21, $0x7;
	v18 =	vadd.f32 $-1.000000000e+00, v18  }
0x18c: {  	v22 =	vand.u32 $0x7FFFFFFF, v17;
	v21 =	vor.u32 v5, v20;
	v19 =	vmul.f32 $5.000000000e-01, v19  }
0x18d: {  	v23 =	vor.u32 v3, v21;
	v24 =	vor.u32 v7, v21;
	v17 =	vand.u32 $0x7FFFFFFF, v18  }
0x18e: {  	v25 =	vor.u32 v0, v21;
	v26 =	vor.u32 v9, v21;
	v18 =	vadd.f32 v19, v17  }
0x18f: {  	v20 =	vor.u32 v1, v21;
	v27 =	vor.u32 v11, v21;
	v17 =	vor.u32 v4, v21  }
0x190: {  	v28 =	vor.u32 v6, v21;
	v29 =	vor.u32 v2, v21;
	v30 =	vadd.f32 v18, v22  }
0x191: {  	v19 =	vor.u32 v14, v21;
	v22 =	vor.u32 v13, v21;
	v18 =	vor.u32 v16, v21  }
0x192: {  	[tilespmem:s6+$0x0] =	vst v30;
	s6 =	smov.u32 s7  }
0x193: {  	v30 =	vld.idx.msk [tilespmem:v23+s31+$0x0], $0xffff  }
0x194: {  	v31 =	vld.idx.msk [tilespmem:v26+s30+$0x0], $0xffff  }
0x195: {  	v33 =	vor.u32 v10, v21;
	v32 =	vld.idx.msk [tilespmem:v29+s29+$0x0], $0xffff  }
0x196: {  	v34 =	vld.idx.msk [tilespmem:v27+s30+$0x0], $0xffff  }
0x197: {  	v35 =	vld.idx.msk [tilespmem:v17+s29+$0x0], $0xffff  }
0x198: {  	v36 =	vor.u32 v8, v21;
	v37 =	vld.idx.msk [tilespmem:v17+s31+$0x0], $0xffff  }
0x199: {  	v38 =	vld.idx.msk [tilespmem:v27+s31+$0x0], $0xffff  }
0x19a: {  	v27 =	vld.idx.msk [tilespmem:v27+s29+$0x0], $0xffff  }
0x19b: {  	v39 =	vld.idx.msk [tilespmem:v25+s31+$0x0], $0xffff  }
0x19c: {  	v40 =	vld.idx.msk [tilespmem:v33+s30+$0x0], $0xffff  }
0x19d: {  	v41 =	vld.idx.msk [tilespmem:v20+s29+$0x0], $0xffff  }
0x19e: {  	v42 =	vld.idx.msk [tilespmem:v24+s30+$0x0], $0xffff  }
0x19f: {  	v43 =	vld.idx.msk [tilespmem:v33+s31+$0x0], $0xffff  }
0x1a0: {  	v33 =	vld.idx.msk [tilespmem:v33+s29+$0x0], $0xffff  }
0x1a1: {  	v44 =	vld.idx.msk [tilespmem:v25+s29+$0x0], $0xffff  }
0x1a2: {  	v45 =	vld.idx.msk [tilespmem:v23+s29+$0x0], $0xffff  }
0x1a3: {  	v46 =	vld.idx.msk [tilespmem:v24+s29+$0x0], $0xffff  }
0x1a4: {  	v47 =	vor.u32 v12, v21;
	v24 =	vld.idx.msk [tilespmem:v24+s31+$0x0], $0xffff  }
0x1a5: {  	v48 =	vld.idx.msk [tilespmem:v36+s31+$0x0], $0xffff  }
0x1a6: {  	v39 =	vand.u32 $0x7FFFFFFF, v39;
	v50 =	vsub.f32 v33, v43;
	v49 =	vld.idx.msk [tilespmem:v26+s29+$0x0], $0xffff  }
0x1a7: {  	v41 =	vand.u32 $0x7FFFFFFF, v41;
	v26 =	vld.idx.msk [tilespmem:v26+s31+$0x0], $0xffff  }
0x1a8: {  	v44 =	vand.u32 $0x7FFFFFFF, v44;
	v40 =	vsub.f32 v50, v40;
	v51 =	vld.idx.msk [tilespmem:v36+s29+$0x0], $0xffff  }
0x1a9: {  	v35 =	vand.u32 $0x7FFFFFFF, v35;
	v37 =	vand.u32 $0x7FFFFFFF, v37;
	v52 =	vmul.f32 v27, v27;
	v50 =	vld.idx.msk [tilespmem:v47+s29+$0x0], $0xffff  }
0x1aa: {  	v53 =	vsub.f32 v46, v24;
	v46 =	vmul.f32 v46, v46;
	v40 =	vand.u32 $0x7FFFFFFF, v40;
	v23 =	vld.idx.msk [tilespmem:v23+s30+$0x0], $0xffff  }
0x1ab: {  	v27 =	vsub.f32 v27, v38;
	v35 =	vadd.f32 v40, v35;
	v40 =	vor.u32 v15, v21;
	v54 =	vld.idx.msk [tilespmem:v28+s29+$0x0], $0xffff  }
0x1ac: {  	v33 =	vmul.f32 v33, v33;
	v21 =	vsub.f32 v53, v42;
	v42 =	vmul.f32 v49, v49;
	v53 =	vld.idx.msk [tilespmem:v47+s31+$0x0], $0xffff  }
0x1ad: {  	v27 =	vsub.f32 v27, v34;
	v55 =	vmul.f32 v45, v45;
	v56 =	vmul.f32 v26, v26;
	v36 =	vld.idx.msk [tilespmem:v36+s30+$0x0], $0xffff  }
0x1ae: {  	v26 =	vsub.f32 v49, v26;
	v34 =	vand.u32 $0x7FFFFFFF, v21;
	v57 =	vsub.f32 v51, v48;
	v47 =	vld.idx.msk [tilespmem:v47+s30+$0x0], $0xffff  }
0x1af: {  	v27 =	vand.u32 $0x7FFFFFFF, v27;
	v45 =	vsub.f32 v45, v30;
	v21 =	vadd.f32 v35, v37;
	v49 =	vld.idx.msk [tilespmem:v28+s31+$0x0], $0xffff  }
0x1b0: {  	v26 =	vsub.f32 v26, v31;
	v31 =	vand.u32 $0x7FFFFFFF, v32;
	v32 =	vand.u32 $0x7FFFFFFF, v50;
	v35 =	vld.idx.msk [tilespmem:v29+s31+$0x0], $0xffff  }
0x1b1: {  	v42 =	vadd.f32 v42, v46;
	v27 =	vadd.f32 v27, v32;
	v37 =	vand.u32 $0x7FFFFFFF, v54;
	v32 =	vld.idx.msk [tilespmem:v40+s31+$0x0], $0xffff  }
0x1b2: {  	v30 =	vmul.f32 v30, v30;
	v23 =	vsub.f32 v45, v23;
	v45 =	vmul.f32 v51, v51;
	v46 =	vld.idx.msk [tilespmem:v40+s29+$0x0], $0xffff  }
0x1b3: {  	v34 =	vadd.f32 v34, v44;
	v44 =	vmul.f32 v48, v48;
	v48 =	vand.u32 $0x7FFFFFFF, v53;
	v25 =	vld.idx.msk [tilespmem:v25+s30+$0x0], $0xffff  }
0x1b4: {  	v38 =	vmul.f32 v38, v38;
	v42 =	vadd.f32 v52, v42;
	v27 =	vadd.f32 v27, v48;
	v29 =	vld.idx.msk [tilespmem:v29+s30+$0x0], $0xffff  }
0x1b5: {  	v24 =	vmul.f32 v24, v24;
	v26 =	vand.u32 $0x7FFFFFFF, v26;
	v47 =	vand.u32 $0x7FFFFFFF, v47;
	v28 =	vld.idx.msk [tilespmem:v28+s30+$0x0], $0xffff  }
0x1b6: {  	v23 =	vand.u32 $0x7FFFFFFF, v23;
	v26 =	vadd.f32 v26, v31;
	v48 =	vand.u32 $0x7FFFFFFF, v49;
	v31 =	vld.idx.msk [tilespmem:v22+s31+$0x0], $0xffff  }
0x1b7: {  	v34 =	vadd.f32 v34, v39;
	v39 =	vmul.f32 v43, v43;
	v35 =	vand.u32 $0x7FFFFFFF, v35;
	v43 =	vld.idx.msk [tilespmem:v22+s29+$0x0], $0xffff  }
0x1b8: {  	v30 =	vadd.f32 v44, v30;
	v23 =	vadd.f32 v23, v37;
	v37 =	vld.idx.msk [tilespmem:v40+s30+$0x0], $0xffff;
	v40 =	vmul.f32 v46, v46  }
0x1b9: {  	v45 =	vadd.f32 v45, v55;
	v49 =	vmul.f32 v32, v32;
	v25 =	vand.u32 $0x7FFFFFFF, v25;
	v44 =	vld.idx.msk [tilespmem:v20+s31+$0x0], $0xffff  }
0x1ba: {  	v36 =	vsub.f32 v57, v36;
	v26 =	vadd.f32 v26, v35;
	v29 =	vand.u32 $0x7FFFFFFF, v29;
	v22 =	vld.idx.msk [tilespmem:v22+s30+$0x0], $0xffff  }
0x1bb: {  	v24 =	vadd.f32 v56, v24;
	v27 =	vsub.f32 v27, v47;
	v28 =	vand.u32 $0x7FFFFFFF, v28  }
0x1bc: {  	v30 =	vadd.f32 v39, v30;
	v25 =	vsub.f32 v34, v25;
	v34 =	vand.u32 $0x7FFFFFFF, v36  }
0x1bd: {  	v27 =	vmax.f32 v27, $0.0e+00;
	v32 =	vsub.f32 v46, v32;
	v36 =	vadd.f32 v40, v42;
	v35 =	vld.idx.msk [tilespmem:v19+s29+$0x0], $0xffff  }
0x1be: {  	v33 =	vadd.f32 v33, v45;
	v27 =	vmul.f32 v27, v27;
	v39 =	vld.idx.msk [tilespmem:v20+s30+$0x0], $0xffff;
	v20 =	vadd.f32 v34, v41  }
0x1bf: {  	v23 =	vadd.f32 v23, v48;
	v40 =	vsub.f32 v43, v31;
	v41 =	vmul.f32 v43, v43;
	v34 =	vld.idx.msk [tilespmem:v19+s31+$0x0], $0xffff  }
0x1c0: {  	v24 =	vadd.f32 v38, v24;
	v26 =	vsub.f32 v26, v29;
	v42 =	vand.u32 $0x7FFFFFFF, v44;
	v29 =	vld.idx.msk [tilespmem:v18+s29+$0x0], $0xffff  }
0x1c1: {  	v31 =	vmul.f32 v31, v31;
	v22 =	vsub.f32 v40, v22;
	v33 =	vadd.f32 v41, v33  }
0x1c2: {  	v23 =	vsub.f32 v23, v28;
	v25 =	vmax.f32 v25, $0.0e+00;
	v32 =	vsub.f32 v32, v37;
	v28 =	vld.idx.msk [tilespmem:v19+s30+$0x0], $0xffff  }
0x1c3: {  	v24 =	vadd.f32 v49, v24;
	v30 =	vadd.f32 v31, v30;
	v35 =	vand.u32 $0x7FFFFFFF, v35  }
0x1c4: {  	v23 =	vmax.f32 v23, $0.0e+00;
	v31 =	vadd.f32 v20, v42;
	v22 =	vand.u32 $0x7FFFFFFF, v22;
	v37 =	vld.idx.msk [tilespmem:v18+s31+$0x0], $0xffff  }
0x1c5: {  	v20 =	vadd.f32 v24, v30;
	v19 =	vadd.f32 v36, v33;
	v34 =	vand.u32 $0x7FFFFFFF, v34  }
0x1c6: {  	v22 =	vadd.f32 v22, v35;
	v29 =	vand.u32 $0x7FFFFFFF, v29;
	v24 =	vld.idx.msk [tilespmem:v18+s30+$0x0], $0xffff;
	v18 =	vand.u32 $0x7FFFFFFF, v32  }
0x1c7: {  	v26 =	vmax.f32 v26, $0.0e+00;
	v30 =	vld.idx.msk [tilespmem:v17+s30+$0x0], $0xffff;
	v17 =	vadd.f32 v18, v29;
	v18 =	vshra.s32 v19, $0x1  }
0x1c8: {  	v25 =	vmul.f32 v25, v25;
	v26 =	vmul.f32 v26, v26;
	v28 =	vand.u32 $0x7FFFFFFF, v28  }
0x1c9: {  	v22 =	vadd.f32 v22, v34;
	v29 =	vand.u32 $0x7FFFFFFF, v39;
	v18 =	vadd.s32 $0x1FBD1DF5, v18  }
0x1ca: {  	v25 =	vadd.f32 v26, v25;
	v26 =	vand.u32 $0x7FFFFFFF, v37;
	(erf) = vrcp.f32 v18  }
0x1cb: {  	v28 =	vsub.f32 v22, v28;
	v26 =	vadd.f32 v17, v26;
	v17 =	vshra.s32 v20, $0x1  }
0x1cc: {  	v22 =	vadd.f32 v27, v25;
	v24 =	vand.u32 $0x7FFFFFFF, v24;
	v17 =	vadd.s32 $0x1FBD1DF5, v17  }
0x1cd: {  	v25 =	vsub.f32 v31, v29;
	v24 =	vsub.f32 v26, v24;
	(erf) = vrcp.f32 v17  }
0x1ce: {  	v27 =	vmax.f32 v28, $0.0e+00;
	v26 =	vmul.f32 v23, v23;
	v23 =	vand.u32 $0x7FFFFFFF, v30  }
.Ltmp1:
0x1cf: {  	v25 =	vmax.f32 v25, $0.0e+00;
	v21 =	vsub.f32 v21, v23;
	v23 =	vmax.f32 v24, $0.0e+00;
	(pc) =	sbr.rel @p0 .LBB2_4-.Ltmp1, $4  }
0x1d0: {  	v25 =	vmul.f32 v25, v25;
	v23 =	vmul.f32 v23, v23  }
0x1d1: {  	v24 =	vmul.f32 v27, v27;
	v28 =	vmax.f32 v21, $0.0e+00  }
0x1d2: {  	v25 =	vadd.f32 v25, v26;
	v26 =	vmul.f32 v28, v28  }
0x1d3: {  	v21 =	vpop (erf)  }
0x1d4: {  	v25 =	vadd.f32 v26, v25;
	_ =	sdelay $0x1  }
0x1d5: {  	v22 =	vadd.f32 v23, v22;
	v24 =	vadd.f32 v24, v25;
	_ =	sdelay $0x1  }
0x1d6: {  	v22 =	vadd.f32 v22, v24;
	_ =	sdelay $0x1  }
0x1d7: {  	v23 =	vshra.s32 v22, $0x1  }
0x1d8: {  	v23 =	vadd.s32 $0x1FBD1DF5, v23  }
0x1d9: {  	(erf) = vrcp.f32 v23;
	_ =	sdelay $0x2  }
0x1da: {  	v24 =	vpop (erf)  }
0x1db: {  	v24 =	vmul.f32 v24, v20  }
0x1dc: {  	v21 =	vmul.f32 v21, v19  }
0x1dd: {  	v17 =	vadd.f32 v17, v24  }
0x1de: {  	v18 =	vadd.f32 v18, v21  }
0x1df: {  	v17 =	vmul.f32 $5.000000000e-01, v17  }
0x1e0: {  	v18 =	vmul.f32 $5.000000000e-01, v18;
	v21 =	vpop (erf)  }
0x1e1: {  	(erf) = vrcp.f32 v17;
	v21 =	vmul.f32 v21, v22  }
0x1e2: {  	(erf) = vrcp.f32 v18  }
0x1e3: {  	v21 =	vadd.f32 v23, v21;
	_ =	sdelay $0x1  }
0x1e4: {  	v21 =	vmul.f32 $5.000000000e-01, v21;
	_ =	sdelay $0x1  }
0x1e5: {  	(erf) = vrcp.f32 v21;
	_ =	sdelay $0x2  }
0x1e6: {  	v23 =	vpop (erf)  }
0x1e7: {  	v24 =	vpop (erf)  }
0x1e8: {  	v19 =	vmul.f32 v24, v19;
	_ =	sdelay $0x3  }
0x1e9: {  	v20 =	vmul.f32 v23, v20;
	v18 =	vadd.f32 v19, v18;
	v19 =	vpop (erf)  }
0x1ea: {  	v19 =	vmul.f32 v19, v22  }
0x1eb: {  	v17 =	vadd.f32 v20, v17;
	v18 =	vmul.f32 $5.000000000e-01, v18  }
0x1ec: {  	v19 =	vadd.f32 v19, v21  }
0x1ed: {  	v17 =	vmul.f32 $5.000000000e-01, v17;
	v18 =	vadd.f32 $-1.000000000e+00, v18  }
0x1ee: {  	v19 =	vmul.f32 $5.000000000e-01, v19  }
0x1ef: {  	v17 =	vadd.f32 $-1.000000000e+00, v17;
	v18 =	vand.u32 $0x7FFFFFFF, v18  }
0x1f0: {  	v18 =	vadd.f32 v19, v18  }
0x1f1: {  	v17 =	vand.u32 $0x7FFFFFFF, v17  }
0x1f2: {  	v17 =	vadd.f32 v18, v17;
	_ =	sdelay $0x1  }
0x1f3: {  	s9 =	simm.s32 $0x0;
	[tilespmem:s6+$0x0] =	vst v17  }
0x1f4: {  	[tilespmem:s25], [sflag:$0x3] =	stream.linear.gather [hbm4b:s14+s9], $0x80, $0x38;
	[tilespmem:$0x18500] =	vst v63  }
0x1f5: {  	_ =	swait.ge [sflag:s19], $0x80  }
0x1f6: {  	[sflag:s19] =	ssyncset.done $0x0  }
0x1f7: {  	[sflag:s19] =	ssyncadd.s32 $0xFFFFFF80  }
0x1f8: {  	[tilespmem:s26], [sflag:$0x3] =	stream.linear.gather [hbm4b:s15+s9], $0x80, $0x38;
	[tilespmem:$0x18500] =	vst v63  }
0x1f9: {  	_ =	swait.ge [sflag:s19], $0x80  }
0x1fa: {  	[sflag:s19] =	ssyncset.done $0x0  }
0x1fb: {  	[sflag:s19] =	ssyncadd.s32 $0xFFFFFF80  }
0x1fc: {  	[tilespmem:s28], [sflag:$0x3] =	stream.linear.gather [hbm4b:s16+s9], $0x80, $0x38;
	[tilespmem:$0x18500] =	vst v63  }
0x1fd: {  	_ =	swait.ge [sflag:s19], $0x80  }
0x1fe: {  	[sflag:s19] =	ssyncset.done $0x0  }
0x1ff: {  	[sflag:s19] =	ssyncadd.s32 $0xFFFFFF80  }
0x200: {  	[tilespmem:s29], [sflag:$0x2] =	stream.indirect.gather [hbm4b:s0+s20], $0x80, s25, s20, $0xb8;
	[tilespmem:$0x18500] =	vst v63  }
0x201: {  	_ = 	snop  }
0x202: {  	[tilespmem:s30], [sflag:$0x2] =	stream.indirect.gather [hbm4b:s1+s20], $0x80, s26, s20, $0xb8;
	[tilespmem:$0x18500] =	vst v63  }
0x203: {  	_ = 	snop  }
0x204: {  	[tilespmem:s31], [sflag:$0x2] =	stream.indirect.gather [hbm4b:s0+s20], $0x80, s28, s20, $0xb8;
	[tilespmem:$0x18500] =	vst v63  }
0x205: {  	_ =	swait.ge [sflag:s2], $0x4000  }
0x206: {  	v17 =	vmov s9;
	[sflag:s2] =	ssyncset.done $0x0  }
0x207: {  	v17 =	vshll.u32 v17, $0x7;
	[sflag:s2] =	ssyncadd.s32 $0xFFFFC000  }
0x208: {  	v18 =	vor.u32 v5, v17;
	_ =	swait.ge [sflag:s2], $0x4000  }
0x209: {  	v19 =	vor.u32 v3, v18;
	[sflag:s2] =	ssyncset.done $0x0  }
0x20a: {  	v20 =	vor.u32 v9, v18;
	[sflag:s2] =	ssyncadd.s32 $0xFFFFC000  }
0x20b: {  	v21 =	vor.u32 v2, v18;
	_ =	swait.ge [sflag:s2], $0x4000  }
0x20c: {  	v22 =	vor.u32 v11, v18;
	[sflag:s2] =	ssyncset.done $0x0  }
0x20d: {  	v17 =	vor.u32 v4, v18;
	[sflag:s2] =	ssyncadd.s32 $0xFFFFC000  }
0x20e: {  	v23 =	vld.idx.msk [tilespmem:v19+s24+$0x0], $0xffff  }
0x20f: {  	v24 =	vld.idx.msk [tilespmem:v20+s23+$0x0], $0xffff  }
0x210: {  	v25 =	vld.idx.msk [tilespmem:v21+s22+$0x0], $0xffff  }
0x211: {  	v26 =	vor.u32 v0, v18;
	v27 =	vld.idx.msk [tilespmem:v22+s23+$0x0], $0xffff  }
0x212: {  	v28 =	vor.u32 v10, v18;
	v29 =	vld.idx.msk [tilespmem:v17+s22+$0x0], $0xffff  }
0x213: {  	v30 =	vor.u32 v1, v18;
	v31 =	vld.idx.msk [tilespmem:v17+s24+$0x0], $0xffff  }
0x214: {  	v32 =	vor.u32 v7, v18;
	v33 =	vld.idx.msk [tilespmem:v22+s24+$0x0], $0xffff  }
0x215: {  	v22 =	vld.idx.msk [tilespmem:v22+s22+$0x0], $0xffff  }
0x216: {  	v34 =	vld.idx.msk [tilespmem:v26+s24+$0x0], $0xffff  }
0x217: {  	v35 =	vld.idx.msk [tilespmem:v28+s23+$0x0], $0xffff  }
0x218: {  	v36 =	vld.idx.msk [tilespmem:v30+s22+$0x0], $0xffff  }
0x219: {  	v37 =	vld.idx.msk [tilespmem:v32+s23+$0x0], $0xffff  }
0x21a: {  	v38 =	vld.idx.msk [tilespmem:v28+s24+$0x0], $0xffff  }
0x21b: {  	v28 =	vld.idx.msk [tilespmem:v28+s22+$0x0], $0xffff  }
0x21c: {  	v40 =	vld.idx.msk [tilespmem:v26+s22+$0x0], $0xffff  }
0x21d: {  	v39 =	vor.u32 v8, v18;
	v41 =	vld.idx.msk [tilespmem:v19+s22+$0x0], $0xffff  }
0x21e: {  	v43 =	vor.u32 v12, v18;
	v42 =	vld.idx.msk [tilespmem:v32+s22+$0x0], $0xffff  }
0x21f: {  	v32 =	vld.idx.msk [tilespmem:v32+s24+$0x0], $0xffff  }
0x220: {  	v44 =	vor.u32 v6, v18;
	v45 =	vor.u32 v13, v18;
	v50 =	vld.idx.msk [tilespmem:v20+s22+$0x0], $0xffff  }
0x221: {  	v48 =	vor.u32 v14, v18;
	v49 =	vor.u32 v16, v18;
	v18 =	vor.u32 v15, v18;
	v20 =	vld.idx.msk [tilespmem:v20+s24+$0x0], $0xffff  }
0x222: {  	v46 =	vld.idx.msk [tilespmem:v39+s24+$0x0], $0xffff;
	v47 =	vsub.f32 v28, v38;
	v34 =	vand.u32 $0x7FFFFFFF, v34;
	v36 =	vand.u32 $0x7FFFFFFF, v36  }
0x223: {  	v52 =	vld.idx.msk [tilespmem:v43+s22+$0x0], $0xffff;
	v40 =	vand.u32 $0x7FFFFFFF, v40;
	v29 =	vand.u32 $0x7FFFFFFF, v29;
	v31 =	vand.u32 $0x7FFFFFFF, v31  }
0x224: {  	v19 =	vld.idx.msk [tilespmem:v19+s23+$0x0], $0xffff;
	v51 =	vmul.f32 v22, v22;
	v53 =	vsub.f32 v42, v32;
	v42 =	vmul.f32 v42, v42  }
0x225: {  	v54 =	vld.idx.msk [tilespmem:v43+s24+$0x0], $0xffff;
	v22 =	vsub.f32 v22, v33;
	v60 =	vmul.f32 v50, v50;
	v28 =	vmul.f32 v28, v28  }
0x226: {  	v62 =	vld.idx.msk [tilespmem:v21+s24+$0x0], $0xffff;
	v55 =	vmul.f32 v41, v41;
	v56 =	vmul.f32 v20, v20;
	v20 =	vsub.f32 v50, v20  }
0x227: {  	v41 =	vsub.f32 v41, v23;
	v23 =	vmul.f32 v23, v23;
	v32 =	vmul.f32 v32, v32  }
0x228: {  	v63 =	vld.idx.msk [tilespmem:v44+s22+$0x0], $0xffff;
	v57 =	vmul.f32 v38, v38;
	v35 =	vsub.f32 v47, v35;
	v37 =	vsub.f32 v53, v37  }
0x229: {  	v43 =	vld.idx.msk [tilespmem:v43+s23+$0x0], $0xffff;
	v22 =	vsub.f32 v22, v27;
	v20 =	vsub.f32 v20, v24;
	v24 =	vand.u32 $0x7FFFFFFF, v25  }
0x22a: {  	v61 =	vld.idx.msk [tilespmem:v44+s24+$0x0], $0xffff;
	v25 =	vand.u32 $0x7FFFFFFF, v52;
	v42 =	vadd.f32 v60, v42;
	v19 =	vsub.f32 v41, v19  }
0x22b: {  	v59 =	vld.idx.msk [tilespmem:v45+s24+$0x0], $0xffff;
	v52 =	vmul.f32 v46, v46;
	v53 =	vand.u32 $0x7FFFFFFF, v54;
	v54 =	vand.u32 $0x7FFFFFFF, v62  }
0x22c: {  	v47 =	vld.idx.msk [tilespmem:v39+s22+$0x0], $0xffff;
	v32 =	vadd.f32 v56, v32;
	v35 =	vand.u32 $0x7FFFFFFF, v35;
	v37 =	vand.u32 $0x7FFFFFFF, v37  }
0x22d: {  	v26 =	vld.idx.msk [tilespmem:v26+s23+$0x0], $0xffff;
	v22 =	vand.u32 $0x7FFFFFFF, v22;
	v42 =	vadd.f32 v51, v42;
	v20 =	vand.u32 $0x7FFFFFFF, v20  }
0x22e: {  	v21 =	vld.idx.msk [tilespmem:v21+s23+$0x0], $0xffff;
	v19 =	vand.u32 $0x7FFFFFFF, v19;
	v23 =	vadd.f32 v52, v23;
	v29 =	vadd.f32 v35, v29  }
0x22f: {  	v62 =	vld.idx.msk [tilespmem:v45+s22+$0x0], $0xffff;
	v35 =	vand.u32 $0x7FFFFFFF, v63;
	v22 =	vadd.f32 v22, v25;
	v37 =	vadd.f32 v37, v40  }
0x230: {  	v44 =	vld.idx.msk [tilespmem:v44+s23+$0x0], $0xffff;
	v33 =	vmul.f32 v33, v33;
	v20 =	vadd.f32 v20, v24;
	v19 =	vadd.f32 v19, v35  }
0x231: {  	v27 =	vld.idx.msk [tilespmem:v39+s23+$0x0], $0xffff;
	v56 =	vmul.f32 v59, v59;
	v23 =	vadd.f32 v57, v23;
	v39 =	vsub.f32 v47, v46  }
0x232: {  	v51 =	vld.idx.msk [tilespmem:v45+s23+$0x0], $0xffff;
	v29 =	vadd.f32 v29, v31;
	v63 =	vmul.f32 v47, v47;
	v22 =	vadd.f32 v22, v53  }
0x233: {  	v52 =	vld.idx.msk [tilespmem:v48+s22+$0x0], $0xffff;
	v31 =	vand.u32 $0x7FFFFFFF, v61;
	v24 =	vadd.f32 v37, v34;
	v20 =	vadd.f32 v20, v54  }
0x234: {  	v43 =	vand.u32 $0x7FFFFFFF, v43;
	v25 =	vld.idx.msk [tilespmem:v18+s24+$0x0], $0xffff;
	v53 =	vsub.f32 v62, v59;
	v19 =	vadd.f32 v19, v31  }
0x235: {  	v26 =	vand.u32 $0x7FFFFFFF, v26;
	v23 =	vadd.f32 v56, v23;
	v60 =	vadd.f32 v63, v55  }
0x236: {  	v21 =	vand.u32 $0x7FFFFFFF, v21;
	v47 =	vld.idx.msk [tilespmem:v18+s22+$0x0], $0xffff;
	v27 =	vsub.f32 v39, v27;
	v22 =	vsub.f32 v22, v43  }
0x237: {  	v50 =	vand.u32 $0x7FFFFFFF, v44;
	v24 =	vsub.f32 v24, v26;
	v21 =	vsub.f32 v20, v21  }
0x238: {  	v18 =	vld.idx.msk [tilespmem:v18+s23+$0x0], $0xffff;
	v54 =	vmul.f32 v62, v62;
	v20 =	vadd.f32 v33, v32;
	v31 =	vsub.f32 v53, v51  }
0x239: {  	v57 =	vand.u32 $0x7FFFFFFF, v52;
	v61 =	vmul.f32 v25, v25;
	v19 =	vsub.f32 v19, v50  }
0x23a: {  	v63 =	vld.idx.msk [tilespmem:v30+s24+$0x0], $0xffff;
	v26 =	vand.u32 $0x7FFFFFFF, v27;
	v22 =	vmax.f32 v22, $0.0e+00;
	v28 =	vadd.f32 v28, v60  }
0x23b: {  	v55 =	vld.idx.msk [tilespmem:v48+s24+$0x0], $0xffff;
	v24 =	vmax.f32 v24, $0.0e+00;
	v21 =	vmax.f32 v21, $0.0e+00;
	v25 =	vsub.f32 v47, v25  }
0x23c: {  	v30 =	vld.idx.msk [tilespmem:v30+s23+$0x0], $0xffff;
	v58 =	vmul.f32 v47, v47;
	v26 =	vadd.f32 v26, v36;
	v22 =	vmul.f32 v22, v22  }
0x23d: {  	v20 =	vadd.f32 v61, v20;
	v59 =	vmax.f32 v19, $0.0e+00;
	v18 =	vsub.f32 v25, v18;
	v25 =	vld.idx.msk [tilespmem:v49+s22+$0x0], $0xffff  }
0x23e: {  	v60 =	vld.idx.msk [tilespmem:v49+s24+$0x0], $0xffff;
	v24 =	vmul.f32 v24, v24;
	v28 =	vadd.f32 v54, v28;
	v27 =	vadd.f32 v58, v42  }
0x23f: {  	v34 =	vand.u32 $0x7FFFFFFF, v63;
	v20 =	vadd.f32 v20, v23;
	v63 =	vld.idx.msk [tilespmem:v17+s23+$0x0], $0xffff;
	v17 =	vmul.f32 v21, v21  }
0x240: {  	v58 =	vld.idx.msk [tilespmem:v48+s23+$0x0], $0xffff;
	v26 =	vadd.f32 v26, v34;
	v19 =	vadd.f32 v27, v28;
	v27 =	vand.u32 $0x7FFFFFFF, v31  }
0x241: {  	v62 =	vld.idx.msk [tilespmem:v49+s23+$0x0], $0xffff;
	v61 =	vand.u32 $0x7FFFFFFF, v55;
	v17 =	vadd.f32 v17, v24;
	v23 =	vadd.f32 v27, v57  }
0x242: {  	v27 =	vand.u32 $0x7FFFFFFF, v18;
	v18 =	vshra.s32 v19, $0x1;
	v25 =	vand.u32 $0x7FFFFFFF, v25  }
0x243: {  	v24 =	vand.u32 $0x7FFFFFFF, v60;
	v18 =	vadd.s32 $0x1FBD1DF5, v18;
	v21 =	vadd.f32 v27, v25  }
0x244: {  	v22 =	vadd.f32 v22, v17;
	v23 =	vadd.f32 v23, v61;
	(erf) = vrcp.f32 v18  }
0x245: {  	v25 =	vand.u32 $0x7FFFFFFF, v58;
	v27 =	vand.u32 $0x7FFFFFFF, v30;
	v21 =	vadd.f32 v21, v24  }
0x246: {  	v23 =	vsub.f32 v23, v25;
	v25 =	vand.u32 $0x7FFFFFFF, v62;
	v24 =	vshra.s32 v20, $0x1  }
0x247: {  	v17 =	vadd.s32 $0x1FBD1DF5, v24;
	v24 =	vand.u32 $0x7FFFFFFF, v63;
	v21 =	vsub.f32 v21, v25  }
0x248: {  	v26 =	vsub.f32 v26, v27;
	(erf) = vrcp.f32 v17;
	v24 =	vsub.f32 v29, v24  }
0x249: {  	v27 =	vmax.f32 v23, $0.0e+00;
	v21 =	vmax.f32 v21, $0.0e+00  }
0x24a: {  	v25 =	vmax.f32 v26, $0.0e+00;
	v23 =	vmul.f32 v21, v21;
	v21 =	vmax.f32 v24, $0.0e+00  }
0x24b: {  	v26 =	vmul.f32 v59, v59;
	v25 =	vmul.f32 v25, v25;
	_ =	sdelay $0x1  }
0x24c: {  	s7 =	simm.s32 $0x18400;
	s8 =	simm.s32 $0x10;
	s6 =	simm.s32 $0x18400;
	v24 =	vmul.f32 v27, v27;
	v25 =	vadd.f32 v25, v26;
	v26 =	vmul.f32 v21, v21;
	v21 =	vpop (erf)  }
.LBB2_6:
0x24d: {  	p0 =	sne.s32 s8, $0x70  }
0x24e: {  	v25 =	vadd.f32 v26, v25;
	s7 =	sadd.s32 $0x10, s7;
	s9 =	smov.u32 s8;
	s8 =	sadd.s32 $0x10, s8  }
0x24f: {  	_ = 	snop  }
0x250: {  	v22 =	vadd.f32 v23, v22;
	v24 =	vadd.f32 v24, v25;
	v23 =	vpop (erf)  }
0x251: {  	v23 =	vmul.f32 v23, v20  }
0x252: {  	v22 =	vadd.f32 v22, v24  }
0x253: {  	v17 =	vadd.f32 v17, v23  }
0x254: {  	v23 =	vshra.s32 v22, $0x1  }
0x255: {  	v23 =	vadd.s32 $0x1FBD1DF5, v23;
	v17 =	vmul.f32 $5.000000000e-01, v17  }
0x256: {  	(erf) = vrcp.f32 v23  }
0x257: {  	(erf) = vrcp.f32 v17;
	_ =	sdelay $0x5  }
0x258: {  	v25 =	vmul.f32 v21, v19;
	_ =	sdelay $0x1  }
0x259: {  	v18 =	vadd.f32 v18, v25;
	v21 =	vpop (erf)  }
0x25a: {  	v21 =	vmul.f32 v21, v22;
	v24 =	vpop (erf)  }
0x25b: {  	v18 =	vmul.f32 $5.000000000e-01, v18;
	v20 =	vmul.f32 v24, v20  }
0x25c: {  	v21 =	vadd.f32 v23, v21  }
0x25d: {  	v17 =	vadd.f32 v20, v17;
	(erf) = vrcp.f32 v18  }
0x25e: {  	v20 =	vmul.f32 $5.000000000e-01, v21  }
0x25f: {  	v17 =	vmul.f32 $5.000000000e-01, v17  }
0x260: {  	(erf) = vrcp.f32 v20  }
0x261: {  	v17 =	vadd.f32 $-1.000000000e+00, v17;
	_ =	sdelay $0x4  }
0x262: {  	v21 =	vpop (erf)  }
0x263: {  	v21 =	vmul.f32 v21, v19;
	_ =	sdelay $0x1  }
0x264: {  	v18 =	vadd.f32 v21, v18;
	v19 =	vpop (erf)  }
0x265: {  	v19 =	vmul.f32 v19, v22  }
0x266: {  	v18 =	vmul.f32 $5.000000000e-01, v18  }
0x267: {  	v21 =	vmov s9;
	v19 =	vadd.f32 v19, v20  }
0x268: {  	v20 =	vshll.u32 v21, $0x7;
	v18 =	vadd.f32 $-1.000000000e+00, v18  }
0x269: {  	v22 =	vand.u32 $0x7FFFFFFF, v17;
	v21 =	vor.u32 v5, v20;
	v19 =	vmul.f32 $5.000000000e-01, v19  }
0x26a: {  	v23 =	vor.u32 v3, v21;
	v24 =	vor.u32 v7, v21;
	v17 =	vand.u32 $0x7FFFFFFF, v18  }
0x26b: {  	v25 =	vor.u32 v0, v21;
	v26 =	vor.u32 v9, v21;
	v18 =	vadd.f32 v19, v17  }
0x26c: {  	v20 =	vor.u32 v1, v21;
	v27 =	vor.u32 v11, v21;
	v17 =	vor.u32 v4, v21  }
0x26d: {  	v28 =	vor.u32 v6, v21;
	v29 =	vor.u32 v2, v21;
	v30 =	vadd.f32 v18, v22  }
0x26e: {  	v19 =	vor.u32 v14, v21;
	v22 =	vor.u32 v13, v21;
	v18 =	vor.u32 v16, v21  }
0x26f: {  	[tilespmem:s6+$0x0] =	vst v30;
	s6 =	smov.u32 s7  }
0x270: {  	v30 =	vld.idx.msk [tilespmem:v23+s24+$0x0], $0xffff  }
0x271: {  	v31 =	vld.idx.msk [tilespmem:v26+s23+$0x0], $0xffff  }
0x272: {  	v33 =	vor.u32 v10, v21;
	v32 =	vld.idx.msk [tilespmem:v29+s22+$0x0], $0xffff  }
0x273: {  	v34 =	vld.idx.msk [tilespmem:v27+s23+$0x0], $0xffff  }
0x274: {  	v35 =	vld.idx.msk [tilespmem:v17+s22+$0x0], $0xffff  }
0x275: {  	v36 =	vor.u32 v8, v21;
	v37 =	vld.idx.msk [tilespmem:v17+s24+$0x0], $0xffff  }
0x276: {  	v38 =	vld.idx.msk [tilespmem:v27+s24+$0x0], $0xffff  }
0x277: {  	v27 =	vld.idx.msk [tilespmem:v27+s22+$0x0], $0xffff  }
0x278: {  	v39 =	vld.idx.msk [tilespmem:v25+s24+$0x0], $0xffff  }
0x279: {  	v40 =	vld.idx.msk [tilespmem:v33+s23+$0x0], $0xffff  }
0x27a: {  	v41 =	vld.idx.msk [tilespmem:v20+s22+$0x0], $0xffff  }
0x27b: {  	v42 =	vld.idx.msk [tilespmem:v24+s23+$0x0], $0xffff  }
0x27c: {  	v43 =	vld.idx.msk [tilespmem:v33+s24+$0x0], $0xffff  }
0x27d: {  	v33 =	vld.idx.msk [tilespmem:v33+s22+$0x0], $0xffff  }
0x27e: {  	v44 =	vld.idx.msk [tilespmem:v25+s22+$0x0], $0xffff  }
0x27f: {  	v45 =	vld.idx.msk [tilespmem:v23+s22+$0x0], $0xffff  }
0x280: {  	v46 =	vld.idx.msk [tilespmem:v24+s22+$0x0], $0xffff  }
0x281: {  	v47 =	vor.u32 v12, v21;
	v24 =	vld.idx.msk [tilespmem:v24+s24+$0x0], $0xffff  }
0x282: {  	v48 =	vld.idx.msk [tilespmem:v36+s24+$0x0], $0xffff  }
0x283: {  	v39 =	vand.u32 $0x7FFFFFFF, v39;
	v50 =	vsub.f32 v33, v43;
	v49 =	vld.idx.msk [tilespmem:v26+s22+$0x0], $0xffff  }
0x284: {  	v41 =	vand.u32 $0x7FFFFFFF, v41;
	v26 =	vld.idx.msk [tilespmem:v26+s24+$0x0], $0xffff  }
0x285: {  	v44 =	vand.u32 $0x7FFFFFFF, v44;
	v40 =	vsub.f32 v50, v40;
	v51 =	vld.idx.msk [tilespmem:v36+s22+$0x0], $0xffff  }
0x286: {  	v35 =	vand.u32 $0x7FFFFFFF, v35;
	v37 =	vand.u32 $0x7FFFFFFF, v37;
	v52 =	vmul.f32 v27, v27;
	v50 =	vld.idx.msk [tilespmem:v47+s22+$0x0], $0xffff  }
0x287: {  	v53 =	vsub.f32 v46, v24;
	v46 =	vmul.f32 v46, v46;
	v40 =	vand.u32 $0x7FFFFFFF, v40;
	v23 =	vld.idx.msk [tilespmem:v23+s23+$0x0], $0xffff  }
0x288: {  	v27 =	vsub.f32 v27, v38;
	v35 =	vadd.f32 v40, v35;
	v40 =	vor.u32 v15, v21;
	v54 =	vld.idx.msk [tilespmem:v28+s22+$0x0], $0xffff  }
0x289: {  	v33 =	vmul.f32 v33, v33;
	v21 =	vsub.f32 v53, v42;
	v42 =	vmul.f32 v49, v49;
	v53 =	vld.idx.msk [tilespmem:v47+s24+$0x0], $0xffff  }
0x28a: {  	v27 =	vsub.f32 v27, v34;
	v55 =	vmul.f32 v45, v45;
	v56 =	vmul.f32 v26, v26;
	v36 =	vld.idx.msk [tilespmem:v36+s23+$0x0], $0xffff  }
0x28b: {  	v26 =	vsub.f32 v49, v26;
	v34 =	vand.u32 $0x7FFFFFFF, v21;
	v57 =	vsub.f32 v51, v48;
	v47 =	vld.idx.msk [tilespmem:v47+s23+$0x0], $0xffff  }
0x28c: {  	v27 =	vand.u32 $0x7FFFFFFF, v27;
	v45 =	vsub.f32 v45, v30;
	v21 =	vadd.f32 v35, v37;
	v49 =	vld.idx.msk [tilespmem:v28+s24+$0x0], $0xffff  }
0x28d: {  	v26 =	vsub.f32 v26, v31;
	v31 =	vand.u32 $0x7FFFFFFF, v32;
	v32 =	vand.u32 $0x7FFFFFFF, v50;
	v35 =	vld.idx.msk [tilespmem:v29+s24+$0x0], $0xffff  }
0x28e: {  	v42 =	vadd.f32 v42, v46;
	v27 =	vadd.f32 v27, v32;
	v37 =	vand.u32 $0x7FFFFFFF, v54;
	v32 =	vld.idx.msk [tilespmem:v40+s24+$0x0], $0xffff  }
0x28f: {  	v30 =	vmul.f32 v30, v30;
	v23 =	vsub.f32 v45, v23;
	v45 =	vmul.f32 v51, v51;
	v46 =	vld.idx.msk [tilespmem:v40+s22+$0x0], $0xffff  }
0x290: {  	v34 =	vadd.f32 v34, v44;
	v44 =	vmul.f32 v48, v48;
	v48 =	vand.u32 $0x7FFFFFFF, v53;
	v25 =	vld.idx.msk [tilespmem:v25+s23+$0x0], $0xffff  }
0x291: {  	v38 =	vmul.f32 v38, v38;
	v42 =	vadd.f32 v52, v42;
	v27 =	vadd.f32 v27, v48;
	v29 =	vld.idx.msk [tilespmem:v29+s23+$0x0], $0xffff  }
0x292: {  	v24 =	vmul.f32 v24, v24;
	v26 =	vand.u32 $0x7FFFFFFF, v26;
	v47 =	vand.u32 $0x7FFFFFFF, v47;
	v28 =	vld.idx.msk [tilespmem:v28+s23+$0x0], $0xffff  }
0x293: {  	v23 =	vand.u32 $0x7FFFFFFF, v23;
	v26 =	vadd.f32 v26, v31;
	v48 =	vand.u32 $0x7FFFFFFF, v49;
	v31 =	vld.idx.msk [tilespmem:v22+s24+$0x0], $0xffff  }
0x294: {  	v34 =	vadd.f32 v34, v39;
	v39 =	vmul.f32 v43, v43;
	v35 =	vand.u32 $0x7FFFFFFF, v35;
	v43 =	vld.idx.msk [tilespmem:v22+s22+$0x0], $0xffff  }
0x295: {  	v30 =	vadd.f32 v44, v30;
	v23 =	vadd.f32 v23, v37;
	v37 =	vld.idx.msk [tilespmem:v40+s23+$0x0], $0xffff;
	v40 =	vmul.f32 v46, v46  }
0x296: {  	v45 =	vadd.f32 v45, v55;
	v49 =	vmul.f32 v32, v32;
	v25 =	vand.u32 $0x7FFFFFFF, v25;
	v44 =	vld.idx.msk [tilespmem:v20+s24+$0x0], $0xffff  }
0x297: {  	v36 =	vsub.f32 v57, v36;
	v26 =	vadd.f32 v26, v35;
	v29 =	vand.u32 $0x7FFFFFFF, v29;
	v22 =	vld.idx.msk [tilespmem:v22+s23+$0x0], $0xffff  }
0x298: {  	v24 =	vadd.f32 v56, v24;
	v27 =	vsub.f32 v27, v47;
	v28 =	vand.u32 $0x7FFFFFFF, v28  }
0x299: {  	v30 =	vadd.f32 v39, v30;
	v25 =	vsub.f32 v34, v25;
	v34 =	vand.u32 $0x7FFFFFFF, v36  }
0x29a: {  	v27 =	vmax.f32 v27, $0.0e+00;
	v32 =	vsub.f32 v46, v32;
	v36 =	vadd.f32 v40, v42;
	v35 =	vld.idx.msk [tilespmem:v19+s22+$0x0], $0xffff  }
0x29b: {  	v33 =	vadd.f32 v33, v45;
	v27 =	vmul.f32 v27, v27;
	v39 =	vld.idx.msk [tilespmem:v20+s23+$0x0], $0xffff;
	v20 =	vadd.f32 v34, v41  }
0x29c: {  	v23 =	vadd.f32 v23, v48;
	v40 =	vsub.f32 v43, v31;
	v41 =	vmul.f32 v43, v43;
	v34 =	vld.idx.msk [tilespmem:v19+s24+$0x0], $0xffff  }
0x29d: {  	v24 =	vadd.f32 v38, v24;
	v26 =	vsub.f32 v26, v29;
	v42 =	vand.u32 $0x7FFFFFFF, v44;
	v29 =	vld.idx.msk [tilespmem:v18+s22+$0x0], $0xffff  }
0x29e: {  	v31 =	vmul.f32 v31, v31;
	v22 =	vsub.f32 v40, v22;
	v33 =	vadd.f32 v41, v33  }
0x29f: {  	v23 =	vsub.f32 v23, v28;
	v25 =	vmax.f32 v25, $0.0e+00;
	v32 =	vsub.f32 v32, v37;
	v28 =	vld.idx.msk [tilespmem:v19+s23+$0x0], $0xffff  }
0x2a0: {  	v24 =	vadd.f32 v49, v24;
	v30 =	vadd.f32 v31, v30;
	v35 =	vand.u32 $0x7FFFFFFF, v35  }
0x2a1: {  	v23 =	vmax.f32 v23, $0.0e+00;
	v31 =	vadd.f32 v20, v42;
	v22 =	vand.u32 $0x7FFFFFFF, v22;
	v37 =	vld.idx.msk [tilespmem:v18+s24+$0x0], $0xffff  }
0x2a2: {  	v20 =	vadd.f32 v24, v30;
	v19 =	vadd.f32 v36, v33;
	v34 =	vand.u32 $0x7FFFFFFF, v34  }
0x2a3: {  	v22 =	vadd.f32 v22, v35;
	v29 =	vand.u32 $0x7FFFFFFF, v29;
	v24 =	vld.idx.msk [tilespmem:v18+s23+$0x0], $0xffff;
	v18 =	vand.u32 $0x7FFFFFFF, v32  }
0x2a4: {  	v26 =	vmax.f32 v26, $0.0e+00;
	v30 =	vld.idx.msk [tilespmem:v17+s23+$0x0], $0xffff;
	v17 =	vadd.f32 v18, v29;
	v18 =	vshra.s32 v19, $0x1  }
0x2a5: {  	v25 =	vmul.f32 v25, v25;
	v26 =	vmul.f32 v26, v26;
	v28 =	vand.u32 $0x7FFFFFFF, v28  }
0x2a6: {  	v22 =	vadd.f32 v22, v34;
	v29 =	vand.u32 $0x7FFFFFFF, v39;
	v18 =	vadd.s32 $0x1FBD1DF5, v18  }
0x2a7: {  	v25 =	vadd.f32 v26, v25;
	v26 =	vand.u32 $0x7FFFFFFF, v37;
	(erf) = vrcp.f32 v18  }
0x2a8: {  	v28 =	vsub.f32 v22, v28;
	v26 =	vadd.f32 v17, v26;
	v17 =	vshra.s32 v20, $0x1  }
0x2a9: {  	v22 =	vadd.f32 v27, v25;
	v24 =	vand.u32 $0x7FFFFFFF, v24;
	v17 =	vadd.s32 $0x1FBD1DF5, v17  }
0x2aa: {  	v25 =	vsub.f32 v31, v29;
	v24 =	vsub.f32 v26, v24;
	(erf) = vrcp.f32 v17  }
0x2ab: {  	v27 =	vmax.f32 v28, $0.0e+00;
	v26 =	vmul.f32 v23, v23;
	v23 =	vand.u32 $0x7FFFFFFF, v30  }
.Ltmp2:
0x2ac: {  	v25 =	vmax.f32 v25, $0.0e+00;
	v21 =	vsub.f32 v21, v23;
	v23 =	vmax.f32 v24, $0.0e+00;
	(pc) =	sbr.rel @p0 .LBB2_6-.Ltmp2, $4  }
0x2ad: {  	v25 =	vmul.f32 v25, v25;
	v23 =	vmul.f32 v23, v23  }
0x2ae: {  	v24 =	vmul.f32 v27, v27;
	v28 =	vmax.f32 v21, $0.0e+00  }
0x2af: {  	v25 =	vadd.f32 v25, v26;
	v26 =	vmul.f32 v28, v28  }
0x2b0: {  	v21 =	vpop (erf)  }
0x2b1: {  	v25 =	vadd.f32 v26, v25;
	_ =	sdelay $0x1  }
0x2b2: {  	v22 =	vadd.f32 v23, v22;
	v24 =	vadd.f32 v24, v25;
	_ =	sdelay $0x1  }
0x2b3: {  	v22 =	vadd.f32 v22, v24;
	_ =	sdelay $0x1  }
0x2b4: {  	v23 =	vshra.s32 v22, $0x1  }
0x2b5: {  	v23 =	vadd.s32 $0x1FBD1DF5, v23  }
0x2b6: {  	(erf) = vrcp.f32 v23;
	_ =	sdelay $0x2  }
0x2b7: {  	v24 =	vpop (erf)  }
0x2b8: {  	v24 =	vmul.f32 v24, v20  }
0x2b9: {  	v21 =	vmul.f32 v21, v19  }
0x2ba: {  	v17 =	vadd.f32 v17, v24  }
0x2bb: {  	v18 =	vadd.f32 v18, v21  }
0x2bc: {  	v17 =	vmul.f32 $5.000000000e-01, v17  }
0x2bd: {  	v18 =	vmul.f32 $5.000000000e-01, v18;
	v21 =	vpop (erf)  }
0x2be: {  	(erf) = vrcp.f32 v17;
	v21 =	vmul.f32 v21, v22  }
0x2bf: {  	(erf) = vrcp.f32 v18  }
0x2c0: {  	v21 =	vadd.f32 v23, v21;
	_ =	sdelay $0x1  }
0x2c1: {  	v21 =	vmul.f32 $5.000000000e-01, v21;
	_ =	sdelay $0x1  }
0x2c2: {  	(erf) = vrcp.f32 v21;
	_ =	sdelay $0x2  }
0x2c3: {  	v23 =	vpop (erf)  }
0x2c4: {  	v24 =	vpop (erf)  }
0x2c5: {  	v19 =	vmul.f32 v24, v19;
	_ =	sdelay $0x3  }
0x2c6: {  	v20 =	vmul.f32 v23, v20;
	v18 =	vadd.f32 v19, v18;
	v19 =	vpop (erf)  }
0x2c7: {  	v19 =	vmul.f32 v19, v22  }
0x2c8: {  	v17 =	vadd.f32 v20, v17;
	v18 =	vmul.f32 $5.000000000e-01, v18  }
0x2c9: {  	v19 =	vadd.f32 v19, v21  }
0x2ca: {  	v17 =	vmul.f32 $5.000000000e-01, v17;
	v18 =	vadd.f32 $-1.000000000e+00, v18  }
0x2cb: {  	v19 =	vmul.f32 $5.000000000e-01, v19  }
0x2cc: {  	v17 =	vadd.f32 $-1.000000000e+00, v17;
	v18 =	vand.u32 $0x7FFFFFFF, v18  }
0x2cd: {  	v18 =	vadd.f32 v19, v18  }
0x2ce: {  	v17 =	vand.u32 $0x7FFFFFFF, v17  }
0x2cf: {  	v17 =	vadd.f32 v18, v17;
	_ =	sdelay $0x1  }
0x2d0: {  	[tilespmem:s6+$0x0] =	vst v17  }
0x2d1: {  	s9 =	simm.s32 $0x0;
	_ =	swait.ge [sflag:s4], $0x4000  }
0x2d2: {  	v17 =	vmov s9;
	[sflag:s4] =	ssyncset.done $0x0  }
0x2d3: {  	v17 =	vshll.u32 v17, $0x7;
	[sflag:s4] =	ssyncadd.s32 $0xFFFFC000  }
0x2d4: {  	v18 =	vor.u32 v5, v17;
	_ =	swait.ge [sflag:s4], $0x4000  }
0x2d5: {  	v19 =	vor.u32 v3, v18;
	[sflag:s4] =	ssyncset.done $0x0  }
0x2d6: {  	v20 =	vor.u32 v9, v18;
	[sflag:s4] =	ssyncadd.s32 $0xFFFFC000  }
0x2d7: {  	v21 =	vor.u32 v2, v18;
	_ =	swait.ge [sflag:s4], $0x4000  }
0x2d8: {  	v22 =	vor.u32 v11, v18;
	[sflag:s4] =	ssyncset.done $0x0  }
0x2d9: {  	v17 =	vor.u32 v4, v18;
	[sflag:s4] =	ssyncadd.s32 $0xFFFFC000  }
0x2da: {  	v23 =	vld.idx.msk [tilespmem:v19+s31+$0x0], $0xffff  }
0x2db: {  	v24 =	vld.idx.msk [tilespmem:v20+s30+$0x0], $0xffff  }
0x2dc: {  	v25 =	vld.idx.msk [tilespmem:v21+s29+$0x0], $0xffff  }
0x2dd: {  	v26 =	vor.u32 v0, v18;
	v27 =	vld.idx.msk [tilespmem:v22+s30+$0x0], $0xffff  }
0x2de: {  	v28 =	vor.u32 v10, v18;
	v29 =	vld.idx.msk [tilespmem:v17+s29+$0x0], $0xffff  }
0x2df: {  	v30 =	vor.u32 v1, v18;
	v31 =	vld.idx.msk [tilespmem:v17+s31+$0x0], $0xffff  }
0x2e0: {  	v32 =	vor.u32 v7, v18;
	v33 =	vld.idx.msk [tilespmem:v22+s31+$0x0], $0xffff  }
0x2e1: {  	v22 =	vld.idx.msk [tilespmem:v22+s29+$0x0], $0xffff  }
0x2e2: {  	v34 =	vld.idx.msk [tilespmem:v26+s31+$0x0], $0xffff  }
0x2e3: {  	v35 =	vld.idx.msk [tilespmem:v28+s30+$0x0], $0xffff  }
0x2e4: {  	v36 =	vld.idx.msk [tilespmem:v30+s29+$0x0], $0xffff  }
0x2e5: {  	v37 =	vld.idx.msk [tilespmem:v32+s30+$0x0], $0xffff  }
0x2e6: {  	v38 =	vld.idx.msk [tilespmem:v28+s31+$0x0], $0xffff  }
0x2e7: {  	v28 =	vld.idx.msk [tilespmem:v28+s29+$0x0], $0xffff  }
0x2e8: {  	v40 =	vld.idx.msk [tilespmem:v26+s29+$0x0], $0xffff  }
0x2e9: {  	v39 =	vor.u32 v8, v18;
	v41 =	vld.idx.msk [tilespmem:v19+s29+$0x0], $0xffff  }
0x2ea: {  	v43 =	vor.u32 v12, v18;
	v42 =	vld.idx.msk [tilespmem:v32+s29+$0x0], $0xffff  }
0x2eb: {  	v32 =	vld.idx.msk [tilespmem:v32+s31+$0x0], $0xffff  }
0x2ec: {  	v44 =	vor.u32 v6, v18;
	v45 =	vor.u32 v13, v18;
	v50 =	vld.idx.msk [tilespmem:v20+s29+$0x0], $0xffff  }
0x2ed: {  	v48 =	vor.u32 v14, v18;
	v49 =	vor.u32 v16, v18;
	v18 =	vor.u32 v15, v18;
	v20 =	vld.idx.msk [tilespmem:v20+s31+$0x0], $0xffff  }
0x2ee: {  	v46 =	vld.idx.msk [tilespmem:v39+s31+$0x0], $0xffff;
	v47 =	vsub.f32 v28, v38;
	v34 =	vand.u32 $0x7FFFFFFF, v34;
	v36 =	vand.u32 $0x7FFFFFFF, v36  }
0x2ef: {  	v52 =	vld.idx.msk [tilespmem:v43+s29+$0x0], $0xffff;
	v40 =	vand.u32 $0x7FFFFFFF, v40;
	v29 =	vand.u32 $0x7FFFFFFF, v29;
	v31 =	vand.u32 $0x7FFFFFFF, v31  }
0x2f0: {  	v19 =	vld.idx.msk [tilespmem:v19+s30+$0x0], $0xffff;
	v51 =	vmul.f32 v22, v22;
	v53 =	vsub.f32 v42, v32;
	v42 =	vmul.f32 v42, v42  }
0x2f1: {  	v54 =	vld.idx.msk [tilespmem:v43+s31+$0x0], $0xffff;
	v22 =	vsub.f32 v22, v33;
	v60 =	vmul.f32 v50, v50;
	v28 =	vmul.f32 v28, v28  }
0x2f2: {  	v62 =	vld.idx.msk [tilespmem:v21+s31+$0x0], $0xffff;
	v55 =	vmul.f32 v41, v41;
	v56 =	vmul.f32 v20, v20;
	v20 =	vsub.f32 v50, v20  }
0x2f3: {  	v41 =	vsub.f32 v41, v23;
	v23 =	vmul.f32 v23, v23;
	v32 =	vmul.f32 v32, v32  }
0x2f4: {  	v63 =	vld.idx.msk [tilespmem:v44+s29+$0x0], $0xffff;
	v57 =	vmul.f32 v38, v38;
	v35 =	vsub.f32 v47, v35;
	v37 =	vsub.f32 v53, v37  }
0x2f5: {  	v43 =	vld.idx.msk [tilespmem:v43+s30+$0x0], $0xffff;
	v22 =	vsub.f32 v22, v27;
	v20 =	vsub.f32 v20, v24;
	v24 =	vand.u32 $0x7FFFFFFF, v25  }
0x2f6: {  	v61 =	vld.idx.msk [tilespmem:v44+s31+$0x0], $0xffff;
	v25 =	vand.u32 $0x7FFFFFFF, v52;
	v42 =	vadd.f32 v60, v42;
	v19 =	vsub.f32 v41, v19  }
0x2f7: {  	v59 =	vld.idx.msk [tilespmem:v45+s31+$0x0], $0xffff;
	v52 =	vmul.f32 v46, v46;
	v53 =	vand.u32 $0x7FFFFFFF, v54;
	v54 =	vand.u32 $0x7FFFFFFF, v62  }
0x2f8: {  	v47 =	vld.idx.msk [tilespmem:v39+s29+$0x0], $0xffff;
	v32 =	vadd.f32 v56, v32;
	v35 =	vand.u32 $0x7FFFFFFF, v35;
	v37 =	vand.u32 $0x7FFFFFFF, v37  }
0x2f9: {  	v26 =	vld.idx.msk [tilespmem:v26+s30+$0x0], $0xffff;
	v22 =	vand.u32 $0x7FFFFFFF, v22;
	v42 =	vadd.f32 v51, v42;
	v20 =	vand.u32 $0x7FFFFFFF, v20  }
0x2fa: {  	v21 =	vld.idx.msk [tilespmem:v21+s30+$0x0], $0xffff;
	v19 =	vand.u32 $0x7FFFFFFF, v19;
	v23 =	vadd.f32 v52, v23;
	v29 =	vadd.f32 v35, v29  }
0x2fb: {  	v62 =	vld.idx.msk [tilespmem:v45+s29+$0x0], $0xffff;
	v35 =	vand.u32 $0x7FFFFFFF, v63;
	v22 =	vadd.f32 v22, v25;
	v37 =	vadd.f32 v37, v40  }
0x2fc: {  	v44 =	vld.idx.msk [tilespmem:v44+s30+$0x0], $0xffff;
	v33 =	vmul.f32 v33, v33;
	v20 =	vadd.f32 v20, v24;
	v19 =	vadd.f32 v19, v35  }
0x2fd: {  	v27 =	vld.idx.msk [tilespmem:v39+s30+$0x0], $0xffff;
	v56 =	vmul.f32 v59, v59;
	v23 =	vadd.f32 v57, v23;
	v39 =	vsub.f32 v47, v46  }
0x2fe: {  	v51 =	vld.idx.msk [tilespmem:v45+s30+$0x0], $0xffff;
	v29 =	vadd.f32 v29, v31;
	v63 =	vmul.f32 v47, v47;
	v22 =	vadd.f32 v22, v53  }
0x2ff: {  	v52 =	vld.idx.msk [tilespmem:v48+s29+$0x0], $0xffff;
	v31 =	vand.u32 $0x7FFFFFFF, v61;
	v24 =	vadd.f32 v37, v34;
	v20 =	vadd.f32 v20, v54  }
0x300: {  	v43 =	vand.u32 $0x7FFFFFFF, v43;
	v25 =	vld.idx.msk [tilespmem:v18+s31+$0x0], $0xffff;
	v53 =	vsub.f32 v62, v59;
	v19 =	vadd.f32 v19, v31  }
0x301: {  	v26 =	vand.u32 $0x7FFFFFFF, v26;
	v23 =	vadd.f32 v56, v23;
	v60 =	vadd.f32 v63, v55  }
0x302: {  	v21 =	vand.u32 $0x7FFFFFFF, v21;
	v47 =	vld.idx.msk [tilespmem:v18+s29+$0x0], $0xffff;
	v27 =	vsub.f32 v39, v27;
	v22 =	vsub.f32 v22, v43  }
0x303: {  	v50 =	vand.u32 $0x7FFFFFFF, v44;
	v24 =	vsub.f32 v24, v26;
	v21 =	vsub.f32 v20, v21  }
0x304: {  	v18 =	vld.idx.msk [tilespmem:v18+s30+$0x0], $0xffff;
	v54 =	vmul.f32 v62, v62;
	v20 =	vadd.f32 v33, v32;
	v31 =	vsub.f32 v53, v51  }
0x305: {  	v57 =	vand.u32 $0x7FFFFFFF, v52;
	v61 =	vmul.f32 v25, v25;
	v19 =	vsub.f32 v19, v50  }
0x306: {  	v63 =	vld.idx.msk [tilespmem:v30+s31+$0x0], $0xffff;
	v26 =	vand.u32 $0x7FFFFFFF, v27;
	v22 =	vmax.f32 v22, $0.0e+00;
	v28 =	vadd.f32 v28, v60  }
0x307: {  	v55 =	vld.idx.msk [tilespmem:v48+s31+$0x0], $0xffff;
	v24 =	vmax.f32 v24, $0.0e+00;
	v21 =	vmax.f32 v21, $0.0e+00;
	v25 =	vsub.f32 v47, v25  }
0x308: {  	v30 =	vld.idx.msk [tilespmem:v30+s30+$0x0], $0xffff;
	v58 =	vmul.f32 v47, v47;
	v26 =	vadd.f32 v26, v36;
	v22 =	vmul.f32 v22, v22  }
0x309: {  	v20 =	vadd.f32 v61, v20;
	v59 =	vmax.f32 v19, $0.0e+00;
	v18 =	vsub.f32 v25, v18;
	v25 =	vld.idx.msk [tilespmem:v49+s29+$0x0], $0xffff  }
0x30a: {  	v60 =	vld.idx.msk [tilespmem:v49+s31+$0x0], $0xffff;
	v24 =	vmul.f32 v24, v24;
	v28 =	vadd.f32 v54, v28;
	v27 =	vadd.f32 v58, v42  }
0x30b: {  	v34 =	vand.u32 $0x7FFFFFFF, v63;
	v20 =	vadd.f32 v20, v23;
	v63 =	vld.idx.msk [tilespmem:v17+s30+$0x0], $0xffff;
	v17 =	vmul.f32 v21, v21  }
0x30c: {  	v58 =	vld.idx.msk [tilespmem:v48+s30+$0x0], $0xffff;
	v26 =	vadd.f32 v26, v34;
	v19 =	vadd.f32 v27, v28;
	v27 =	vand.u32 $0x7FFFFFFF, v31  }
0x30d: {  	v62 =	vld.idx.msk [tilespmem:v49+s30+$0x0], $0xffff;
	v61 =	vand.u32 $0x7FFFFFFF, v55;
	v17 =	vadd.f32 v17, v24;
	v23 =	vadd.f32 v27, v57  }
0x30e: {  	v27 =	vand.u32 $0x7FFFFFFF, v18;
	v18 =	vshra.s32 v19, $0x1;
	v25 =	vand.u32 $0x7FFFFFFF, v25  }
0x30f: {  	v24 =	vand.u32 $0x7FFFFFFF, v60;
	v18 =	vadd.s32 $0x1FBD1DF5, v18;
	v21 =	vadd.f32 v27, v25  }
0x310: {  	v22 =	vadd.f32 v22, v17;
	v23 =	vadd.f32 v23, v61;
	(erf) = vrcp.f32 v18  }
0x311: {  	v25 =	vand.u32 $0x7FFFFFFF, v58;
	v27 =	vand.u32 $0x7FFFFFFF, v30;
	v21 =	vadd.f32 v21, v24  }
0x312: {  	v23 =	vsub.f32 v23, v25;
	v25 =	vand.u32 $0x7FFFFFFF, v62;
	v24 =	vshra.s32 v20, $0x1  }
0x313: {  	v17 =	vadd.s32 $0x1FBD1DF5, v24;
	v24 =	vand.u32 $0x7FFFFFFF, v63;
	v21 =	vsub.f32 v21, v25  }
0x314: {  	v26 =	vsub.f32 v26, v27;
	(erf) = vrcp.f32 v17;
	v24 =	vsub.f32 v29, v24  }
0x315: {  	v27 =	vmax.f32 v23, $0.0e+00;
	v21 =	vmax.f32 v21, $0.0e+00  }
0x316: {  	v25 =	vmax.f32 v26, $0.0e+00;
	v23 =	vmul.f32 v21, v21;
	v21 =	vmax.f32 v24, $0.0e+00  }
0x317: {  	v26 =	vmul.f32 v59, v59;
	v25 =	vmul.f32 v25, v25;
	_ =	sdelay $0x1  }
0x318: {  	s7 =	simm.s32 $0x18480;
	s8 =	simm.s32 $0x10;
	s6 =	simm.s32 $0x18480;
	v24 =	vmul.f32 v27, v27;
	v25 =	vadd.f32 v25, v26;
	v26 =	vmul.f32 v21, v21;
	v21 =	vpop (erf)  }
.LBB2_8:
0x319: {  	p0 =	sne.s32 s8, $0x70  }
0x31a: {  	v25 =	vadd.f32 v26, v25;
	s7 =	sadd.s32 $0x10, s7;
	s9 =	smov.u32 s8;
	s8 =	sadd.s32 $0x10, s8  }
0x31b: {  	_ = 	snop  }
0x31c: {  	v22 =	vadd.f32 v23, v22;
	v24 =	vadd.f32 v24, v25;
	v23 =	vpop (erf)  }
0x31d: {  	v23 =	vmul.f32 v23, v20  }
0x31e: {  	v22 =	vadd.f32 v22, v24  }
0x31f: {  	v17 =	vadd.f32 v17, v23  }
0x320: {  	v23 =	vshra.s32 v22, $0x1  }
0x321: {  	v23 =	vadd.s32 $0x1FBD1DF5, v23;
	v17 =	vmul.f32 $5.000000000e-01, v17  }
0x322: {  	(erf) = vrcp.f32 v23  }
0x323: {  	(erf) = vrcp.f32 v17;
	_ =	sdelay $0x5  }
0x324: {  	v25 =	vmul.f32 v21, v19;
	_ =	sdelay $0x1  }
0x325: {  	v18 =	vadd.f32 v18, v25;
	v21 =	vpop (erf)  }
0x326: {  	v21 =	vmul.f32 v21, v22;
	v24 =	vpop (erf)  }
0x327: {  	v18 =	vmul.f32 $5.000000000e-01, v18;
	v20 =	vmul.f32 v24, v20  }
0x328: {  	v21 =	vadd.f32 v23, v21  }
0x329: {  	v17 =	vadd.f32 v20, v17;
	(erf) = vrcp.f32 v18  }
0x32a: {  	v20 =	vmul.f32 $5.000000000e-01, v21  }
0x32b: {  	v17 =	vmul.f32 $5.000000000e-01, v17  }
0x32c: {  	(erf) = vrcp.f32 v20  }
0x32d: {  	v17 =	vadd.f32 $-1.000000000e+00, v17;
	_ =	sdelay $0x4  }
0x32e: {  	v21 =	vpop (erf)  }
0x32f: {  	v21 =	vmul.f32 v21, v19;
	_ =	sdelay $0x1  }
0x330: {  	v18 =	vadd.f32 v21, v18;
	v19 =	vpop (erf)  }
0x331: {  	v19 =	vmul.f32 v19, v22  }
0x332: {  	v18 =	vmul.f32 $5.000000000e-01, v18  }
0x333: {  	v21 =	vmov s9;
	v19 =	vadd.f32 v19, v20  }
0x334: {  	v20 =	vshll.u32 v21, $0x7;
	v18 =	vadd.f32 $-1.000000000e+00, v18  }
0x335: {  	v22 =	vand.u32 $0x7FFFFFFF, v17;
	v21 =	vor.u32 v5, v20;
	v19 =	vmul.f32 $5.000000000e-01, v19  }
0x336: {  	v23 =	vor.u32 v3, v21;
	v24 =	vor.u32 v7, v21;
	v17 =	vand.u32 $0x7FFFFFFF, v18  }
0x337: {  	v25 =	vor.u32 v0, v21;
	v26 =	vor.u32 v9, v21;
	v18 =	vadd.f32 v19, v17  }
0x338: {  	v20 =	vor.u32 v1, v21;
	v27 =	vor.u32 v11, v21;
	v17 =	vor.u32 v4, v21  }
0x339: {  	v28 =	vor.u32 v6, v21;
	v29 =	vor.u32 v2, v21;
	v30 =	vadd.f32 v18, v22  }
0x33a: {  	v19 =	vor.u32 v14, v21;
	v22 =	vor.u32 v13, v21;
	v18 =	vor.u32 v16, v21  }
0x33b: {  	[tilespmem:s6+$0x0] =	vst v30;
	s6 =	smov.u32 s7  }
0x33c: {  	v30 =	vld.idx.msk [tilespmem:v23+s31+$0x0], $0xffff  }
0x33d: {  	v31 =	vld.idx.msk [tilespmem:v26+s30+$0x0], $0xffff  }
0x33e: {  	v33 =	vor.u32 v10, v21;
	v32 =	vld.idx.msk [tilespmem:v29+s29+$0x0], $0xffff  }
0x33f: {  	v34 =	vld.idx.msk [tilespmem:v27+s30+$0x0], $0xffff  }
0x340: {  	v35 =	vld.idx.msk [tilespmem:v17+s29+$0x0], $0xffff  }
0x341: {  	v36 =	vor.u32 v8, v21;
	v37 =	vld.idx.msk [tilespmem:v17+s31+$0x0], $0xffff  }
0x342: {  	v38 =	vld.idx.msk [tilespmem:v27+s31+$0x0], $0xffff  }
0x343: {  	v27 =	vld.idx.msk [tilespmem:v27+s29+$0x0], $0xffff  }
0x344: {  	v39 =	vld.idx.msk [tilespmem:v25+s31+$0x0], $0xffff  }
0x345: {  	v40 =	vld.idx.msk [tilespmem:v33+s30+$0x0], $0xffff  }
0x346: {  	v41 =	vld.idx.msk [tilespmem:v20+s29+$0x0], $0xffff  }
0x347: {  	v42 =	vld.idx.msk [tilespmem:v24+s30+$0x0], $0xffff  }
0x348: {  	v43 =	vld.idx.msk [tilespmem:v33+s31+$0x0], $0xffff  }
0x349: {  	v33 =	vld.idx.msk [tilespmem:v33+s29+$0x0], $0xffff  }
0x34a: {  	v44 =	vld.idx.msk [tilespmem:v25+s29+$0x0], $0xffff  }
0x34b: {  	v45 =	vld.idx.msk [tilespmem:v23+s29+$0x0], $0xffff  }
0x34c: {  	v46 =	vld.idx.msk [tilespmem:v24+s29+$0x0], $0xffff  }
0x34d: {  	v47 =	vor.u32 v12, v21;
	v24 =	vld.idx.msk [tilespmem:v24+s31+$0x0], $0xffff  }
0x34e: {  	v48 =	vld.idx.msk [tilespmem:v36+s31+$0x0], $0xffff  }
0x34f: {  	v39 =	vand.u32 $0x7FFFFFFF, v39;
	v50 =	vsub.f32 v33, v43;
	v49 =	vld.idx.msk [tilespmem:v26+s29+$0x0], $0xffff  }
0x350: {  	v41 =	vand.u32 $0x7FFFFFFF, v41;
	v26 =	vld.idx.msk [tilespmem:v26+s31+$0x0], $0xffff  }
0x351: {  	v44 =	vand.u32 $0x7FFFFFFF, v44;
	v40 =	vsub.f32 v50, v40;
	v51 =	vld.idx.msk [tilespmem:v36+s29+$0x0], $0xffff  }
0x352: {  	v35 =	vand.u32 $0x7FFFFFFF, v35;
	v37 =	vand.u32 $0x7FFFFFFF, v37;
	v52 =	vmul.f32 v27, v27;
	v50 =	vld.idx.msk [tilespmem:v47+s29+$0x0], $0xffff  }
0x353: {  	v53 =	vsub.f32 v46, v24;
	v46 =	vmul.f32 v46, v46;
	v40 =	vand.u32 $0x7FFFFFFF, v40;
	v23 =	vld.idx.msk [tilespmem:v23+s30+$0x0], $0xffff  }
0x354: {  	v27 =	vsub.f32 v27, v38;
	v35 =	vadd.f32 v40, v35;
	v40 =	vor.u32 v15, v21;
	v54 =	vld.idx.msk [tilespmem:v28+s29+$0x0], $0xffff  }
0x355: {  	v33 =	vmul.f32 v33, v33;
	v21 =	vsub.f32 v53, v42;
	v42 =	vmul.f32 v49, v49;
	v53 =	vld.idx.msk [tilespmem:v47+s31+$0x0], $0xffff  }
0x356: {  	v27 =	vsub.f32 v27, v34;
	v55 =	vmul.f32 v45, v45;
	v56 =	vmul.f32 v26, v26;
	v36 =	vld.idx.msk [tilespmem:v36+s30+$0x0], $0xffff  }
0x357: {  	v26 =	vsub.f32 v49, v26;
	v34 =	vand.u32 $0x7FFFFFFF, v21;
	v57 =	vsub.f32 v51, v48;
	v47 =	vld.idx.msk [tilespmem:v47+s30+$0x0], $0xffff  }
0x358: {  	v27 =	vand.u32 $0x7FFFFFFF, v27;
	v45 =	vsub.f32 v45, v30;
	v21 =	vadd.f32 v35, v37;
	v49 =	vld.idx.msk [tilespmem:v28+s31+$0x0], $0xffff  }
0x359: {  	v26 =	vsub.f32 v26, v31;
	v31 =	vand.u32 $0x7FFFFFFF, v32;
	v32 =	vand.u32 $0x7FFFFFFF, v50;
	v35 =	vld.idx.msk [tilespmem:v29+s31+$0x0], $0xffff  }
0x35a: {  	v42 =	vadd.f32 v42, v46;
	v27 =	vadd.f32 v27, v32;
	v37 =	vand.u32 $0x7FFFFFFF, v54;
	v32 =	vld.idx.msk [tilespmem:v40+s31+$0x0], $0xffff  }
0x35b: {  	v30 =	vmul.f32 v30, v30;
	v23 =	vsub.f32 v45, v23;
	v45 =	vmul.f32 v51, v51;
	v46 =	vld.idx.msk [tilespmem:v40+s29+$0x0], $0xffff  }
0x35c: {  	v34 =	vadd.f32 v34, v44;
	v44 =	vmul.f32 v48, v48;
	v48 =	vand.u32 $0x7FFFFFFF, v53;
	v25 =	vld.idx.msk [tilespmem:v25+s30+$0x0], $0xffff  }
0x35d: {  	v38 =	vmul.f32 v38, v38;
	v42 =	vadd.f32 v52, v42;
	v27 =	vadd.f32 v27, v48;
	v29 =	vld.idx.msk [tilespmem:v29+s30+$0x0], $0xffff  }
0x35e: {  	v24 =	vmul.f32 v24, v24;
	v26 =	vand.u32 $0x7FFFFFFF, v26;
	v47 =	vand.u32 $0x7FFFFFFF, v47;
	v28 =	vld.idx.msk [tilespmem:v28+s30+$0x0], $0xffff  }
0x35f: {  	v23 =	vand.u32 $0x7FFFFFFF, v23;
	v26 =	vadd.f32 v26, v31;
	v48 =	vand.u32 $0x7FFFFFFF, v49;
	v31 =	vld.idx.msk [tilespmem:v22+s31+$0x0], $0xffff  }
0x360: {  	v34 =	vadd.f32 v34, v39;
	v39 =	vmul.f32 v43, v43;
	v35 =	vand.u32 $0x7FFFFFFF, v35;
	v43 =	vld.idx.msk [tilespmem:v22+s29+$0x0], $0xffff  }
0x361: {  	v30 =	vadd.f32 v44, v30;
	v23 =	vadd.f32 v23, v37;
	v37 =	vld.idx.msk [tilespmem:v40+s30+$0x0], $0xffff;
	v40 =	vmul.f32 v46, v46  }
0x362: {  	v45 =	vadd.f32 v45, v55;
	v49 =	vmul.f32 v32, v32;
	v25 =	vand.u32 $0x7FFFFFFF, v25;
	v44 =	vld.idx.msk [tilespmem:v20+s31+$0x0], $0xffff  }
0x363: {  	v36 =	vsub.f32 v57, v36;
	v26 =	vadd.f32 v26, v35;
	v29 =	vand.u32 $0x7FFFFFFF, v29;
	v22 =	vld.idx.msk [tilespmem:v22+s30+$0x0], $0xffff  }
0x364: {  	v24 =	vadd.f32 v56, v24;
	v27 =	vsub.f32 v27, v47;
	v28 =	vand.u32 $0x7FFFFFFF, v28  }
0x365: {  	v30 =	vadd.f32 v39, v30;
	v25 =	vsub.f32 v34, v25;
	v34 =	vand.u32 $0x7FFFFFFF, v36  }
0x366: {  	v27 =	vmax.f32 v27, $0.0e+00;
	v32 =	vsub.f32 v46, v32;
	v36 =	vadd.f32 v40, v42;
	v35 =	vld.idx.msk [tilespmem:v19+s29+$0x0], $0xffff  }
0x367: {  	v33 =	vadd.f32 v33, v45;
	v27 =	vmul.f32 v27, v27;
	v39 =	vld.idx.msk [tilespmem:v20+s30+$0x0], $0xffff;
	v20 =	vadd.f32 v34, v41  }
0x368: {  	v23 =	vadd.f32 v23, v48;
	v40 =	vsub.f32 v43, v31;
	v41 =	vmul.f32 v43, v43;
	v34 =	vld.idx.msk [tilespmem:v19+s31+$0x0], $0xffff  }
0x369: {  	v24 =	vadd.f32 v38, v24;
	v26 =	vsub.f32 v26, v29;
	v42 =	vand.u32 $0x7FFFFFFF, v44;
	v29 =	vld.idx.msk [tilespmem:v18+s29+$0x0], $0xffff  }
0x36a: {  	v31 =	vmul.f32 v31, v31;
	v22 =	vsub.f32 v40, v22;
	v33 =	vadd.f32 v41, v33  }
0x36b: {  	v23 =	vsub.f32 v23, v28;
	v25 =	vmax.f32 v25, $0.0e+00;
	v32 =	vsub.f32 v32, v37;
	v28 =	vld.idx.msk [tilespmem:v19+s30+$0x0], $0xffff  }
0x36c: {  	v24 =	vadd.f32 v49, v24;
	v30 =	vadd.f32 v31, v30;
	v35 =	vand.u32 $0x7FFFFFFF, v35  }
0x36d: {  	v23 =	vmax.f32 v23, $0.0e+00;
	v31 =	vadd.f32 v20, v42;
	v22 =	vand.u32 $0x7FFFFFFF, v22;
	v37 =	vld.idx.msk [tilespmem:v18+s31+$0x0], $0xffff  }
0x36e: {  	v20 =	vadd.f32 v24, v30;
	v19 =	vadd.f32 v36, v33;
	v34 =	vand.u32 $0x7FFFFFFF, v34  }
0x36f: {  	v22 =	vadd.f32 v22, v35;
	v29 =	vand.u32 $0x7FFFFFFF, v29;
	v24 =	vld.idx.msk [tilespmem:v18+s30+$0x0], $0xffff;
	v18 =	vand.u32 $0x7FFFFFFF, v32  }
0x370: {  	v26 =	vmax.f32 v26, $0.0e+00;
	v30 =	vld.idx.msk [tilespmem:v17+s30+$0x0], $0xffff;
	v17 =	vadd.f32 v18, v29;
	v18 =	vshra.s32 v19, $0x1  }
0x371: {  	v25 =	vmul.f32 v25, v25;
	v26 =	vmul.f32 v26, v26;
	v28 =	vand.u32 $0x7FFFFFFF, v28  }
0x372: {  	v22 =	vadd.f32 v22, v34;
	v29 =	vand.u32 $0x7FFFFFFF, v39;
	v18 =	vadd.s32 $0x1FBD1DF5, v18  }
0x373: {  	v25 =	vadd.f32 v26, v25;
	v26 =	vand.u32 $0x7FFFFFFF, v37;
	(erf) = vrcp.f32 v18  }
0x374: {  	v28 =	vsub.f32 v22, v28;
	v26 =	vadd.f32 v17, v26;
	v17 =	vshra.s32 v20, $0x1  }
0x375: {  	v22 =	vadd.f32 v27, v25;
	v24 =	vand.u32 $0x7FFFFFFF, v24;
	v17 =	vadd.s32 $0x1FBD1DF5, v17  }
0x376: {  	v25 =	vsub.f32 v31, v29;
	v24 =	vsub.f32 v26, v24;
	(erf) = vrcp.f32 v17  }
0x377: {  	v27 =	vmax.f32 v28, $0.0e+00;
	v26 =	vmul.f32 v23, v23;
	v23 =	vand.u32 $0x7FFFFFFF, v30  }
.Ltmp3:
0x378: {  	v25 =	vmax.f32 v25, $0.0e+00;
	v21 =	vsub.f32 v21, v23;
	v23 =	vmax.f32 v24, $0.0e+00;
	(pc) =	sbr.rel @p0 .LBB2_8-.Ltmp3, $4  }
0x379: {  	v25 =	vmul.f32 v25, v25;
	v23 =	vmul.f32 v23, v23  }
0x37a: {  	v24 =	vmul.f32 v27, v27;
	v28 =	vmax.f32 v21, $0.0e+00  }
0x37b: {  	v25 =	vadd.f32 v25, v26;
	v26 =	vmul.f32 v28, v28  }
0x37c: {  	v21 =	vpop (erf)  }
0x37d: {  	v25 =	vadd.f32 v26, v25;
	_ =	sdelay $0x1  }
0x37e: {  	v22 =	vadd.f32 v23, v22;
	v24 =	vadd.f32 v24, v25;
	_ =	sdelay $0x1  }
0x37f: {  	v22 =	vadd.f32 v22, v24;
	_ =	sdelay $0x1  }
0x380: {  	v58 =	vshra.s32 v22, $0x1  }
0x381: {  	v23 =	vadd.s32 $0x1FBD1DF5, v58  }
0x382: {  	(erf) = vrcp.f32 v23;
	_ =	sdelay $0x2  }
0x383: {  	v59 =	vpop (erf)  }
0x384: {  	v24 =	vmul.f32 v59, v20  }
0x385: {  	v21 =	vmul.f32 v21, v19  }
0x386: {  	v17 =	vadd.f32 v17, v24  }
0x387: {  	v18 =	vadd.f32 v18, v21  }
0x388: {  	v17 =	vmul.f32 $5.000000000e-01, v17  }
0x389: {  	v18 =	vmul.f32 $5.000000000e-01, v18;
	v60 =	vpop (erf)  }
0x38a: {  	(erf) = vrcp.f32 v17;
	v21 =	vmul.f32 v60, v22  }
0x38b: {  	(erf) = vrcp.f32 v18  }
0x38c: {  	v21 =	vadd.f32 v23, v21;
	_ =	sdelay $0x1  }
0x38d: {  	v21 =	vmul.f32 $5.000000000e-01, v21;
	_ =	sdelay $0x1  }
0x38e: {  	(erf) = vrcp.f32 v21;
	_ =	sdelay $0x2  }
0x38f: {  	v61 =	vpop (erf)  }
0x390: {  	v62 =	vpop (erf)  }
0x391: {  	v19 =	vmul.f32 v62, v19;
	_ =	sdelay $0x3  }
0x392: {  	v63 =	vmul.f32 v61, v20;
	v18 =	vadd.f32 v19, v18;
	v19 =	vpop (erf)  }
0x393: {  	v19 =	vmul.f32 v19, v22  }
0x394: {  	v17 =	vadd.f32 v63, v17;
	v18 =	vmul.f32 $5.000000000e-01, v18  }
0x395: {  	v19 =	vadd.f32 v19, v21  }
0x396: {  	v17 =	vmul.f32 $5.000000000e-01, v17;
	v18 =	vadd.f32 $-1.000000000e+00, v18  }
0x397: {  	v19 =	vmul.f32 $5.000000000e-01, v19  }
0x398: {  	v17 =	vadd.f32 $-1.000000000e+00, v17;
	v18 =	vand.u32 $0x7FFFFFFF, v18  }
0x399: {  	v18 =	vadd.f32 v19, v18  }
0x39a: {  	v17 =	vand.u32 $0x7FFFFFFF, v17  }
0x39b: {  	s5 =	sadd.s32 $0x1, s5;
	v17 =	vadd.f32 v18, v17  }
0x39c: {  	p0 =	sne.s32 s5, s18  }
.Ltmp4:
0x39d: {  	s9 =	simm.s32 $0x18300;
	[tilespmem:s6+$0x0] =	vst v17;
	(pc) =	sbr.rel @p0 .LBB2_1-.Ltmp4, $4  }
0x39e: {  	[hbm4b:s17+s3] =	stream.linear.scatter [tilespmem:s9], [sflag:$0x3], $0x200, $0x38;
	[tilespmem:$0x18500] =	vst v63  }
0x39f: {  	_ =	swait.ge [sflag:s19], $0x200  }
0x3a0: {  	[sflag:s19] =	ssyncset.done $0x0  }
0x3a1: {  	[sflag:s19] =	ssyncadd.s32 $0xFFFFFE00  }
0x3a2: {  	_ =	sfence.sel $0x180000  }
0x3a3: {  	[bflag:$0x0] =	sbarrier.arrive $0xFFFF  }
0x3a4: {  	_ =	strace $0x90000047  }
0x3a5: {  	s0 =	stileid.u32;
	[bflag:$0x2] =	sbarrier.arrive $0xFFFF  }
0x3a6: {  	p0 =	sne.s32 s0, $0x0;
	s0 =	rddreg [dreg:$0x4]  }
0x3a7: {  	s0 =	sadd.s32 @!p0 $0x100000, s0  }
0x3a8: {  	[sflag:s0] =	ssyncadd.tile.s32 @!p0 $0x1;
	_ =	shalt  }
.Lfunc_end2:
_tile_overlayer_lowered:
.L_overlay_start_2:
0x3a9: {  	(tag) =	ssettag $0x2  }
0x3aa: {  	s0 =	rddreg [dreg:$0x0];
	s2 =	stileid.u32  }
0x3ab: {  	s1 =	rddreg [dreg:$0x1];
	p0 =	sne.s32 s2, $0x0  }
0x3ac: {  	s3 =	rddreg [dreg:$0x2];
	[bflag:$0x3] =	sbarrier.arrive $0xFFFF;
	s2 =	simm.s32 @!p0 $0x1C03  }
0x3ad: {  	[timem:s3], [sflag:s2] =	dma.local @!p0 [hbm:s0], s1  }
0x3ae: {  	s0 =	simm.s32 @!p0 $0x3  }
0x3af: {  	_ =	swait.ge @!p0 [sflag:s0], s1  }
0x3b0: {  	s1 =	ssub.s32 @!p0 $0x0, s1;
	[sflag:s0] =	ssyncset.done @!p0 $0x0  }
0x3b1: {  	[sflag:s0] =	ssyncadd.s32 @!p0 s1  }
0x3b2: {  	[bflag:$0x3] =	sbarrier.arrive $0xFFFF  }
0x3b3: {  	_ =	shalt  }

</sc_bundles>
